<compile_context>
chip_gen: v7x
topology: tpu7x:2x2x1
jax: 0.10.2.dev20260603
libtpu: 0.0.44.dev20260713+nightly
codegen_flags: <defaults>
</compile_context>

<pallas_src>
import functools

import jax
import jax.numpy as jnp
from jax import lax
from jax.experimental import pallas as pl
from jax.experimental.pallas import tpu as pltpu
from jax.experimental.pallas import tpu_sc as plsc

N = 10000
E = 320000
D = 128
EPS = 1e-5
NEG_SLOPE = 0.01

NC, NS = 2, 16
NW = NC * NS
CH = 128
ECH = E // CH
NCH = 80
ECH2D = NW * NCH

BM = 5120
GRID = (N + BM - 1) // BM
NP = 10240

_mesh = plsc.VectorSubcoreMesh(
    core_axis_name="c", subcore_axis_name="s", num_cores=NC, num_subcores=NS)


@functools.partial(
    pl.kernel,
    out_type=jax.ShapeDtypeStruct((NC * NP,), jnp.float32),
    mesh=_mesh,
    scratch_types=[
        pltpu.VMEM_SHARED((NP,), jnp.float32),
        pltpu.VMEM((NCH, CH), jnp.int32),
        pltpu.VMEM((CH,), jnp.float32),
        pltpu.VMEM((NP // NS,), jnp.float32),
    ],
)
def _deg_kernel(dst2d_hbm, out_hbm, acc, didx, ones, zbuf):
    c = lax.axis_index("c")
    s = lax.axis_index("s")
    wid = s * NC + c

    one16 = jnp.full((16,), 1.0, dtype=jnp.float32)
    zero16 = jnp.zeros((16,), dtype=jnp.float32)

    @pl.loop(0, CH // 16)
    def _(i):
        ones[pl.ds(i * 16, 16)] = one16

    @pl.loop(0, NP // NS // 16)
    def _(i):
        zbuf[pl.ds(i * 16, 16)] = zero16
    pltpu.sync_copy(zbuf, acc.at[pl.ds(s * (NP // NS), NP // NS)])

    pltpu.sync_copy(dst2d_hbm.at[pl.ds(wid * NCH, NCH)], didx)

    plsc.subcore_barrier()

    @pl.loop(0, NCH)
    def _(k):
        pltpu.sync_copy(ones, acc.at[didx.at[k]], add=True)

    plsc.subcore_barrier()

    pltpu.sync_copy(acc.at[pl.ds(s * (NP // NS), NP // NS)], zbuf)
    pltpu.sync_copy(zbuf, out_hbm.at[pl.ds(c * NP + s * (NP // NS), NP // NS)])


def _dinv_col(deg_ref):
    deg = 1.0 + deg_ref[0:1, :] + deg_ref[1:2, :]
    return jnp.reshape(lax.rsqrt(deg), (BM, 1))


def _hs_body(deg_ref, x_ref, w_ref, hs_ref):
    h = jnp.dot(x_ref[...], w_ref[...], preferred_element_type=jnp.float32)
    hs_ref[...] = h * _dinv_col(deg_ref)


_hs_call = pl.pallas_call(
    _hs_body,
    grid=(GRID,),
    in_specs=[
        pl.BlockSpec((NC, BM), lambda i: (0, i)),
        pl.BlockSpec((BM, D), lambda i: (i, 0)),
        pl.BlockSpec((D, D), lambda i: (0, 0)),
    ],
    out_specs=pl.BlockSpec((BM, D), lambda i: (i, 0)),
    out_shape=jax.ShapeDtypeStruct((N, D), jnp.float32),
)


@functools.partial(
    pl.kernel,
    out_type=jax.ShapeDtypeStruct((NC * NP, D), jnp.float32),
    mesh=_mesh,
    scratch_types=[
        pltpu.VMEM_SHARED((NP, D), jnp.float32),
        pltpu.VMEM((4, 2, CH), jnp.int32),
        pltpu.VMEM((CH, D), jnp.float32),
        pltpu.VMEM((CH, D), jnp.float32),
        pltpu.SemaphoreType.DMA,
        pltpu.SemaphoreType.DMA,
        pltpu.SemaphoreType.DMA,
        pltpu.SemaphoreType.DMA,
        pltpu.SemaphoreType.DMA,
        pltpu.SemaphoreType.DMA,
        pltpu.SemaphoreType.DMA,
        pltpu.SemaphoreType.DMA,
    ],
)
def _agg_kernel(src_hbm, dst_hbm, hs_hbm, out_hbm, acc, idx,
                rows0, rows1, i0, i1, i2, i3, g0, g1, s0, s1):
    c = lax.axis_index("c")
    s = lax.axis_index("s")
    wid = s * NC + c
    rbufs = (rows0, rows1)
    isems = (i0, i1, i2, i3)
    gsems = (g0, g1)
    ssems = (s0, s1)

    zero16 = jnp.zeros((16,), dtype=jnp.float32)

    @pl.loop(0, CH)
    def _(r):
        @pl.loop(0, D // 16)
        def _(j):
            rows0[r, pl.ds(j * 16, 16)] = zero16

    rbase = s * (NP // NS)
    for k in range(5):
        pltpu.sync_copy(rows0, acc.at[pl.ds(rbase + k * CH, CH)])

    plsc.subcore_barrier()

    ebase = wid * NCH * CH

    def _idx_start(chunk, q):
        pltpu.async_copy(src_hbm.at[pl.ds(ebase + chunk * CH, CH)],
                         idx.at[q, 0], isems[q])
        pltpu.async_copy(dst_hbm.at[pl.ds(ebase + chunk * CH, CH)],
                         idx.at[q, 1], isems[q])

    def _idx_wait(chunk, q):
        pltpu.make_async_copy(src_hbm.at[pl.ds(ebase + chunk * CH, CH)],
                              idx.at[q, 0], isems[q]).wait()
        pltpu.make_async_copy(dst_hbm.at[pl.ds(ebase + chunk * CH, CH)],
                              idx.at[q, 1], isems[q]).wait()

    def _gather_start(chunk, q, b):
        pltpu.async_copy(hs_hbm.at[idx.at[q, 0]], rbufs[b], gsems[b])

    def _gather_wait(chunk, q, b):
        pltpu.make_async_copy(hs_hbm.at[idx.at[q, 0]],
                              rbufs[b], gsems[b]).wait()

    def _scatter_start(chunk, q, b):
        pltpu.async_copy(rbufs[b], acc.at[idx.at[q, 1]], ssems[b], add=True)

    def _scatter_wait(chunk, q, b):
        pltpu.make_async_copy(rbufs[b], acc.at[idx.at[q, 1]],
                              ssems[b]).wait()

    def _steady(i, q, b):
        qm1 = (q + 3) % 4
        qm2 = (q + 2) % 4
        _idx_wait(i, q)
        _scatter_wait(i - 2, qm2, b)
        _gather_start(i, q, b)
        _gather_wait(i - 1, qm1, 1 - b)
        _scatter_start(i - 1, qm1, 1 - b)

        @pl.when(i + 2 < NCH)
        def _():
            _idx_start(i + 2, qm2)

    _idx_start(0, 0)
    _idx_start(1, 1)

    _idx_wait(0, 0)
    _gather_start(0, 0, 0)
    _idx_start(2, 2)

    _idx_wait(1, 1)
    _gather_start(1, 1, 1)
    _gather_wait(0, 0, 0)
    _scatter_start(0, 0, 0)
    _idx_start(3, 3)

    _steady(2, 2, 0)
    _steady(3, 3, 1)

    @pl.loop(0, (NCH - 4) // 4)
    def _(k):
        for j in range(4):
            _steady(4 + 4 * k + j, j, j % 2)

    _gather_wait(NCH - 1, (NCH - 1) % 4, (NCH - 1) % 2)
    _scatter_start(NCH - 1, (NCH - 1) % 4, (NCH - 1) % 2)
    _scatter_wait(NCH - 2, (NCH - 2) % 4, (NCH - 2) % 2)
    _scatter_wait(NCH - 1, (NCH - 1) % 4, (NCH - 1) % 2)

    plsc.subcore_barrier()

    for k in range(5):
        pltpu.sync_copy(acc.at[pl.ds(rbase + k * CH, CH)], rows0)
        pltpu.sync_copy(rows0, out_hbm.at[pl.ds(c * NP + rbase + k * CH, CH)])


def _fin_body(y_ref, hs_ref, deg_ref, b_ref, gamma_ref, beta_ref, out_ref,
              z_s, acc_s, acc_q, scale_s, shift_s):
    p = pl.program_id(0)
    i = pl.program_id(1)

    @pl.when(p == 0)
    def _():
        t = ((y_ref[0] + y_ref[1] + hs_ref[...]) * _dinv_col(deg_ref)
             + b_ref[...])
        z = jnp.where(t >= 0, t, NEG_SLOPE * t)
        z_s[pl.ds(i * BM, BM), :] = z

        @pl.when(i == 0)
        def _():
            acc_s[...] = jnp.zeros_like(acc_s)
            acc_q[...] = jnp.zeros_like(acc_q)

        valid = (i * BM + lax.iota(jnp.int32, BM)[:, None]) < N
        zm = jnp.where(valid, z, 0.0)
        acc_s[...] += jnp.sum(zm, axis=0, keepdims=True)
        acc_q[...] += jnp.sum(zm * zm, axis=0, keepdims=True)

    @pl.when(jnp.logical_and(p == 1, i == 0))
    def _():
        mean = acc_s[...] * (1.0 / N)
        var = acc_q[...] * (1.0 / N) - mean * mean
        g_rstd = gamma_ref[...] * lax.rsqrt(var + EPS)
        scale_s[...] = g_rstd
        shift_s[...] = beta_ref[...] - mean * g_rstd

    @pl.when(p == 1)
    def _():
        out_ref[...] = z_s[pl.ds(i * BM, BM), :] * scale_s[...] + shift_s[...]


_fin_call = pl.pallas_call(
    _fin_body,
    grid=(2, GRID),
    in_specs=[
        pl.BlockSpec((NC, BM, D), lambda p, i: (0, i, 0)),
        pl.BlockSpec((BM, D), lambda p, i: (i, 0)),
        pl.BlockSpec((NC, BM), lambda p, i: (0, i)),
        pl.BlockSpec((1, D), lambda p, i: (0, 0)),
        pl.BlockSpec((1, D), lambda p, i: (0, 0)),
        pl.BlockSpec((1, D), lambda p, i: (0, 0)),
    ],
    out_specs=pl.BlockSpec((BM, D), lambda p, i: (jnp.where(p == 0, 0, i), 0)),
    out_shape=jax.ShapeDtypeStruct((N, D), jnp.float32),
    scratch_shapes=[
        pltpu.VMEM((GRID * BM, D), jnp.float32),
        pltpu.VMEM((1, D), jnp.float32),
        pltpu.VMEM((1, D), jnp.float32),
        pltpu.VMEM((1, D), jnp.float32),
        pltpu.VMEM((1, D), jnp.float32),
    ],
)


def kernel(x, edge_index, W, b, gamma, beta):
    npad = ECH2D * CH - E
    ar = jnp.arange(npad, dtype=jnp.int32)
    srcp = jnp.concatenate([edge_index[0], (ar * 37) % N])
    dstp = jnp.concatenate([edge_index[1], N + ar % (NP - N)])
    dst2d = dstp.reshape(ECH2D, CH)

    degp = _deg_kernel(dst2d).reshape(NC, NP)
    hs = _hs_call(degp, x, W)
    y = _agg_kernel(srcp, dstp, hs).reshape(NC, NP, D)
    return _fin_call(y, hs, degp, b.reshape(1, D), gamma.reshape(1, D),
                     beta.reshape(1, D))

# --- scband reference (transcript-rebuilt; emitter-appended) ---
"""Pipeline reference for scband-graph-conv-block-47321949667549 (READ-ONLY COPY).

The authoritative reference and input builder live on the scoring server;
editing this copy changes nothing except your own understanding.
"""

import jax, jax.numpy as jnp
import numpy as np

N = 10000
E = 320000
D_IN = 128
D_OUT = 128
EPS = 1e-5
NEG_SLOPE = 0.01


def setup_inputs(seed: int = 0) -> dict:
    key = jax.random.key(seed)
    k1, k2, k3 = jax.random.split(key, 3)
    x = jax.random.normal(k1, (N, D_IN), dtype=jnp.float32)
    edge_index = jax.random.randint(k2, (2, E), 0, N, dtype=jnp.int32)
    # GCNConv linear weight (Glorot-style init) and bias
    W = jax.random.normal(k3, (D_IN, D_OUT), dtype=jnp.float32) * (1.0 / np.sqrt(D_IN))
    b = jnp.zeros((D_OUT,), dtype=jnp.float32)
    # BatchNorm affine params
    gamma = jnp.ones((D_OUT,), dtype=jnp.float32)
    beta = jnp.zeros((D_OUT,), dtype=jnp.float32)
    return {"x": x, "edge_index": edge_index, "W": W, "b": b, "gamma": gamma, "beta": beta}


def reference(x, edge_index, W, b, gamma, beta):
    n = x.shape[0]
    # --- GCNConv: add self-loops, symmetric normalization ---
    loop = jnp.arange(n, dtype=edge_index.dtype)
    src = jnp.concatenate([edge_index[0], loop])
    dst = jnp.concatenate([edge_index[1], loop])
    h = x @ W
    deg = jnp.zeros((n,), dtype=jnp.float32).at[dst].add(1.0)
    dinv = jnp.where(deg > 0, jax.lax.rsqrt(deg), 0.0)
    norm = dinv[src] * dinv[dst]
    msg = h[src] * norm[:, None]
    out = jnp.zeros((n, h.shape[1]), dtype=jnp.float32).at[dst].add(msg)
    out = out + b
    # --- LeakyReLU ---
    out = jnp.where(out >= 0, out, NEG_SLOPE * out)
    # --- BatchNorm over node dimension (batch statistics) ---
    mean = out.mean(axis=0)
    var = out.var(axis=0)
    out = gamma * (out - mean) / jnp.sqrt(var + EPS) + beta
    return out

if __name__ == "__main__":
    import jax
    _d = setup_inputs()
    print(jax.jit(kernel)(*tuple(_d.values())))

</pallas_src>

<mosaic_0001>
#map = affine_map<(d0, d1) -> (0, 0)>
#map1 = affine_map<(d0, d1) -> (0)>
module attributes {stable_mosaic.version = 14 : i64} {
  func.func @_deg_kernel(%arg0: i32, %arg1: i32, %arg2: memref<2560x128xi32, #tpu.memory_space<hbm>>, %arg3: memref<20480xf32, #tpu.memory_space<hbm>>, %arg4: memref<10240xf32, #tpu.memory_space<vmem_shared>>, %arg5: memref<80x128xi32, #tpu.memory_space<vmem>>, %arg6: memref<128xf32, #tpu.memory_space<vmem>>, %arg7: memref<640xf32, #tpu.memory_space<vmem>>) attributes {dimension_semantics = [#tpu.dimension_semantics<core_parallel>, #tpu.dimension_semantics<subcore_parallel>], iteration_bounds = array<i64: 2, 16>, scalar_prefetch = 0 : i64, scratch_operands = 4 : i64, tpu.core_type = #tpu.core_type<sc_vector_subcore>, window_params = [{transform_indices = #map}, {transform_indices = #map1}]} {
    %mul3A = arith.constant 2 : i32
    %mul3A_0 = arith.muli %arg1, %mul3A : i32
    %add3A = arith.addi %mul3A_0, %arg0 : i32
    %broadcast_in_dim3A = arith.constant 1.000000e+00 : f32
    %broadcast_in_dim3A_1 = vector.broadcast %broadcast_in_dim3A : f32 to vector<16xf32>
    %broadcast_in_dim3A_2 = arith.constant 0.000000e+00 : f32
    %broadcast_in_dim3A_3 = vector.broadcast %broadcast_in_dim3A_2 : f32 to vector<16xf32>
    %scan3A = arith.constant 0 : i32
    %scan3A_4 = arith.constant 8 : i32
    %scan3A_5 = arith.addi %scan3A, %scan3A_4 : i32
    %scan3A_6 = arith.constant 1 : i32
    scf.for %scan3A_30 = %scan3A to %scan3A_5 step %scan3A_6  : i32 {
      %mul3A_31 = arith.constant 1 : i32
      %mul3A_32 = arith.muli %scan3A_30, %mul3A_31 : i32
      %add3A_33 = arith.constant 0 : i32
      %add3A_34 = arith.addi %add3A_33, %mul3A_32 : i32
      %mul3A_35 = arith.constant 16 : i32
      %mul3A_36 = arith.muli %add3A_34, %mul3A_35 : i32
      %swap3A = arith.index_cast %mul3A_36 : i32 to index
      %swap3A_37 = tpu.vector_load %arg6[%swap3A] {strides = array<i32>} : memref<128xf32, #tpu.memory_space<vmem>>, vector<16xf32>,
      %swap3A_38 = vector.shape_cast %swap3A_37 : vector<16xf32> to vector<16xf32>
      %swap3A_39 = vector.shape_cast %broadcast_in_dim3A_1 : vector<16xf32> to vector<16xf32>
      tpu.vector_store %arg6[%swap3A], %swap3A_39 {strides = array<i32>} : memref<128xf32, #tpu.memory_space<vmem>>, vector<16xf32>,
    }
    %scan3A_7 = arith.constant 8 : i32
    %scan3A_8 = arith.constant 0 : i32
    %scan3A_9 = arith.constant 40 : i32
    %scan3A_10 = arith.addi %scan3A_8, %scan3A_9 : i32
    %scan3A_11 = arith.constant 1 : i32
    scf.for %scan3A_30 = %scan3A_8 to %scan3A_10 step %scan3A_11  : i32 {
      %mul3A_31 = arith.constant 1 : i32
      %mul3A_32 = arith.muli %scan3A_30, %mul3A_31 : i32
      %add3A_33 = arith.constant 0 : i32
      %add3A_34 = arith.addi %add3A_33, %mul3A_32 : i32
      %mul3A_35 = arith.constant 16 : i32
      %mul3A_36 = arith.muli %add3A_34, %mul3A_35 : i32
      %swap3A = arith.index_cast %mul3A_36 : i32 to index
      %swap3A_37 = tpu.vector_load %arg7[%swap3A] {strides = array<i32>} : memref<640xf32, #tpu.memory_space<vmem>>, vector<16xf32>,
      %swap3A_38 = vector.shape_cast %swap3A_37 : vector<16xf32> to vector<16xf32>
      %swap3A_39 = vector.shape_cast %broadcast_in_dim3A_3 : vector<16xf32> to vector<16xf32>
      tpu.vector_store %arg7[%swap3A], %swap3A_39 {strides = array<i32>} : memref<640xf32, #tpu.memory_space<vmem>>, vector<16xf32>,
    }
    %scan3A_12 = arith.constant 40 : i32
    %mul3A_13 = arith.constant 640 : i32
    %mul3A_14 = arith.muli %arg1, %mul3A_13 : i32
    "tpu.region"() ({
      %run_scoped3A = tpu.sem_alloc : memref<!tpu.dma_semaphore, #tpu.memory_space<semaphore_mem>>
      %dma_start3A = tpu.memref_slice %arg4[%mul3A_14] : memref<10240xf32, #tpu.memory_space<vmem_shared>> -> memref<640xf32, #tpu.memory_space<vmem_shared>>
      %dma_start3A_30 = tpu.memref_slice %arg4[%mul3A_14] : memref<10240xf32, #tpu.memory_space<vmem_shared>> -> memref<640xf32, #tpu.memory_space<vmem_shared>>
      tpu.enqueue_dma source(%arg7 : memref<640xf32, #tpu.memory_space<vmem>>) target(%dma_start3A_30 : memref<640xf32, #tpu.memory_space<vmem_shared>>) target_semaphore(%run_scoped3A : memref<!tpu.dma_semaphore, #tpu.memory_space<semaphore_mem>>)
      %dma_wait3A = tpu.memref_slice %arg4[%mul3A_14] : memref<10240xf32, #tpu.memory_space<vmem_shared>> -> memref<640xf32, #tpu.memory_space<vmem_shared>>
      %dma_wait3A_31 = tpu.memref_slice %arg4[%mul3A_14] : memref<10240xf32, #tpu.memory_space<vmem_shared>> -> memref<640xf32, #tpu.memory_space<vmem_shared>>
      tpu.wait_dma2 semaphore(%run_scoped3A : memref<!tpu.dma_semaphore, #tpu.memory_space<semaphore_mem>>) src(%arg7 : memref<640xf32, #tpu.memory_space<vmem>>) dst(%dma_wait3A_31 : memref<640xf32, #tpu.memory_space<vmem_shared>>)
      tpu.yield
    }) : () -> ()
    %mul3A_15 = arith.constant 80 : i32
    %mul3A_16 = arith.muli %add3A, %mul3A_15 : i32
    "tpu.region"() ({
      %run_scoped3A = tpu.sem_alloc : memref<!tpu.dma_semaphore, #tpu.memory_space<semaphore_mem>>
      %dma_start3A = arith.constant 0 : i32
      %dma_start3A_30 = tpu.memref_slice %arg2[%mul3A_16, %dma_start3A] : memref<2560x128xi32, #tpu.memory_space<hbm>> -> memref<80x128xi32, #tpu.memory_space<hbm>>
      %dma_start3A_31 = arith.constant 0 : i32
      %dma_start3A_32 = tpu.memref_slice %arg2[%mul3A_16, %dma_start3A_31] : memref<2560x128xi32, #tpu.memory_space<hbm>> -> memref<80x128xi32, #tpu.memory_space<hbm>>
      tpu.enqueue_dma source(%dma_start3A_32 : memref<80x128xi32, #tpu.memory_space<hbm>>) target(%arg5 : memref<80x128xi32, #tpu.memory_space<vmem>>) target_semaphore(%run_scoped3A : memref<!tpu.dma_semaphore, #tpu.memory_space<semaphore_mem>>)
      %dma_wait3A = arith.constant 0 : i32
      %dma_wait3A_33 = tpu.memref_slice %arg2[%mul3A_16, %dma_wait3A] : memref<2560x128xi32, #tpu.memory_space<hbm>> -> memref<80x128xi32, #tpu.memory_space<hbm>>
      %dma_wait3A_34 = arith.constant 0 : i32
      %dma_wait3A_35 = tpu.memref_slice %arg2[%mul3A_16, %dma_wait3A_34] : memref<2560x128xi32, #tpu.memory_space<hbm>> -> memref<80x128xi32, #tpu.memory_space<hbm>>
      tpu.wait_dma2 semaphore(%run_scoped3A : memref<!tpu.dma_semaphore, #tpu.memory_space<semaphore_mem>>) src(%dma_wait3A_35 : memref<80x128xi32, #tpu.memory_space<hbm>>) dst(%arg5 : memref<80x128xi32, #tpu.memory_space<vmem>>)
      tpu.yield
    }) : () -> ()
    %barrier3A = arith.constant 0 : index
    tpu.barrier barrier_id(%barrier3A)
    %scan3A_17 = arith.constant 0 : i32
    %scan3A_18 = arith.constant 80 : i32
    %scan3A_19 = arith.addi %scan3A_17, %scan3A_18 : i32
    %scan3A_20 = arith.constant 1 : i32
    scf.for %scan3A_30 = %scan3A_17 to %scan3A_19 step %scan3A_20  : i32 {
      %mul3A_31 = arith.constant 1 : i32
      %mul3A_32 = arith.muli %scan3A_30, %mul3A_31 : i32
      %add3A_33 = arith.constant 0 : i32
      %add3A_34 = arith.addi %add3A_33, %mul3A_32 : i32
      "tpu.region"() ({
        %run_scoped3A = tpu.sem_alloc : memref<!tpu.dma_semaphore, #tpu.memory_space<semaphore_mem>>
        %dma_start3A = arith.constant 0 : i32
        %dma_start3A_35 = tpu.memref_slice %arg5[%add3A_34, %dma_start3A] : memref<80x128xi32, #tpu.memory_space<vmem>> -> memref<1x128xi32, #tpu.memory_space<vmem>>
        %dma_start3A_36 = tpu.memref_squeeze %dma_start3A_35 : memref<1x128xi32, #tpu.memory_space<vmem>> -> memref<128xi32, #tpu.memory_space<vmem>>
        %dma_start3A_37 = arith.constant 0 : i32
        %dma_start3A_38 = tpu.memref_slice %arg4[%dma_start3A_37] : memref<10240xf32, #tpu.memory_space<vmem_shared>> -> memref<10240xf32, #tpu.memory_space<vmem_shared>>
        tpu.enqueue_indirect_dma source(%arg6 : memref<128xf32, #tpu.memory_space<vmem>>) target(%dma_start3A_38 : memref<10240xf32, #tpu.memory_space<vmem_shared>>) offsets(%dma_start3A_36 : memref<128xi32, #tpu.memory_space<vmem>>) semaphore(%run_scoped3A : memref<!tpu.dma_semaphore, #tpu.memory_space<semaphore_mem>>) {add = true}
        %dma_wait3A = arith.constant 0 : i32
        %dma_wait3A_39 = tpu.memref_slice %arg5[%add3A_34, %dma_wait3A] : memref<80x128xi32, #tpu.memory_space<vmem>> -> memref<1x128xi32, #tpu.memory_space<vmem>>
        %dma_wait3A_40 = tpu.memref_squeeze %dma_wait3A_39 : memref<1x128xi32, #tpu.memory_space<vmem>> -> memref<128xi32, #tpu.memory_space<vmem>>
        %dma_wait3A_41 = arith.constant 0 : i32
        %dma_wait3A_42 = tpu.memref_slice %arg4[%dma_wait3A_41] : memref<10240xf32, #tpu.memory_space<vmem_shared>> -> memref<10240xf32, #tpu.memory_space<vmem_shared>>
        tpu.wait_indirect_dma semaphore(%run_scoped3A : memref<!tpu.dma_semaphore, #tpu.memory_space<semaphore_mem>>) src(%arg6 : memref<128xf32, #tpu.memory_space<vmem>>) dst(%dma_wait3A_42 : memref<10240xf32, #tpu.memory_space<vmem_shared>>)
        tpu.yield
      }) : () -> ()
    }
    %scan3A_21 = arith.constant 80 : i32
    %barrier3A_22 = arith.constant 0 : index
    tpu.barrier barrier_id(%barrier3A_22)
    %mul3A_23 = arith.constant 640 : i32
    %mul3A_24 = arith.muli %arg1, %mul3A_23 : i32
    "tpu.region"() ({
      %run_scoped3A = tpu.sem_alloc : memref<!tpu.dma_semaphore, #tpu.memory_space<semaphore_mem>>
      %dma_start3A = tpu.memref_slice %arg4[%mul3A_24] : memref<10240xf32, #tpu.memory_space<vmem_shared>> -> memref<640xf32, #tpu.memory_space<vmem_shared>>
      %dma_start3A_30 = tpu.memref_slice %arg4[%mul3A_24] : memref<10240xf32, #tpu.memory_space<vmem_shared>> -> memref<640xf32, #tpu.memory_space<vmem_shared>>
      tpu.enqueue_dma source(%dma_start3A_30 : memref<640xf32, #tpu.memory_space<vmem_shared>>) target(%arg7 : memref<640xf32, #tpu.memory_space<vmem>>) target_semaphore(%run_scoped3A : memref<!tpu.dma_semaphore, #tpu.memory_space<semaphore_mem>>)
      %dma_wait3A = tpu.memref_slice %arg4[%mul3A_24] : memref<10240xf32, #tpu.memory_space<vmem_shared>> -> memref<640xf32, #tpu.memory_space<vmem_shared>>
      %dma_wait3A_31 = tpu.memref_slice %arg4[%mul3A_24] : memref<10240xf32, #tpu.memory_space<vmem_shared>> -> memref<640xf32, #tpu.memory_space<vmem_shared>>
      tpu.wait_dma2 semaphore(%run_scoped3A : memref<!tpu.dma_semaphore, #tpu.memory_space<semaphore_mem>>) src(%dma_wait3A_31 : memref<640xf32, #tpu.memory_space<vmem_shared>>) dst(%arg7 : memref<640xf32, #tpu.memory_space<vmem>>)
      tpu.yield
    }) : () -> ()
    %mul3A_25 = arith.constant 10240 : i32
    %mul3A_26 = arith.muli %arg0, %mul3A_25 : i32
    %mul3A_27 = arith.constant 640 : i32
    %mul3A_28 = arith.muli %arg1, %mul3A_27 : i32
    %add3A_29 = arith.addi %mul3A_26, %mul3A_28 : i32
    "tpu.region"() ({
      %run_scoped3A = tpu.sem_alloc : memref<!tpu.dma_semaphore, #tpu.memory_space<semaphore_mem>>
      %dma_start3A = tpu.memref_slice %arg3[%add3A_29] : memref<20480xf32, #tpu.memory_space<hbm>> -> memref<640xf32, #tpu.memory_space<hbm>>
      %dma_start3A_30 = tpu.memref_slice %arg3[%add3A_29] : memref<20480xf32, #tpu.memory_space<hbm>> -> memref<640xf32, #tpu.memory_space<hbm>>
      tpu.enqueue_dma source(%arg7 : memref<640xf32, #tpu.memory_space<vmem>>) target(%dma_start3A_30 : memref<640xf32, #tpu.memory_space<hbm>>) target_semaphore(%run_scoped3A : memref<!tpu.dma_semaphore, #tpu.memory_space<semaphore_mem>>)
      %dma_wait3A = tpu.memref_slice %arg3[%add3A_29] : memref<20480xf32, #tpu.memory_space<hbm>> -> memref<640xf32, #tpu.memory_space<hbm>>
      %dma_wait3A_31 = tpu.memref_slice %arg3[%add3A_29] : memref<20480xf32, #tpu.memory_space<hbm>> -> memref<640xf32, #tpu.memory_space<hbm>>
      tpu.wait_dma2 semaphore(%run_scoped3A : memref<!tpu.dma_semaphore, #tpu.memory_space<semaphore_mem>>) src(%arg7 : memref<640xf32, #tpu.memory_space<vmem>>) dst(%dma_wait3A_31 : memref<640xf32, #tpu.memory_space<hbm>>)
      tpu.yield
    }) : () -> ()
    return
  }
}

#map = affine_map<(d0, d1) -> (0)>
#map1 = affine_map<(d0, d1) -> (0, 0)>
module attributes {stable_mosaic.version = 14 : i64} {
  func.func @_agg_kernel(%arg0: i32, %arg1: i32, %arg2: memref<327680xi32, #tpu.memory_space<hbm>>, %arg3: memref<327680xi32, #tpu.memory_space<hbm>>, %arg4: memref<10000x128xf32, #tpu.memory_space<hbm>>, %arg5: memref<20480x128xf32, #tpu.memory_space<hbm>>, %arg6: memref<10240x128xf32, #tpu.memory_space<vmem_shared>>, %arg7: memref<4x2x128xi32, #tpu.memory_space<vmem>>, %arg8: memref<128x128xf32, #tpu.memory_space<vmem>>, %arg9: memref<128x128xf32, #tpu.memory_space<vmem>>, %arg10: memref<!tpu.dma_semaphore, #tpu.memory_space<semaphore_mem>>, %arg11: memref<!tpu.dma_semaphore, #tpu.memory_space<semaphore_mem>>, %arg12: memref<!tpu.dma_semaphore, #tpu.memory_space<semaphore_mem>>, %arg13: memref<!tpu.dma_semaphore, #tpu.memory_space<semaphore_mem>>, %arg14: memref<!tpu.dma_semaphore, #tpu.memory_space<semaphore_mem>>, %arg15: memref<!tpu.dma_semaphore, #tpu.memory_space<semaphore_mem>>, %arg16: memref<!tpu.dma_semaphore, #tpu.memory_space<semaphore_mem>>, %arg17: memref<!tpu.dma_semaphore, #tpu.memory_space<semaphore_mem>>) attributes {dimension_semantics = [#tpu.dimension_semantics<core_parallel>, #tpu.dimension_semantics<subcore_parallel>], iteration_bounds = array<i64: 2, 16>, scalar_prefetch = 0 : i64, scratch_operands = 12 : i64, tpu.core_type = #tpu.core_type<sc_vector_subcore>, window_params = [{transform_indices = #map}, {transform_indices = #map}, {transform_indices = #map1}, {transform_indices = #map1}]} {
    %mul3A = arith.constant 2 : i32
    %mul3A_0 = arith.muli %arg1, %mul3A : i32
    %add3A = arith.addi %mul3A_0, %arg0 : i32
    %broadcast_in_dim3A = arith.constant 0.000000e+00 : f32
    %broadcast_in_dim3A_1 = vector.broadcast %broadcast_in_dim3A : f32 to vector<16xf32>
    %scan3A = arith.constant 0 : i32
    %scan3A_2 = arith.constant 128 : i32
    %scan3A_3 = arith.addi %scan3A, %scan3A_2 : i32
    %scan3A_4 = arith.constant 1 : i32
    scf.for %scan3A_429 = %scan3A to %scan3A_3 step %scan3A_4  : i32 {
      %mul3A_430 = arith.constant 1 : i32
      %mul3A_431 = arith.muli %scan3A_429, %mul3A_430 : i32
      %add3A_432 = arith.constant 0 : i32
      %add3A_433 = arith.addi %add3A_432, %mul3A_431 : i32
      %scan3A_434 = arith.constant 0 : i32
      %scan3A_435 = arith.constant 8 : i32
      %scan3A_436 = arith.addi %scan3A_434, %scan3A_435 : i32
      %scan3A_437 = arith.constant 1 : i32
      scf.for %scan3A_439 = %scan3A_434 to %scan3A_436 step %scan3A_437  : i32 {
        %mul3A_440 = arith.constant 1 : i32
        %mul3A_441 = arith.muli %scan3A_439, %mul3A_440 : i32
        %add3A_442 = arith.constant 0 : i32
        %add3A_443 = arith.addi %add3A_442, %mul3A_441 : i32
        %mul3A_444 = arith.constant 16 : i32
        %mul3A_445 = arith.muli %add3A_443, %mul3A_444 : i32
        %swap3A = arith.index_cast %add3A_433 : i32 to index
        %swap3A_446 = arith.index_cast %mul3A_445 : i32 to index
        %swap3A_447 = tpu.vector_load %arg8[%swap3A, %swap3A_446] {strides = array<i32>} : memref<128x128xf32, #tpu.memory_space<vmem>>, vector<1x16xf32>,
        %swap3A_448 = vector.shape_cast %swap3A_447 : vector<1x16xf32> to vector<16xf32>
        %swap3A_449 = vector.shape_cast %broadcast_in_dim3A_1 : vector<16xf32> to vector<1x16xf32>
        tpu.vector_store %arg8[%swap3A, %swap3A_446], %swap3A_449 {strides = array<i32>} : memref<128x128xf32, #tpu.memory_space<vmem>>, vector<1x16xf32>,
      }
      %scan3A_438 = arith.constant 8 : i32
    }
    %scan3A_5 = arith.constant 128 : i32
    %mul3A_6 = arith.constant 640 : i32
    %mul3A_7 = arith.muli %arg1, %mul3A_6 : i32
    %add3A_8 = arith.constant 0 : i32
    %add3A_9 = arith.addi %mul3A_7, %add3A_8 : i32
    "tpu.region"() ({
      %run_scoped3A = tpu.sem_alloc : memref<!tpu.dma_semaphore, #tpu.memory_space<semaphore_mem>>
      %dma_start3A_429 = arith.constant 0 : i32
      %dma_start3A_430 = tpu.memref_slice %arg6[%add3A_9, %dma_start3A_429] : memref<10240x128xf32, #tpu.memory_space<vmem_shared>> -> memref<128x128xf32, #tpu.memory_space<vmem_shared>>
      %dma_start3A_431 = arith.constant 0 : i32
      %dma_start3A_432 = tpu.memref_slice %arg6[%add3A_9, %dma_start3A_431] : memref<10240x128xf32, #tpu.memory_space<vmem_shared>> -> memref<128x128xf32, #tpu.memory_space<vmem_shared>>
      tpu.enqueue_dma source(%arg8 : memref<128x128xf32, #tpu.memory_space<vmem>>) target(%dma_start3A_432 : memref<128x128xf32, #tpu.memory_space<vmem_shared>>) target_semaphore(%run_scoped3A : memref<!tpu.dma_semaphore, #tpu.memory_space<semaphore_mem>>)
      %dma_wait3A_433 = arith.constant 0 : i32
      %dma_wait3A_434 = tpu.memref_slice %arg6[%add3A_9, %dma_wait3A_433] : memref<10240x128xf32, #tpu.memory_space<vmem_shared>> -> memref<128x128xf32, #tpu.memory_space<vmem_shared>>
      %dma_wait3A_435 = arith.constant 0 : i32
      %dma_wait3A_436 = tpu.memref_slice %arg6[%add3A_9, %dma_wait3A_435] : memref<10240x128xf32, #tpu.memory_space<vmem_shared>> -> memref<128x128xf32, #tpu.memory_space<vmem_shared>>
      tpu.wait_dma2 semaphore(%run_scoped3A : memref<!tpu.dma_semaphore, #tpu.memory_space<semaphore_mem>>) src(%arg8 : memref<128x128xf32, #tpu.memory_space<vmem>>) dst(%dma_wait3A_436 : memref<128x128xf32, #tpu.memory_space<vmem_shared>>)
      tpu.yield
    }) : () -> ()
    %add3A_10 = arith.constant 128 : i32
    %add3A_11 = arith.addi %mul3A_7, %add3A_10 : i32
    "tpu.region"() ({
      %run_scoped3A = tpu.sem_alloc : memref<!tpu.dma_semaphore, #tpu.memory_space<semaphore_mem>>
      %dma_start3A_429 = arith.constant 0 : i32
      %dma_start3A_430 = tpu.memref_slice %arg6[%add3A_11, %dma_start3A_429] : memref<10240x128xf32, #tpu.memory_space<vmem_shared>> -> memref<128x128xf32, #tpu.memory_space<vmem_shared>>
      %dma_start3A_431 = arith.constant 0 : i32
      %dma_start3A_432 = tpu.memref_slice %arg6[%add3A_11, %dma_start3A_431] : memref<10240x128xf32, #tpu.memory_space<vmem_shared>> -> memref<128x128xf32, #tpu.memory_space<vmem_shared>>
      tpu.enqueue_dma source(%arg8 : memref<128x128xf32, #tpu.memory_space<vmem>>) target(%dma_start3A_432 : memref<128x128xf32, #tpu.memory_space<vmem_shared>>) target_semaphore(%run_scoped3A : memref<!tpu.dma_semaphore, #tpu.memory_space<semaphore_mem>>)
      %dma_wait3A_433 = arith.constant 0 : i32
      %dma_wait3A_434 = tpu.memref_slice %arg6[%add3A_11, %dma_wait3A_433] : memref<10240x128xf32, #tpu.memory_space<vmem_shared>> -> memref<128x128xf32, #tpu.memory_space<vmem_shared>>
      %dma_wait3A_435 = arith.constant 0 : i32
      %dma_wait3A_436 = tpu.memref_slice %arg6[%add3A_11, %dma_wait3A_435] : memref<10240x128xf32, #tpu.memory_space<vmem_shared>> -> memref<128x128xf32, #tpu.memory_space<vmem_shared>>
      tpu.wait_dma2 semaphore(%run_scoped3A : memref<!tpu.dma_semaphore, #tpu.memory_space<semaphore_mem>>) src(%arg8 : memref<128x128xf32, #tpu.memory_space<vmem>>) dst(%dma_wait3A_436 : memref<128x128xf32, #tpu.memory_space<vmem_shared>>)
      tpu.yield
    }) : () -> ()
    %add3A_12 = arith.constant 256 : i32
    %add3A_13 = arith.addi %mul3A_7, %add3A_12 : i32
    "tpu.region"() ({
      %run_scoped3A = tpu.sem_alloc : memref<!tpu.dma_semaphore, #tpu.memory_space<semaphore_mem>>
      %dma_start3A_429 = arith.constant 0 : i32
      %dma_start3A_430 = tpu.memref_slice %arg6[%add3A_13, %dma_start3A_429] : memref<10240x128xf32, #tpu.memory_space<vmem_shared>> -> memref<128x128xf32, #tpu.memory_space<vmem_shared>>
      %dma_start3A_431 = arith.constant 0 : i32
      %dma_start3A_432 = tpu.memref_slice %arg6[%add3A_13, %dma_start3A_431] : memref<10240x128xf32, #tpu.memory_space<vmem_shared>> -> memref<128x128xf32, #tpu.memory_space<vmem_shared>>
      tpu.enqueue_dma source(%arg8 : memref<128x128xf32, #tpu.memory_space<vmem>>) target(%dma_start3A_432 : memref<128x128xf32, #tpu.memory_space<vmem_shared>>) target_semaphore(%run_scoped3A : memref<!tpu.dma_semaphore, #tpu.memory_space<semaphore_mem>>)
      %dma_wait3A_433 = arith.constant 0 : i32
      %dma_wait3A_434 = tpu.memref_slice %arg6[%add3A_13, %dma_wait3A_433] : memref<10240x128xf32, #tpu.memory_space<vmem_shared>> -> memref<128x128xf32, #tpu.memory_space<vmem_shared>>
      %dma_wait3A_435 = arith.constant 0 : i32
      %dma_wait3A_436 = tpu.memref_slice %arg6[%add3A_13, %dma_wait3A_435] : memref<10240x128xf32, #tpu.memory_space<vmem_shared>> -> memref<128x128xf32, #tpu.memory_space<vmem_shared>>
      tpu.wait_dma2 semaphore(%run_scoped3A : memref<!tpu.dma_semaphore, #tpu.memory_space<semaphore_mem>>) src(%arg8 : memref<128x128xf32, #tpu.memory_space<vmem>>) dst(%dma_wait3A_436 : memref<128x128xf32, #tpu.memory_space<vmem_shared>>)
      tpu.yield
    }) : () -> ()
    %add3A_14 = arith.constant 384 : i32
    %add3A_15 = arith.addi %mul3A_7, %add3A_14 : i32
    "tpu.region"() ({
      %run_scoped3A = tpu.sem_alloc : memref<!tpu.dma_semaphore, #tpu.memory_space<semaphore_mem>>
      %dma_start3A_429 = arith.constant 0 : i32
      %dma_start3A_430 = tpu.memref_slice %arg6[%add3A_15, %dma_start3A_429] : memref<10240x128xf32, #tpu.memory_space<vmem_shared>> -> memref<128x128xf32, #tpu.memory_space<vmem_shared>>
      %dma_start3A_431 = arith.constant 0 : i32
      %dma_start3A_432 = tpu.memref_slice %arg6[%add3A_15, %dma_start3A_431] : memref<10240x128xf32, #tpu.memory_space<vmem_shared>> -> memref<128x128xf32, #tpu.memory_space<vmem_shared>>
      tpu.enqueue_dma source(%arg8 : memref<128x128xf32, #tpu.memory_space<vmem>>) target(%dma_start3A_432 : memref<128x128xf32, #tpu.memory_space<vmem_shared>>) target_semaphore(%run_scoped3A : memref<!tpu.dma_semaphore, #tpu.memory_space<semaphore_mem>>)
      %dma_wait3A_433 = arith.constant 0 : i32
      %dma_wait3A_434 = tpu.memref_slice %arg6[%add3A_15, %dma_wait3A_433] : memref<10240x128xf32, #tpu.memory_space<vmem_shared>> -> memref<128x128xf32, #tpu.memory_space<vmem_shared>>
      %dma_wait3A_435 = arith.constant 0 : i32
      %dma_wait3A_436 = tpu.memref_slice %arg6[%add3A_15, %dma_wait3A_435] : memref<10240x128xf32, #tpu.memory_space<vmem_shared>> -> memref<128x128xf32, #tpu.memory_space<vmem_shared>>
      tpu.wait_dma2 semaphore(%run_scoped3A : memref<!tpu.dma_semaphore, #tpu.memory_space<semaphore_mem>>) src(%arg8 : memref<128x128xf32, #tpu.memory_space<vmem>>) dst(%dma_wait3A_436 : memref<128x128xf32, #tpu.memory_space<vmem_shared>>)
      tpu.yield
    }) : () -> ()
    %add3A_16 = arith.constant 512 : i32
    %add3A_17 = arith.addi %mul3A_7, %add3A_16 : i32
    "tpu.region"() ({
      %run_scoped3A = tpu.sem_alloc : memref<!tpu.dma_semaphore, #tpu.memory_space<semaphore_mem>>
      %dma_start3A_429 = arith.constant 0 : i32
      %dma_start3A_430 = tpu.memref_slice %arg6[%add3A_17, %dma_start3A_429] : memref<10240x128xf32, #tpu.memory_space<vmem_shared>> -> memref<128x128xf32, #tpu.memory_space<vmem_shared>>
      %dma_start3A_431 = arith.constant 0 : i32
      %dma_start3A_432 = tpu.memref_slice %arg6[%add3A_17, %dma_start3A_431] : memref<10240x128xf32, #tpu.memory_space<vmem_shared>> -> memref<128x128xf32, #tpu.memory_space<vmem_shared>>
      tpu.enqueue_dma source(%arg8 : memref<128x128xf32, #tpu.memory_space<vmem>>) target(%dma_start3A_432 : memref<128x128xf32, #tpu.memory_space<vmem_shared>>) target_semaphore(%run_scoped3A : memref<!tpu.dma_semaphore, #tpu.memory_space<semaphore_mem>>)
      %dma_wait3A_433 = arith.constant 0 : i32
      %dma_wait3A_434 = tpu.memref_slice %arg6[%add3A_17, %dma_wait3A_433] : memref<10240x128xf32, #tpu.memory_space<vmem_shared>> -> memref<128x128xf32, #tpu.memory_space<vmem_shared>>
      %dma_wait3A_435 = arith.constant 0 : i32
      %dma_wait3A_436 = tpu.memref_slice %arg6[%add3A_17, %dma_wait3A_435] : memref<10240x128xf32, #tpu.memory_space<vmem_shared>> -> memref<128x128xf32, #tpu.memory_space<vmem_shared>>
      tpu.wait_dma2 semaphore(%run_scoped3A : memref<!tpu.dma_semaphore, #tpu.memory_space<semaphore_mem>>) src(%arg8 : memref<128x128xf32, #tpu.memory_space<vmem>>) dst(%dma_wait3A_436 : memref<128x128xf32, #tpu.memory_space<vmem_shared>>)
      tpu.yield
    }) : () -> ()
    %barrier3A = arith.constant 0 : index
    tpu.barrier barrier_id(%barrier3A)
    %mul3A_18 = arith.constant 80 : i32
    %mul3A_19 = arith.muli %add3A, %mul3A_18 : i32
    %mul3A_20 = arith.constant 128 : i32
    %mul3A_21 = arith.muli %mul3A_19, %mul3A_20 : i32
    %add3A_22 = arith.constant 0 : i32
    %add3A_23 = arith.addi %mul3A_21, %add3A_22 : i32
    %dma_start3A = arith.constant 0 : i32
    %dma_start3A_24 = arith.constant 0 : i32
    %dma_start3A_25 = arith.constant 0 : i32
    %dma_start3A_26 = tpu.memref_slice %arg7[%dma_start3A, %dma_start3A_24, %dma_start3A_25] : memref<4x2x128xi32, #tpu.memory_space<vmem>> -> memref<1x1x128xi32, #tpu.memory_space<vmem>>
    %dma_start3A_27 = tpu.memref_squeeze %dma_start3A_26 : memref<1x1x128xi32, #tpu.memory_space<vmem>> -> memref<128xi32, #tpu.memory_space<vmem>>
    %dma_start3A_28 = tpu.memref_slice %arg2[%add3A_23] : memref<327680xi32, #tpu.memory_space<hbm>> -> memref<128xi32, #tpu.memory_space<hbm>>
    %dma_start3A_29 = arith.constant 0 : i32
    %dma_start3A_30 = tpu.memref_slice %arg7[%dma_start3A, %dma_start3A_24, %dma_start3A_29] : memref<4x2x128xi32, #tpu.memory_space<vmem>> -> memref<1x1x128xi32, #tpu.memory_space<vmem>>
    %dma_start3A_31 = tpu.memref_squeeze %dma_start3A_30 : memref<1x1x128xi32, #tpu.memory_space<vmem>> -> memref<128xi32, #tpu.memory_space<vmem>>
    %dma_start3A_32 = tpu.memref_slice %arg2[%add3A_23] : memref<327680xi32, #tpu.memory_space<hbm>> -> memref<128xi32, #tpu.memory_space<hbm>>
    tpu.enqueue_dma source(%dma_start3A_32 : memref<128xi32, #tpu.memory_space<hbm>>) target(%dma_start3A_31 : memref<128xi32, #tpu.memory_space<vmem>>) target_semaphore(%arg10 : memref<!tpu.dma_semaphore, #tpu.memory_space<semaphore_mem>>)
    %add3A_33 = arith.constant 0 : i32
    %add3A_34 = arith.addi %mul3A_21, %add3A_33 : i32
    %dma_start3A_35 = arith.constant 0 : i32
    %dma_start3A_36 = arith.constant 1 : i32
    %dma_start3A_37 = arith.constant 0 : i32
    %dma_start3A_38 = tpu.memref_slice %arg7[%dma_start3A_35, %dma_start3A_36, %dma_start3A_37] : memref<4x2x128xi32, #tpu.memory_space<vmem>> -> memref<1x1x128xi32, #tpu.memory_space<vmem>>
    %dma_start3A_39 = tpu.memref_squeeze %dma_start3A_38 : memref<1x1x128xi32, #tpu.memory_space<vmem>> -> memref<128xi32, #tpu.memory_space<vmem>>
    %dma_start3A_40 = tpu.memref_slice %arg3[%add3A_34] : memref<327680xi32, #tpu.memory_space<hbm>> -> memref<128xi32, #tpu.memory_space<hbm>>
    %dma_start3A_41 = arith.constant 0 : i32
    %dma_start3A_42 = tpu.memref_slice %arg7[%dma_start3A_35, %dma_start3A_36, %dma_start3A_41] : memref<4x2x128xi32, #tpu.memory_space<vmem>> -> memref<1x1x128xi32, #tpu.memory_space<vmem>>
    %dma_start3A_43 = tpu.memref_squeeze %dma_start3A_42 : memref<1x1x128xi32, #tpu.memory_space<vmem>> -> memref<128xi32, #tpu.memory_space<vmem>>
    %dma_start3A_44 = tpu.memref_slice %arg3[%add3A_34] : memref<327680xi32, #tpu.memory_space<hbm>> -> memref<128xi32, #tpu.memory_space<hbm>>
    tpu.enqueue_dma source(%dma_start3A_44 : memref<128xi32, #tpu.memory_space<hbm>>) target(%dma_start3A_43 : memref<128xi32, #tpu.memory_space<vmem>>) target_semaphore(%arg10 : memref<!tpu.dma_semaphore, #tpu.memory_space<semaphore_mem>>)
    %add3A_45 = arith.constant 128 : i32
    %add3A_46 = arith.addi %mul3A_21, %add3A_45 : i32
    %dma_start3A_47 = arith.constant 1 : i32
    %dma_start3A_48 = arith.constant 0 : i32
    %dma_start3A_49 = arith.constant 0 : i32
    %dma_start3A_50 = tpu.memref_slice %arg7[%dma_start3A_47, %dma_start3A_48, %dma_start3A_49] : memref<4x2x128xi32, #tpu.memory_space<vmem>> -> memref<1x1x128xi32, #tpu.memory_space<vmem>>
    %dma_start3A_51 = tpu.memref_squeeze %dma_start3A_50 : memref<1x1x128xi32, #tpu.memory_space<vmem>> -> memref<128xi32, #tpu.memory_space<vmem>>
    %dma_start3A_52 = tpu.memref_slice %arg2[%add3A_46] : memref<327680xi32, #tpu.memory_space<hbm>> -> memref<128xi32, #tpu.memory_space<hbm>>
    %dma_start3A_53 = arith.constant 0 : i32
    %dma_start3A_54 = tpu.memref_slice %arg7[%dma_start3A_47, %dma_start3A_48, %dma_start3A_53] : memref<4x2x128xi32, #tpu.memory_space<vmem>> -> memref<1x1x128xi32, #tpu.memory_space<vmem>>
    %dma_start3A_55 = tpu.memref_squeeze %dma_start3A_54 : memref<1x1x128xi32, #tpu.memory_space<vmem>> -> memref<128xi32, #tpu.memory_space<vmem>>
    %dma_start3A_56 = tpu.memref_slice %arg2[%add3A_46] : memref<327680xi32, #tpu.memory_space<hbm>> -> memref<128xi32, #tpu.memory_space<hbm>>
    tpu.enqueue_dma source(%dma_start3A_56 : memref<128xi32, #tpu.memory_space<hbm>>) target(%dma_start3A_55 : memref<128xi32, #tpu.memory_space<vmem>>) target_semaphore(%arg11 : memref<!tpu.dma_semaphore, #tpu.memory_space<semaphore_mem>>)
    %add3A_57 = arith.constant 128 : i32
    %add3A_58 = arith.addi %mul3A_21, %add3A_57 : i32
    %dma_start3A_59 = arith.constant 1 : i32
    %dma_start3A_60 = arith.constant 1 : i32
    %dma_start3A_61 = arith.constant 0 : i32
    %dma_start3A_62 = tpu.memref_slice %arg7[%dma_start3A_59, %dma_start3A_60, %dma_start3A_61] : memref<4x2x128xi32, #tpu.memory_space<vmem>> -> memref<1x1x128xi32, #tpu.memory_space<vmem>>
    %dma_start3A_63 = tpu.memref_squeeze %dma_start3A_62 : memref<1x1x128xi32, #tpu.memory_space<vmem>> -> memref<128xi32, #tpu.memory_space<vmem>>
    %dma_start3A_64 = tpu.memref_slice %arg3[%add3A_58] : memref<327680xi32, #tpu.memory_space<hbm>> -> memref<128xi32, #tpu.memory_space<hbm>>
    %dma_start3A_65 = arith.constant 0 : i32
    %dma_start3A_66 = tpu.memref_slice %arg7[%dma_start3A_59, %dma_start3A_60, %dma_start3A_65] : memref<4x2x128xi32, #tpu.memory_space<vmem>> -> memref<1x1x128xi32, #tpu.memory_space<vmem>>
    %dma_start3A_67 = tpu.memref_squeeze %dma_start3A_66 : memref<1x1x128xi32, #tpu.memory_space<vmem>> -> memref<128xi32, #tpu.memory_space<vmem>>
    %dma_start3A_68 = tpu.memref_slice %arg3[%add3A_58] : memref<327680xi32, #tpu.memory_space<hbm>> -> memref<128xi32, #tpu.memory_space<hbm>>
    tpu.enqueue_dma source(%dma_start3A_68 : memref<128xi32, #tpu.memory_space<hbm>>) target(%dma_start3A_67 : memref<128xi32, #tpu.memory_space<vmem>>) target_semaphore(%arg11 : memref<!tpu.dma_semaphore, #tpu.memory_space<semaphore_mem>>)
    %add3A_69 = arith.constant 0 : i32
    %add3A_70 = arith.addi %mul3A_21, %add3A_69 : i32
    %dma_wait3A = arith.constant 0 : i32
    %dma_wait3A_71 = arith.constant 0 : i32
    %dma_wait3A_72 = arith.constant 0 : i32
    %dma_wait3A_73 = tpu.memref_slice %arg7[%dma_wait3A, %dma_wait3A_71, %dma_wait3A_72] : memref<4x2x128xi32, #tpu.memory_space<vmem>> -> memref<1x1x128xi32, #tpu.memory_space<vmem>>
    %dma_wait3A_74 = tpu.memref_squeeze %dma_wait3A_73 : memref<1x1x128xi32, #tpu.memory_space<vmem>> -> memref<128xi32, #tpu.memory_space<vmem>>
    %dma_wait3A_75 = tpu.memref_slice %arg2[%add3A_70] : memref<327680xi32, #tpu.memory_space<hbm>> -> memref<128xi32, #tpu.memory_space<hbm>>
    %dma_wait3A_76 = arith.constant 0 : i32
    %dma_wait3A_77 = tpu.memref_slice %arg7[%dma_wait3A, %dma_wait3A_71, %dma_wait3A_76] : memref<4x2x128xi32, #tpu.memory_space<vmem>> -> memref<1x1x128xi32, #tpu.memory_space<vmem>>
    %dma_wait3A_78 = tpu.memref_squeeze %dma_wait3A_77 : memref<1x1x128xi32, #tpu.memory_space<vmem>> -> memref<128xi32, #tpu.memory_space<vmem>>
    %dma_wait3A_79 = tpu.memref_slice %arg2[%add3A_70] : memref<327680xi32, #tpu.memory_space<hbm>> -> memref<128xi32, #tpu.memory_space<hbm>>
    tpu.wait_dma2 semaphore(%arg10 : memref<!tpu.dma_semaphore, #tpu.memory_space<semaphore_mem>>) src(%dma_wait3A_79 : memref<128xi32, #tpu.memory_space<hbm>>) dst(%dma_wait3A_78 : memref<128xi32, #tpu.memory_space<vmem>>)
    %add3A_80 = arith.constant 0 : i32
    %add3A_81 = arith.addi %mul3A_21, %add3A_80 : i32
    %dma_wait3A_82 = arith.constant 0 : i32
    %dma_wait3A_83 = arith.constant 1 : i32
    %dma_wait3A_84 = arith.constant 0 : i32
    %dma_wait3A_85 = tpu.memref_slice %arg7[%dma_wait3A_82, %dma_wait3A_83, %dma_wait3A_84] : memref<4x2x128xi32, #tpu.memory_space<vmem>> -> memref<1x1x128xi32, #tpu.memory_space<vmem>>
    %dma_wait3A_86 = tpu.memref_squeeze %dma_wait3A_85 : memref<1x1x128xi32, #tpu.memory_space<vmem>> -> memref<128xi32, #tpu.memory_space<vmem>>
    %dma_wait3A_87 = tpu.memref_slice %arg3[%add3A_81] : memref<327680xi32, #tpu.memory_space<hbm>> -> memref<128xi32, #tpu.memory_space<hbm>>
    %dma_wait3A_88 = arith.constant 0 : i32
    %dma_wait3A_89 = tpu.memref_slice %arg7[%dma_wait3A_82, %dma_wait3A_83, %dma_wait3A_88] : memref<4x2x128xi32, #tpu.memory_space<vmem>> -> memref<1x1x128xi32, #tpu.memory_space<vmem>>
    %dma_wait3A_90 = tpu.memref_squeeze %dma_wait3A_89 : memref<1x1x128xi32, #tpu.memory_space<vmem>> -> memref<128xi32, #tpu.memory_space<vmem>>
    %dma_wait3A_91 = tpu.memref_slice %arg3[%add3A_81] : memref<327680xi32, #tpu.memory_space<hbm>> -> memref<128xi32, #tpu.memory_space<hbm>>
    tpu.wait_dma2 semaphore(%arg10 : memref<!tpu.dma_semaphore, #tpu.memory_space<semaphore_mem>>) src(%dma_wait3A_91 : memref<128xi32, #tpu.memory_space<hbm>>) dst(%dma_wait3A_90 : memref<128xi32, #tpu.memory_space<vmem>>)
    %dma_start3A_92 = arith.constant 0 : i32
    %dma_start3A_93 = arith.constant 0 : i32
    %dma_start3A_94 = arith.constant 0 : i32
    %dma_start3A_95 = tpu.memref_slice %arg7[%dma_start3A_92, %dma_start3A_93, %dma_start3A_94] : memref<4x2x128xi32, #tpu.memory_space<vmem>> -> memref<1x1x128xi32, #tpu.memory_space<vmem>>
    %dma_start3A_96 = tpu.memref_squeeze %dma_start3A_95 : memref<1x1x128xi32, #tpu.memory_space<vmem>> -> memref<128xi32, #tpu.memory_space<vmem>>
    %dma_start3A_97 = arith.constant 0 : i32
    %dma_start3A_98 = arith.constant 0 : i32
    %dma_start3A_99 = tpu.memref_slice %arg4[%dma_start3A_97, %dma_start3A_98] : memref<10000x128xf32, #tpu.memory_space<hbm>> -> memref<10000x128xf32, #tpu.memory_space<hbm>>
    tpu.enqueue_indirect_dma source(%dma_start3A_99 : memref<10000x128xf32, #tpu.memory_space<hbm>>) target(%arg8 : memref<128x128xf32, #tpu.memory_space<vmem>>) offsets(%dma_start3A_96 : memref<128xi32, #tpu.memory_space<vmem>>) semaphore(%arg14 : memref<!tpu.dma_semaphore, #tpu.memory_space<semaphore_mem>>)
    %add3A_100 = arith.constant 256 : i32
    %add3A_101 = arith.addi %mul3A_21, %add3A_100 : i32
    %dma_start3A_102 = arith.constant 2 : i32
    %dma_start3A_103 = arith.constant 0 : i32
    %dma_start3A_104 = arith.constant 0 : i32
    %dma_start3A_105 = tpu.memref_slice %arg7[%dma_start3A_102, %dma_start3A_103, %dma_start3A_104] : memref<4x2x128xi32, #tpu.memory_space<vmem>> -> memref<1x1x128xi32, #tpu.memory_space<vmem>>
    %dma_start3A_106 = tpu.memref_squeeze %dma_start3A_105 : memref<1x1x128xi32, #tpu.memory_space<vmem>> -> memref<128xi32, #tpu.memory_space<vmem>>
    %dma_start3A_107 = tpu.memref_slice %arg2[%add3A_101] : memref<327680xi32, #tpu.memory_space<hbm>> -> memref<128xi32, #tpu.memory_space<hbm>>
    %dma_start3A_108 = arith.constant 0 : i32
    %dma_start3A_109 = tpu.memref_slice %arg7[%dma_start3A_102, %dma_start3A_103, %dma_start3A_108] : memref<4x2x128xi32, #tpu.memory_space<vmem>> -> memref<1x1x128xi32, #tpu.memory_space<vmem>>
    %dma_start3A_110 = tpu.memref_squeeze %dma_start3A_109 : memref<1x1x128xi32, #tpu.memory_space<vmem>> -> memref<128xi32, #tpu.memory_space<vmem>>
    %dma_start3A_111 = tpu.memref_slice %arg2[%add3A_101] : memref<327680xi32, #tpu.memory_space<hbm>> -> memref<128xi32, #tpu.memory_space<hbm>>
    tpu.enqueue_dma source(%dma_start3A_111 : memref<128xi32, #tpu.memory_space<hbm>>) target(%dma_start3A_110 : memref<128xi32, #tpu.memory_space<vmem>>) target_semaphore(%arg12 : memref<!tpu.dma_semaphore, #tpu.memory_space<semaphore_mem>>)
    %add3A_112 = arith.constant 256 : i32
    %add3A_113 = arith.addi %mul3A_21, %add3A_112 : i32
    %dma_start3A_114 = arith.constant 2 : i32
    %dma_start3A_115 = arith.constant 1 : i32
    %dma_start3A_116 = arith.constant 0 : i32
    %dma_start3A_117 = tpu.memref_slice %arg7[%dma_start3A_114, %dma_start3A_115, %dma_start3A_116] : memref<4x2x128xi32, #tpu.memory_space<vmem>> -> memref<1x1x128xi32, #tpu.memory_space<vmem>>
    %dma_start3A_118 = tpu.memref_squeeze %dma_start3A_117 : memref<1x1x128xi32, #tpu.memory_space<vmem>> -> memref<128xi32, #tpu.memory_space<vmem>>
    %dma_start3A_119 = tpu.memref_slice %arg3[%add3A_113] : memref<327680xi32, #tpu.memory_space<hbm>> -> memref<128xi32, #tpu.memory_space<hbm>>
    %dma_start3A_120 = arith.constant 0 : i32
    %dma_start3A_121 = tpu.memref_slice %arg7[%dma_start3A_114, %dma_start3A_115, %dma_start3A_120] : memref<4x2x128xi32, #tpu.memory_space<vmem>> -> memref<1x1x128xi32, #tpu.memory_space<vmem>>
    %dma_start3A_122 = tpu.memref_squeeze %dma_start3A_121 : memref<1x1x128xi32, #tpu.memory_space<vmem>> -> memref<128xi32, #tpu.memory_space<vmem>>
    %dma_start3A_123 = tpu.memref_slice %arg3[%add3A_113] : memref<327680xi32, #tpu.memory_space<hbm>> -> memref<128xi32, #tpu.memory_space<hbm>>
    tpu.enqueue_dma source(%dma_start3A_123 : memref<128xi32, #tpu.memory_space<hbm>>) target(%dma_start3A_122 : memref<128xi32, #tpu.memory_space<vmem>>) target_semaphore(%arg12 : memref<!tpu.dma_semaphore, #tpu.memory_space<semaphore_mem>>)
    %add3A_124 = arith.constant 128 : i32
    %add3A_125 = arith.addi %mul3A_21, %add3A_124 : i32
    %dma_wait3A_126 = arith.constant 1 : i32
    %dma_wait3A_127 = arith.constant 0 : i32
    %dma_wait3A_128 = arith.constant 0 : i32
    %dma_wait3A_129 = tpu.memref_slice %arg7[%dma_wait3A_126, %dma_wait3A_127, %dma_wait3A_128] : memref<4x2x128xi32, #tpu.memory_space<vmem>> -> memref<1x1x128xi32, #tpu.memory_space<vmem>>
    %dma_wait3A_130 = tpu.memref_squeeze %dma_wait3A_129 : memref<1x1x128xi32, #tpu.memory_space<vmem>> -> memref<128xi32, #tpu.memory_space<vmem>>
    %dma_wait3A_131 = tpu.memref_slice %arg2[%add3A_125] : memref<327680xi32, #tpu.memory_space<hbm>> -> memref<128xi32, #tpu.memory_space<hbm>>
    %dma_wait3A_132 = arith.constant 0 : i32
    %dma_wait3A_133 = tpu.memref_slice %arg7[%dma_wait3A_126, %dma_wait3A_127, %dma_wait3A_132] : memref<4x2x128xi32, #tpu.memory_space<vmem>> -> memref<1x1x128xi32, #tpu.memory_space<vmem>>
    %dma_wait3A_134 = tpu.memref_squeeze %dma_wait3A_133 : memref<1x1x128xi32, #tpu.memory_space<vmem>> -> memref<128xi32, #tpu.memory_space<vmem>>
    %dma_wait3A_135 = tpu.memref_slice %arg2[%add3A_125] : memref<327680xi32, #tpu.memory_space<hbm>> -> memref<128xi32, #tpu.memory_space<hbm>>
    tpu.wait_dma2 semaphore(%arg11 : memref<!tpu.dma_semaphore, #tpu.memory_space<semaphore_mem>>) src(%dma_wait3A_135 : memref<128xi32, #tpu.memory_space<hbm>>) dst(%dma_wait3A_134 : memref<128xi32, #tpu.memory_space<vmem>>)
    %add3A_136 = arith.constant 128 : i32
    %add3A_137 = arith.addi %mul3A_21, %add3A_136 : i32
    %dma_wait3A_138 = arith.constant 1 : i32
    %dma_wait3A_139 = arith.constant 1 : i32
    %dma_wait3A_140 = arith.constant 0 : i32
    %dma_wait3A_141 = tpu.memref_slice %arg7[%dma_wait3A_138, %dma_wait3A_139, %dma_wait3A_140] : memref<4x2x128xi32, #tpu.memory_space<vmem>> -> memref<1x1x128xi32, #tpu.memory_space<vmem>>
    %dma_wait3A_142 = tpu.memref_squeeze %dma_wait3A_141 : memref<1x1x128xi32, #tpu.memory_space<vmem>> -> memref<128xi32, #tpu.memory_space<vmem>>
    %dma_wait3A_143 = tpu.memref_slice %arg3[%add3A_137] : memref<327680xi32, #tpu.memory_space<hbm>> -> memref<128xi32, #tpu.memory_space<hbm>>
    %dma_wait3A_144 = arith.constant 0 : i32
    %dma_wait3A_145 = tpu.memref_slice %arg7[%dma_wait3A_138, %dma_wait3A_139, %dma_wait3A_144] : memref<4x2x128xi32, #tpu.memory_space<vmem>> -> memref<1x1x128xi32, #tpu.memory_space<vmem>>
    %dma_wait3A_146 = tpu.memref_squeeze %dma_wait3A_145 : memref<1x1x128xi32, #tpu.memory_space<vmem>> -> memref<128xi32, #tpu.memory_space<vmem>>
    %dma_wait3A_147 = tpu.memref_slice %arg3[%add3A_137] : memref<327680xi32, #tpu.memory_space<hbm>> -> memref<128xi32, #tpu.memory_space<hbm>>
    tpu.wait_dma2 semaphore(%arg11 : memref<!tpu.dma_semaphore, #tpu.memory_space<semaphore_mem>>) src(%dma_wait3A_147 : memref<128xi32, #tpu.memory_space<hbm>>) dst(%dma_wait3A_146 : memref<128xi32, #tpu.memory_space<vmem>>)
    %dma_start3A_148 = arith.constant 1 : i32
    %dma_start3A_149 = arith.constant 0 : i32
    %dma_start3A_150 = arith.constant 0 : i32
    %dma_start3A_151 = tpu.memref_slice %arg7[%dma_start3A_148, %dma_start3A_149, %dma_start3A_150] : memref<4x2x128xi32, #tpu.memory_space<vmem>> -> memref<1x1x128xi32, #tpu.memory_space<vmem>>
    %dma_start3A_152 = tpu.memref_squeeze %dma_start3A_151 : memref<1x1x128xi32, #tpu.memory_space<vmem>> -> memref<128xi32, #tpu.memory_space<vmem>>
    %dma_start3A_153 = arith.constant 0 : i32
    %dma_start3A_154 = arith.constant 0 : i32
    %dma_start3A_155 = tpu.memref_slice %arg4[%dma_start3A_153, %dma_start3A_154] : memref<10000x128xf32, #tpu.memory_space<hbm>> -> memref<10000x128xf32, #tpu.memory_space<hbm>>
    tpu.enqueue_indirect_dma source(%dma_start3A_155 : memref<10000x128xf32, #tpu.memory_space<hbm>>) target(%arg9 : memref<128x128xf32, #tpu.memory_space<vmem>>) offsets(%dma_start3A_152 : memref<128xi32, #tpu.memory_space<vmem>>) semaphore(%arg15 : memref<!tpu.dma_semaphore, #tpu.memory_space<semaphore_mem>>)
    %dma_wait3A_156 = arith.constant 0 : i32
    %dma_wait3A_157 = arith.constant 0 : i32
    %dma_wait3A_158 = arith.constant 0 : i32
    %dma_wait3A_159 = tpu.memref_slice %arg7[%dma_wait3A_156, %dma_wait3A_157, %dma_wait3A_158] : memref<4x2x128xi32, #tpu.memory_space<vmem>> -> memref<1x1x128xi32, #tpu.memory_space<vmem>>
    %dma_wait3A_160 = tpu.memref_squeeze %dma_wait3A_159 : memref<1x1x128xi32, #tpu.memory_space<vmem>> -> memref<128xi32, #tpu.memory_space<vmem>>
    %dma_wait3A_161 = arith.constant 0 : i32
    %dma_wait3A_162 = arith.constant 0 : i32
    %dma_wait3A_163 = tpu.memref_slice %arg4[%dma_wait3A_161, %dma_wait3A_162] : memref<10000x128xf32, #tpu.memory_space<hbm>> -> memref<10000x128xf32, #tpu.memory_space<hbm>>
    tpu.wait_indirect_dma semaphore(%arg14 : memref<!tpu.dma_semaphore, #tpu.memory_space<semaphore_mem>>) src(%dma_wait3A_163 : memref<10000x128xf32, #tpu.memory_space<hbm>>) dst(%arg8 : memref<128x128xf32, #tpu.memory_space<vmem>>)
    %dma_start3A_164 = arith.constant 0 : i32
    %dma_start3A_165 = arith.constant 1 : i32
    %dma_start3A_166 = arith.constant 0 : i32
    %dma_start3A_167 = tpu.memref_slice %arg7[%dma_start3A_164, %dma_start3A_165, %dma_start3A_166] : memref<4x2x128xi32, #tpu.memory_space<vmem>> -> memref<1x1x128xi32, #tpu.memory_space<vmem>>
    %dma_start3A_168 = tpu.memref_squeeze %dma_start3A_167 : memref<1x1x128xi32, #tpu.memory_space<vmem>> -> memref<128xi32, #tpu.memory_space<vmem>>
    %dma_start3A_169 = arith.constant 0 : i32
    %dma_start3A_170 = arith.constant 0 : i32
    %dma_start3A_171 = tpu.memref_slice %arg6[%dma_start3A_169, %dma_start3A_170] : memref<10240x128xf32, #tpu.memory_space<vmem_shared>> -> memref<10240x128xf32, #tpu.memory_space<vmem_shared>>
    tpu.enqueue_indirect_dma source(%arg8 : memref<128x128xf32, #tpu.memory_space<vmem>>) target(%dma_start3A_171 : memref<10240x128xf32, #tpu.memory_space<vmem_shared>>) offsets(%dma_start3A_168 : memref<128xi32, #tpu.memory_space<vmem>>) semaphore(%arg16 : memref<!tpu.dma_semaphore, #tpu.memory_space<semaphore_mem>>) {add = true}
    %add3A_172 = arith.constant 384 : i32
    %add3A_173 = arith.addi %mul3A_21, %add3A_172 : i32
    %dma_start3A_174 = arith.constant 3 : i32
    %dma_start3A_175 = arith.constant 0 : i32
    %dma_start3A_176 = arith.constant 0 : i32
    %dma_start3A_177 = tpu.memref_slice %arg7[%dma_start3A_174, %dma_start3A_175, %dma_start3A_176] : memref<4x2x128xi32, #tpu.memory_space<vmem>> -> memref<1x1x128xi32, #tpu.memory_space<vmem>>
    %dma_start3A_178 = tpu.memref_squeeze %dma_start3A_177 : memref<1x1x128xi32, #tpu.memory_space<vmem>> -> memref<128xi32, #tpu.memory_space<vmem>>
    %dma_start3A_179 = tpu.memref_slice %arg2[%add3A_173] : memref<327680xi32, #tpu.memory_space<hbm>> -> memref<128xi32, #tpu.memory_space<hbm>>
    %dma_start3A_180 = arith.constant 0 : i32
    %dma_start3A_181 = tpu.memref_slice %arg7[%dma_start3A_174, %dma_start3A_175, %dma_start3A_180] : memref<4x2x128xi32, #tpu.memory_space<vmem>> -> memref<1x1x128xi32, #tpu.memory_space<vmem>>
    %dma_start3A_182 = tpu.memref_squeeze %dma_start3A_181 : memref<1x1x128xi32, #tpu.memory_space<vmem>> -> memref<128xi32, #tpu.memory_space<vmem>>
    %dma_start3A_183 = tpu.memref_slice %arg2[%add3A_173] : memref<327680xi32, #tpu.memory_space<hbm>> -> memref<128xi32, #tpu.memory_space<hbm>>
    tpu.enqueue_dma source(%dma_start3A_183 : memref<128xi32, #tpu.memory_space<hbm>>) target(%dma_start3A_182 : memref<128xi32, #tpu.memory_space<vmem>>) target_semaphore(%arg13 : memref<!tpu.dma_semaphore, #tpu.memory_space<semaphore_mem>>)
    %add3A_184 = arith.constant 384 : i32
    %add3A_185 = arith.addi %mul3A_21, %add3A_184 : i32
    %dma_start3A_186 = arith.constant 3 : i32
    %dma_start3A_187 = arith.constant 1 : i32
    %dma_start3A_188 = arith.constant 0 : i32
    %dma_start3A_189 = tpu.memref_slice %arg7[%dma_start3A_186, %dma_start3A_187, %dma_start3A_188] : memref<4x2x128xi32, #tpu.memory_space<vmem>> -> memref<1x1x128xi32, #tpu.memory_space<vmem>>
    %dma_start3A_190 = tpu.memref_squeeze %dma_start3A_189 : memref<1x1x128xi32, #tpu.memory_space<vmem>> -> memref<128xi32, #tpu.memory_space<vmem>>
    %dma_start3A_191 = tpu.memref_slice %arg3[%add3A_185] : memref<327680xi32, #tpu.memory_space<hbm>> -> memref<128xi32, #tpu.memory_space<hbm>>
    %dma_start3A_192 = arith.constant 0 : i32
    %dma_start3A_193 = tpu.memref_slice %arg7[%dma_start3A_186, %dma_start3A_187, %dma_start3A_192] : memref<4x2x128xi32, #tpu.memory_space<vmem>> -> memref<1x1x128xi32, #tpu.memory_space<vmem>>
    %dma_start3A_194 = tpu.memref_squeeze %dma_start3A_193 : memref<1x1x128xi32, #tpu.memory_space<vmem>> -> memref<128xi32, #tpu.memory_space<vmem>>
    %dma_start3A_195 = tpu.memref_slice %arg3[%add3A_185] : memref<327680xi32, #tpu.memory_space<hbm>> -> memref<128xi32, #tpu.memory_space<hbm>>
    tpu.enqueue_dma source(%dma_start3A_195 : memref<128xi32, #tpu.memory_space<hbm>>) target(%dma_start3A_194 : memref<128xi32, #tpu.memory_space<vmem>>) target_semaphore(%arg13 : memref<!tpu.dma_semaphore, #tpu.memory_space<semaphore_mem>>)
    %add3A_196 = arith.constant 256 : i32
    %add3A_197 = arith.addi %mul3A_21, %add3A_196 : i32
    %dma_wait3A_198 = arith.constant 2 : i32
    %dma_wait3A_199 = arith.constant 0 : i32
    %dma_wait3A_200 = arith.constant 0 : i32
    %dma_wait3A_201 = tpu.memref_slice %arg7[%dma_wait3A_198, %dma_wait3A_199, %dma_wait3A_200] : memref<4x2x128xi32, #tpu.memory_space<vmem>> -> memref<1x1x128xi32, #tpu.memory_space<vmem>>
    %dma_wait3A_202 = tpu.memref_squeeze %dma_wait3A_201 : memref<1x1x128xi32, #tpu.memory_space<vmem>> -> memref<128xi32, #tpu.memory_space<vmem>>
    %dma_wait3A_203 = tpu.memref_slice %arg2[%add3A_197] : memref<327680xi32, #tpu.memory_space<hbm>> -> memref<128xi32, #tpu.memory_space<hbm>>
    %dma_wait3A_204 = arith.constant 0 : i32
    %dma_wait3A_205 = tpu.memref_slice %arg7[%dma_wait3A_198, %dma_wait3A_199, %dma_wait3A_204] : memref<4x2x128xi32, #tpu.memory_space<vmem>> -> memref<1x1x128xi32, #tpu.memory_space<vmem>>
    %dma_wait3A_206 = tpu.memref_squeeze %dma_wait3A_205 : memref<1x1x128xi32, #tpu.memory_space<vmem>> -> memref<128xi32, #tpu.memory_space<vmem>>
    %dma_wait3A_207 = tpu.memref_slice %arg2[%add3A_197] : memref<327680xi32, #tpu.memory_space<hbm>> -> memref<128xi32, #tpu.memory_space<hbm>>
    tpu.wait_dma2 semaphore(%arg12 : memref<!tpu.dma_semaphore, #tpu.memory_space<semaphore_mem>>) src(%dma_wait3A_207 : memref<128xi32, #tpu.memory_space<hbm>>) dst(%dma_wait3A_206 : memref<128xi32, #tpu.memory_space<vmem>>)
    %add3A_208 = arith.constant 256 : i32
    %add3A_209 = arith.addi %mul3A_21, %add3A_208 : i32
    %dma_wait3A_210 = arith.constant 2 : i32
    %dma_wait3A_211 = arith.constant 1 : i32
    %dma_wait3A_212 = arith.constant 0 : i32
    %dma_wait3A_213 = tpu.memref_slice %arg7[%dma_wait3A_210, %dma_wait3A_211, %dma_wait3A_212] : memref<4x2x128xi32, #tpu.memory_space<vmem>> -> memref<1x1x128xi32, #tpu.memory_space<vmem>>
    %dma_wait3A_214 = tpu.memref_squeeze %dma_wait3A_213 : memref<1x1x128xi32, #tpu.memory_space<vmem>> -> memref<128xi32, #tpu.memory_space<vmem>>
    %dma_wait3A_215 = tpu.memref_slice %arg3[%add3A_209] : memref<327680xi32, #tpu.memory_space<hbm>> -> memref<128xi32, #tpu.memory_space<hbm>>
    %dma_wait3A_216 = arith.constant 0 : i32
    %dma_wait3A_217 = tpu.memref_slice %arg7[%dma_wait3A_210, %dma_wait3A_211, %dma_wait3A_216] : memref<4x2x128xi32, #tpu.memory_space<vmem>> -> memref<1x1x128xi32, #tpu.memory_space<vmem>>
    %dma_wait3A_218 = tpu.memref_squeeze %dma_wait3A_217 : memref<1x1x128xi32, #tpu.memory_space<vmem>> -> memref<128xi32, #tpu.memory_space<vmem>>
    %dma_wait3A_219 = tpu.memref_slice %arg3[%add3A_209] : memref<327680xi32, #tpu.memory_space<hbm>> -> memref<128xi32, #tpu.memory_space<hbm>>
    tpu.wait_dma2 semaphore(%arg12 : memref<!tpu.dma_semaphore, #tpu.memory_space<semaphore_mem>>) src(%dma_wait3A_219 : memref<128xi32, #tpu.memory_space<hbm>>) dst(%dma_wait3A_218 : memref<128xi32, #tpu.memory_space<vmem>>)
    %dma_wait3A_220 = arith.constant 0 : i32
    %dma_wait3A_221 = arith.constant 1 : i32
    %dma_wait3A_222 = arith.constant 0 : i32
    %dma_wait3A_223 = tpu.memref_slice %arg7[%dma_wait3A_220, %dma_wait3A_221, %dma_wait3A_222] : memref<4x2x128xi32, #tpu.memory_space<vmem>> -> memref<1x1x128xi32, #tpu.memory_space<vmem>>
    %dma_wait3A_224 = tpu.memref_squeeze %dma_wait3A_223 : memref<1x1x128xi32, #tpu.memory_space<vmem>> -> memref<128xi32, #tpu.memory_space<vmem>>
    %dma_wait3A_225 = arith.constant 0 : i32
    %dma_wait3A_226 = arith.constant 0 : i32
    %dma_wait3A_227 = tpu.memref_slice %arg6[%dma_wait3A_225, %dma_wait3A_226] : memref<10240x128xf32, #tpu.memory_space<vmem_shared>> -> memref<10240x128xf32, #tpu.memory_space<vmem_shared>>
    tpu.wait_indirect_dma semaphore(%arg16 : memref<!tpu.dma_semaphore, #tpu.memory_space<semaphore_mem>>) src(%arg8 : memref<128x128xf32, #tpu.memory_space<vmem>>) dst(%dma_wait3A_227 : memref<10240x128xf32, #tpu.memory_space<vmem_shared>>)
    %dma_start3A_228 = arith.constant 2 : i32
    %dma_start3A_229 = arith.constant 0 : i32
    %dma_start3A_230 = arith.constant 0 : i32
    %dma_start3A_231 = tpu.memref_slice %arg7[%dma_start3A_228, %dma_start3A_229, %dma_start3A_230] : memref<4x2x128xi32, #tpu.memory_space<vmem>> -> memref<1x1x128xi32, #tpu.memory_space<vmem>>
    %dma_start3A_232 = tpu.memref_squeeze %dma_start3A_231 : memref<1x1x128xi32, #tpu.memory_space<vmem>> -> memref<128xi32, #tpu.memory_space<vmem>>
    %dma_start3A_233 = arith.constant 0 : i32
    %dma_start3A_234 = arith.constant 0 : i32
    %dma_start3A_235 = tpu.memref_slice %arg4[%dma_start3A_233, %dma_start3A_234] : memref<10000x128xf32, #tpu.memory_space<hbm>> -> memref<10000x128xf32, #tpu.memory_space<hbm>>
    tpu.enqueue_indirect_dma source(%dma_start3A_235 : memref<10000x128xf32, #tpu.memory_space<hbm>>) target(%arg8 : memref<128x128xf32, #tpu.memory_space<vmem>>) offsets(%dma_start3A_232 : memref<128xi32, #tpu.memory_space<vmem>>) semaphore(%arg14 : memref<!tpu.dma_semaphore, #tpu.memory_space<semaphore_mem>>)
    %dma_wait3A_236 = arith.constant 1 : i32
    %dma_wait3A_237 = arith.constant 0 : i32
    %dma_wait3A_238 = arith.constant 0 : i32
    %dma_wait3A_239 = tpu.memref_slice %arg7[%dma_wait3A_236, %dma_wait3A_237, %dma_wait3A_238] : memref<4x2x128xi32, #tpu.memory_space<vmem>> -> memref<1x1x128xi32, #tpu.memory_space<vmem>>
    %dma_wait3A_240 = tpu.memref_squeeze %dma_wait3A_239 : memref<1x1x128xi32, #tpu.memory_space<vmem>> -> memref<128xi32, #tpu.memory_space<vmem>>
    %dma_wait3A_241 = arith.constant 0 : i32
    %dma_wait3A_242 = arith.constant 0 : i32
    %dma_wait3A_243 = tpu.memref_slice %arg4[%dma_wait3A_241, %dma_wait3A_242] : memref<10000x128xf32, #tpu.memory_space<hbm>> -> memref<10000x128xf32, #tpu.memory_space<hbm>>
    tpu.wait_indirect_dma semaphore(%arg15 : memref<!tpu.dma_semaphore, #tpu.memory_space<semaphore_mem>>) src(%dma_wait3A_243 : memref<10000x128xf32, #tpu.memory_space<hbm>>) dst(%arg9 : memref<128x128xf32, #tpu.memory_space<vmem>>)
    %dma_start3A_244 = arith.constant 1 : i32
    %dma_start3A_245 = arith.constant 1 : i32
    %dma_start3A_246 = arith.constant 0 : i32
    %dma_start3A_247 = tpu.memref_slice %arg7[%dma_start3A_244, %dma_start3A_245, %dma_start3A_246] : memref<4x2x128xi32, #tpu.memory_space<vmem>> -> memref<1x1x128xi32, #tpu.memory_space<vmem>>
    %dma_start3A_248 = tpu.memref_squeeze %dma_start3A_247 : memref<1x1x128xi32, #tpu.memory_space<vmem>> -> memref<128xi32, #tpu.memory_space<vmem>>
    %dma_start3A_249 = arith.constant 0 : i32
    %dma_start3A_250 = arith.constant 0 : i32
    %dma_start3A_251 = tpu.memref_slice %arg6[%dma_start3A_249, %dma_start3A_250] : memref<10240x128xf32, #tpu.memory_space<vmem_shared>> -> memref<10240x128xf32, #tpu.memory_space<vmem_shared>>
    tpu.enqueue_indirect_dma source(%arg9 : memref<128x128xf32, #tpu.memory_space<vmem>>) target(%dma_start3A_251 : memref<10240x128xf32, #tpu.memory_space<vmem_shared>>) offsets(%dma_start3A_248 : memref<128xi32, #tpu.memory_space<vmem>>) semaphore(%arg17 : memref<!tpu.dma_semaphore, #tpu.memory_space<semaphore_mem>>) {add = true}
    %add3A_252 = arith.constant 512 : i32
    %add3A_253 = arith.addi %mul3A_21, %add3A_252 : i32
    %dma_start3A_254 = arith.constant 0 : i32
    %dma_start3A_255 = arith.constant 0 : i32
    %dma_start3A_256 = arith.constant 0 : i32
    %dma_start3A_257 = tpu.memref_slice %arg7[%dma_start3A_254, %dma_start3A_255, %dma_start3A_256] : memref<4x2x128xi32, #tpu.memory_space<vmem>> -> memref<1x1x128xi32, #tpu.memory_space<vmem>>
    %dma_start3A_258 = tpu.memref_squeeze %dma_start3A_257 : memref<1x1x128xi32, #tpu.memory_space<vmem>> -> memref<128xi32, #tpu.memory_space<vmem>>
    %dma_start3A_259 = tpu.memref_slice %arg2[%add3A_253] : memref<327680xi32, #tpu.memory_space<hbm>> -> memref<128xi32, #tpu.memory_space<hbm>>
    %dma_start3A_260 = arith.constant 0 : i32
    %dma_start3A_261 = tpu.memref_slice %arg7[%dma_start3A_254, %dma_start3A_255, %dma_start3A_260] : memref<4x2x128xi32, #tpu.memory_space<vmem>> -> memref<1x1x128xi32, #tpu.memory_space<vmem>>
    %dma_start3A_262 = tpu.memref_squeeze %dma_start3A_261 : memref<1x1x128xi32, #tpu.memory_space<vmem>> -> memref<128xi32, #tpu.memory_space<vmem>>
    %dma_start3A_263 = tpu.memref_slice %arg2[%add3A_253] : memref<327680xi32, #tpu.memory_space<hbm>> -> memref<128xi32, #tpu.memory_space<hbm>>
    tpu.enqueue_dma source(%dma_start3A_263 : memref<128xi32, #tpu.memory_space<hbm>>) target(%dma_start3A_262 : memref<128xi32, #tpu.memory_space<vmem>>) target_semaphore(%arg10 : memref<!tpu.dma_semaphore, #tpu.memory_space<semaphore_mem>>)
    %add3A_264 = arith.constant 512 : i32
    %add3A_265 = arith.addi %mul3A_21, %add3A_264 : i32
    %dma_start3A_266 = arith.constant 0 : i32
    %dma_start3A_267 = arith.constant 1 : i32
    %dma_start3A_268 = arith.constant 0 : i32
    %dma_start3A_269 = tpu.memref_slice %arg7[%dma_start3A_266, %dma_start3A_267, %dma_start3A_268] : memref<4x2x128xi32, #tpu.memory_space<vmem>> -> memref<1x1x128xi32, #tpu.memory_space<vmem>>
    %dma_start3A_270 = tpu.memref_squeeze %dma_start3A_269 : memref<1x1x128xi32, #tpu.memory_space<vmem>> -> memref<128xi32, #tpu.memory_space<vmem>>
    %dma_start3A_271 = tpu.memref_slice %arg3[%add3A_265] : memref<327680xi32, #tpu.memory_space<hbm>> -> memref<128xi32, #tpu.memory_space<hbm>>
    %dma_start3A_272 = arith.constant 0 : i32
    %dma_start3A_273 = tpu.memref_slice %arg7[%dma_start3A_266, %dma_start3A_267, %dma_start3A_272] : memref<4x2x128xi32, #tpu.memory_space<vmem>> -> memref<1x1x128xi32, #tpu.memory_space<vmem>>
    %dma_start3A_274 = tpu.memref_squeeze %dma_start3A_273 : memref<1x1x128xi32, #tpu.memory_space<vmem>> -> memref<128xi32, #tpu.memory_space<vmem>>
    %dma_start3A_275 = tpu.memref_slice %arg3[%add3A_265] : memref<327680xi32, #tpu.memory_space<hbm>> -> memref<128xi32, #tpu.memory_space<hbm>>
    tpu.enqueue_dma source(%dma_start3A_275 : memref<128xi32, #tpu.memory_space<hbm>>) target(%dma_start3A_274 : memref<128xi32, #tpu.memory_space<vmem>>) target_semaphore(%arg10 : memref<!tpu.dma_semaphore, #tpu.memory_space<semaphore_mem>>)
    %add3A_276 = arith.constant 384 : i32
    %add3A_277 = arith.addi %mul3A_21, %add3A_276 : i32
    %dma_wait3A_278 = arith.constant 3 : i32
    %dma_wait3A_279 = arith.constant 0 : i32
    %dma_wait3A_280 = arith.constant 0 : i32
    %dma_wait3A_281 = tpu.memref_slice %arg7[%dma_wait3A_278, %dma_wait3A_279, %dma_wait3A_280] : memref<4x2x128xi32, #tpu.memory_space<vmem>> -> memref<1x1x128xi32, #tpu.memory_space<vmem>>
    %dma_wait3A_282 = tpu.memref_squeeze %dma_wait3A_281 : memref<1x1x128xi32, #tpu.memory_space<vmem>> -> memref<128xi32, #tpu.memory_space<vmem>>
    %dma_wait3A_283 = tpu.memref_slice %arg2[%add3A_277] : memref<327680xi32, #tpu.memory_space<hbm>> -> memref<128xi32, #tpu.memory_space<hbm>>
    %dma_wait3A_284 = arith.constant 0 : i32
    %dma_wait3A_285 = tpu.memref_slice %arg7[%dma_wait3A_278, %dma_wait3A_279, %dma_wait3A_284] : memref<4x2x128xi32, #tpu.memory_space<vmem>> -> memref<1x1x128xi32, #tpu.memory_space<vmem>>
    %dma_wait3A_286 = tpu.memref_squeeze %dma_wait3A_285 : memref<1x1x128xi32, #tpu.memory_space<vmem>> -> memref<128xi32, #tpu.memory_space<vmem>>
    %dma_wait3A_287 = tpu.memref_slice %arg2[%add3A_277] : memref<327680xi32, #tpu.memory_space<hbm>> -> memref<128xi32, #tpu.memory_space<hbm>>
    tpu.wait_dma2 semaphore(%arg13 : memref<!tpu.dma_semaphore, #tpu.memory_space<semaphore_mem>>) src(%dma_wait3A_287 : memref<128xi32, #tpu.memory_space<hbm>>) dst(%dma_wait3A_286 : memref<128xi32, #tpu.memory_space<vmem>>)
    %add3A_288 = arith.constant 384 : i32
    %add3A_289 = arith.addi %mul3A_21, %add3A_288 : i32
    %dma_wait3A_290 = arith.constant 3 : i32
    %dma_wait3A_291 = arith.constant 1 : i32
    %dma_wait3A_292 = arith.constant 0 : i32
    %dma_wait3A_293 = tpu.memref_slice %arg7[%dma_wait3A_290, %dma_wait3A_291, %dma_wait3A_292] : memref<4x2x128xi32, #tpu.memory_space<vmem>> -> memref<1x1x128xi32, #tpu.memory_space<vmem>>
    %dma_wait3A_294 = tpu.memref_squeeze %dma_wait3A_293 : memref<1x1x128xi32, #tpu.memory_space<vmem>> -> memref<128xi32, #tpu.memory_space<vmem>>
    %dma_wait3A_295 = tpu.memref_slice %arg3[%add3A_289] : memref<327680xi32, #tpu.memory_space<hbm>> -> memref<128xi32, #tpu.memory_space<hbm>>
    %dma_wait3A_296 = arith.constant 0 : i32
    %dma_wait3A_297 = tpu.memref_slice %arg7[%dma_wait3A_290, %dma_wait3A_291, %dma_wait3A_296] : memref<4x2x128xi32, #tpu.memory_space<vmem>> -> memref<1x1x128xi32, #tpu.memory_space<vmem>>
    %dma_wait3A_298 = tpu.memref_squeeze %dma_wait3A_297 : memref<1x1x128xi32, #tpu.memory_space<vmem>> -> memref<128xi32, #tpu.memory_space<vmem>>
    %dma_wait3A_299 = tpu.memref_slice %arg3[%add3A_289] : memref<327680xi32, #tpu.memory_space<hbm>> -> memref<128xi32, #tpu.memory_space<hbm>>
    tpu.wait_dma2 semaphore(%arg13 : memref<!tpu.dma_semaphore, #tpu.memory_space<semaphore_mem>>) src(%dma_wait3A_299 : memref<128xi32, #tpu.memory_space<hbm>>) dst(%dma_wait3A_298 : memref<128xi32, #tpu.memory_space<vmem>>)
    %dma_wait3A_300 = arith.constant 1 : i32
    %dma_wait3A_301 = arith.constant 1 : i32
    %dma_wait3A_302 = arith.constant 0 : i32
    %dma_wait3A_303 = tpu.memref_slice %arg7[%dma_wait3A_300, %dma_wait3A_301, %dma_wait3A_302] : memref<4x2x128xi32, #tpu.memory_space<vmem>> -> memref<1x1x128xi32, #tpu.memory_space<vmem>>
    %dma_wait3A_304 = tpu.memref_squeeze %dma_wait3A_303 : memref<1x1x128xi32, #tpu.memory_space<vmem>> -> memref<128xi32, #tpu.memory_space<vmem>>
    %dma_wait3A_305 = arith.constant 0 : i32
    %dma_wait3A_306 = arith.constant 0 : i32
    %dma_wait3A_307 = tpu.memref_slice %arg6[%dma_wait3A_305, %dma_wait3A_306] : memref<10240x128xf32, #tpu.memory_space<vmem_shared>> -> memref<10240x128xf32, #tpu.memory_space<vmem_shared>>
    tpu.wait_indirect_dma semaphore(%arg17 : memref<!tpu.dma_semaphore, #tpu.memory_space<semaphore_mem>>) src(%arg9 : memref<128x128xf32, #tpu.memory_space<vmem>>) dst(%dma_wait3A_307 : memref<10240x128xf32, #tpu.memory_space<vmem_shared>>)
    %dma_start3A_308 = arith.constant 3 : i32
    %dma_start3A_309 = arith.constant 0 : i32
    %dma_start3A_310 = arith.constant 0 : i32
    %dma_start3A_311 = tpu.memref_slice %arg7[%dma_start3A_308, %dma_start3A_309, %dma_start3A_310] : memref<4x2x128xi32, #tpu.memory_space<vmem>> -> memref<1x1x128xi32, #tpu.memory_space<vmem>>
    %dma_start3A_312 = tpu.memref_squeeze %dma_start3A_311 : memref<1x1x128xi32, #tpu.memory_space<vmem>> -> memref<128xi32, #tpu.memory_space<vmem>>
    %dma_start3A_313 = arith.constant 0 : i32
    %dma_start3A_314 = arith.constant 0 : i32
    %dma_start3A_315 = tpu.memref_slice %arg4[%dma_start3A_313, %dma_start3A_314] : memref<10000x128xf32, #tpu.memory_space<hbm>> -> memref<10000x128xf32, #tpu.memory_space<hbm>>
    tpu.enqueue_indirect_dma source(%dma_start3A_315 : memref<10000x128xf32, #tpu.memory_space<hbm>>) target(%arg9 : memref<128x128xf32, #tpu.memory_space<vmem>>) offsets(%dma_start3A_312 : memref<128xi32, #tpu.memory_space<vmem>>) semaphore(%arg15 : memref<!tpu.dma_semaphore, #tpu.memory_space<semaphore_mem>>)
    %dma_wait3A_316 = arith.constant 2 : i32
    %dma_wait3A_317 = arith.constant 0 : i32
    %dma_wait3A_318 = arith.constant 0 : i32
    %dma_wait3A_319 = tpu.memref_slice %arg7[%dma_wait3A_316, %dma_wait3A_317, %dma_wait3A_318] : memref<4x2x128xi32, #tpu.memory_space<vmem>> -> memref<1x1x128xi32, #tpu.memory_space<vmem>>
    %dma_wait3A_320 = tpu.memref_squeeze %dma_wait3A_319 : memref<1x1x128xi32, #tpu.memory_space<vmem>> -> memref<128xi32, #tpu.memory_space<vmem>>
    %dma_wait3A_321 = arith.constant 0 : i32
    %dma_wait3A_322 = arith.constant 0 : i32
    %dma_wait3A_323 = tpu.memref_slice %arg4[%dma_wait3A_321, %dma_wait3A_322] : memref<10000x128xf32, #tpu.memory_space<hbm>> -> memref<10000x128xf32, #tpu.memory_space<hbm>>
    tpu.wait_indirect_dma semaphore(%arg14 : memref<!tpu.dma_semaphore, #tpu.memory_space<semaphore_mem>>) src(%dma_wait3A_323 : memref<10000x128xf32, #tpu.memory_space<hbm>>) dst(%arg8 : memref<128x128xf32, #tpu.memory_space<vmem>>)
    %dma_start3A_324 = arith.constant 2 : i32
    %dma_start3A_325 = arith.constant 1 : i32
    %dma_start3A_326 = arith.constant 0 : i32
    %dma_start3A_327 = tpu.memref_slice %arg7[%dma_start3A_324, %dma_start3A_325, %dma_start3A_326] : memref<4x2x128xi32, #tpu.memory_space<vmem>> -> memref<1x1x128xi32, #tpu.memory_space<vmem>>
    %dma_start3A_328 = tpu.memref_squeeze %dma_start3A_327 : memref<1x1x128xi32, #tpu.memory_space<vmem>> -> memref<128xi32, #tpu.memory_space<vmem>>
    %dma_start3A_329 = arith.constant 0 : i32
    %dma_start3A_330 = arith.constant 0 : i32
    %dma_start3A_331 = tpu.memref_slice %arg6[%dma_start3A_329, %dma_start3A_330] : memref<10240x128xf32, #tpu.memory_space<vmem_shared>> -> memref<10240x128xf32, #tpu.memory_space<vmem_shared>>
    tpu.enqueue_indirect_dma source(%arg8 : memref<128x128xf32, #tpu.memory_space<vmem>>) target(%dma_start3A_331 : memref<10240x128xf32, #tpu.memory_space<vmem_shared>>) offsets(%dma_start3A_328 : memref<128xi32, #tpu.memory_space<vmem>>) semaphore(%arg16 : memref<!tpu.dma_semaphore, #tpu.memory_space<semaphore_mem>>) {add = true}
    %add3A_332 = arith.constant 640 : i32
    %add3A_333 = arith.addi %mul3A_21, %add3A_332 : i32
    %dma_start3A_334 = arith.constant 1 : i32
    %dma_start3A_335 = arith.constant 0 : i32
    %dma_start3A_336 = arith.constant 0 : i32
    %dma_start3A_337 = tpu.memref_slice %arg7[%dma_start3A_334, %dma_start3A_335, %dma_start3A_336] : memref<4x2x128xi32, #tpu.memory_space<vmem>> -> memref<1x1x128xi32, #tpu.memory_space<vmem>>
    %dma_start3A_338 = tpu.memref_squeeze %dma_start3A_337 : memref<1x1x128xi32, #tpu.memory_space<vmem>> -> memref<128xi32, #tpu.memory_space<vmem>>
    %dma_start3A_339 = tpu.memref_slice %arg2[%add3A_333] : memref<327680xi32, #tpu.memory_space<hbm>> -> memref<128xi32, #tpu.memory_space<hbm>>
    %dma_start3A_340 = arith.constant 0 : i32
    %dma_start3A_341 = tpu.memref_slice %arg7[%dma_start3A_334, %dma_start3A_335, %dma_start3A_340] : memref<4x2x128xi32, #tpu.memory_space<vmem>> -> memref<1x1x128xi32, #tpu.memory_space<vmem>>
    %dma_start3A_342 = tpu.memref_squeeze %dma_start3A_341 : memref<1x1x128xi32, #tpu.memory_space<vmem>> -> memref<128xi32, #tpu.memory_space<vmem>>
    %dma_start3A_343 = tpu.memref_slice %arg2[%add3A_333] : memref<327680xi32, #tpu.memory_space<hbm>> -> memref<128xi32, #tpu.memory_space<hbm>>
    tpu.enqueue_dma source(%dma_start3A_343 : memref<128xi32, #tpu.memory_space<hbm>>) target(%dma_start3A_342 : memref<128xi32, #tpu.memory_space<vmem>>) target_semaphore(%arg11 : memref<!tpu.dma_semaphore, #tpu.memory_space<semaphore_mem>>)
    %add3A_344 = arith.constant 640 : i32
    %add3A_345 = arith.addi %mul3A_21, %add3A_344 : i32
    %dma_start3A_346 = arith.constant 1 : i32
    %dma_start3A_347 = arith.constant 1 : i32
    %dma_start3A_348 = arith.constant 0 : i32
    %dma_start3A_349 = tpu.memref_slice %arg7[%dma_start3A_346, %dma_start3A_347, %dma_start3A_348] : memref<4x2x128xi32, #tpu.memory_space<vmem>> -> memref<1x1x128xi32, #tpu.memory_space<vmem>>
    %dma_start3A_350 = tpu.memref_squeeze %dma_start3A_349 : memref<1x1x128xi32, #tpu.memory_space<vmem>> -> memref<128xi32, #tpu.memory_space<vmem>>
    %dma_start3A_351 = tpu.memref_slice %arg3[%add3A_345] : memref<327680xi32, #tpu.memory_space<hbm>> -> memref<128xi32, #tpu.memory_space<hbm>>
    %dma_start3A_352 = arith.constant 0 : i32
    %dma_start3A_353 = tpu.memref_slice %arg7[%dma_start3A_346, %dma_start3A_347, %dma_start3A_352] : memref<4x2x128xi32, #tpu.memory_space<vmem>> -> memref<1x1x128xi32, #tpu.memory_space<vmem>>
    %dma_start3A_354 = tpu.memref_squeeze %dma_start3A_353 : memref<1x1x128xi32, #tpu.memory_space<vmem>> -> memref<128xi32, #tpu.memory_space<vmem>>
    %dma_start3A_355 = tpu.memref_slice %arg3[%add3A_345] : memref<327680xi32, #tpu.memory_space<hbm>> -> memref<128xi32, #tpu.memory_space<hbm>>
    tpu.enqueue_dma source(%dma_start3A_355 : memref<128xi32, #tpu.memory_space<hbm>>) target(%dma_start3A_354 : memref<128xi32, #tpu.memory_space<vmem>>) target_semaphore(%arg11 : memref<!tpu.dma_semaphore, #tpu.memory_space<semaphore_mem>>)
    %scan3A_356 = arith.constant 0 : i32
    %scan3A_357 = arith.constant 19 : i32
    %scan3A_358 = arith.addi %scan3A_356, %scan3A_357 : i32
    %scan3A_359 = arith.constant 1 : i32
    scf.for %scan3A_429 = %scan3A_356 to %scan3A_358 step %scan3A_359  : i32 {
      %mul3A_430 = arith.constant 1 : i32
      %mul3A_431 = arith.muli %scan3A_429, %mul3A_430 : i32
      %add3A_432 = arith.constant 0 : i32
      %add3A_433 = arith.addi %add3A_432, %mul3A_431 : i32
      %mul3A_434 = arith.constant 4 : i32
      %mul3A_435 = arith.muli %mul3A_434, %add3A_433 : i32
      %add3A_436 = arith.constant 4 : i32
      %add3A_437 = arith.addi %add3A_436, %mul3A_435 : i32
      %add3A_438 = arith.constant 0 : i32
      %add3A_439 = arith.addi %add3A_437, %add3A_438 : i32
      %mul3A_440 = arith.constant 128 : i32
      %mul3A_441 = arith.muli %add3A_439, %mul3A_440 : i32
      %add3A_442 = arith.addi %mul3A_21, %mul3A_441 : i32
      %dma_wait3A_443 = arith.constant 0 : i32
      %dma_wait3A_444 = arith.constant 0 : i32
      %dma_wait3A_445 = arith.constant 0 : i32
      %dma_wait3A_446 = tpu.memref_slice %arg7[%dma_wait3A_443, %dma_wait3A_444, %dma_wait3A_445] : memref<4x2x128xi32, #tpu.memory_space<vmem>> -> memref<1x1x128xi32, #tpu.memory_space<vmem>>
      %dma_wait3A_447 = tpu.memref_squeeze %dma_wait3A_446 : memref<1x1x128xi32, #tpu.memory_space<vmem>> -> memref<128xi32, #tpu.memory_space<vmem>>
      %dma_wait3A_448 = tpu.memref_slice %arg2[%add3A_442] : memref<327680xi32, #tpu.memory_space<hbm>> -> memref<128xi32, #tpu.memory_space<hbm>>
      %dma_wait3A_449 = arith.constant 0 : i32
      %dma_wait3A_450 = tpu.memref_slice %arg7[%dma_wait3A_443, %dma_wait3A_444, %dma_wait3A_449] : memref<4x2x128xi32, #tpu.memory_space<vmem>> -> memref<1x1x128xi32, #tpu.memory_space<vmem>>
      %dma_wait3A_451 = tpu.memref_squeeze %dma_wait3A_450 : memref<1x1x128xi32, #tpu.memory_space<vmem>> -> memref<128xi32, #tpu.memory_space<vmem>>
      %dma_wait3A_452 = tpu.memref_slice %arg2[%add3A_442] : memref<327680xi32, #tpu.memory_space<hbm>> -> memref<128xi32, #tpu.memory_space<hbm>>
      tpu.wait_dma2 semaphore(%arg10 : memref<!tpu.dma_semaphore, #tpu.memory_space<semaphore_mem>>) src(%dma_wait3A_452 : memref<128xi32, #tpu.memory_space<hbm>>) dst(%dma_wait3A_451 : memref<128xi32, #tpu.memory_space<vmem>>)
      %mul3A_453 = arith.constant 128 : i32
      %mul3A_454 = arith.muli %add3A_439, %mul3A_453 : i32
      %add3A_455 = arith.addi %mul3A_21, %mul3A_454 : i32
      %dma_wait3A_456 = arith.constant 0 : i32
      %dma_wait3A_457 = arith.constant 1 : i32
      %dma_wait3A_458 = arith.constant 0 : i32
      %dma_wait3A_459 = tpu.memref_slice %arg7[%dma_wait3A_456, %dma_wait3A_457, %dma_wait3A_458] : memref<4x2x128xi32, #tpu.memory_space<vmem>> -> memref<1x1x128xi32, #tpu.memory_space<vmem>>
      %dma_wait3A_460 = tpu.memref_squeeze %dma_wait3A_459 : memref<1x1x128xi32, #tpu.memory_space<vmem>> -> memref<128xi32, #tpu.memory_space<vmem>>
      %dma_wait3A_461 = tpu.memref_slice %arg3[%add3A_455] : memref<327680xi32, #tpu.memory_space<hbm>> -> memref<128xi32, #tpu.memory_space<hbm>>
      %dma_wait3A_462 = arith.constant 0 : i32
      %dma_wait3A_463 = tpu.memref_slice %arg7[%dma_wait3A_456, %dma_wait3A_457, %dma_wait3A_462] : memref<4x2x128xi32, #tpu.memory_space<vmem>> -> memref<1x1x128xi32, #tpu.memory_space<vmem>>
      %dma_wait3A_464 = tpu.memref_squeeze %dma_wait3A_463 : memref<1x1x128xi32, #tpu.memory_space<vmem>> -> memref<128xi32, #tpu.memory_space<vmem>>
      %dma_wait3A_465 = tpu.memref_slice %arg3[%add3A_455] : memref<327680xi32, #tpu.memory_space<hbm>> -> memref<128xi32, #tpu.memory_space<hbm>>
      tpu.wait_dma2 semaphore(%arg10 : memref<!tpu.dma_semaphore, #tpu.memory_space<semaphore_mem>>) src(%dma_wait3A_465 : memref<128xi32, #tpu.memory_space<hbm>>) dst(%dma_wait3A_464 : memref<128xi32, #tpu.memory_space<vmem>>)
      %sub3A = arith.constant 2 : i32
      %sub3A_466 = arith.subi %add3A_439, %sub3A : i32
      %dma_wait3A_467 = arith.constant 2 : i32
      %dma_wait3A_468 = arith.constant 1 : i32
      %dma_wait3A_469 = arith.constant 0 : i32
      %dma_wait3A_470 = tpu.memref_slice %arg7[%dma_wait3A_467, %dma_wait3A_468, %dma_wait3A_469] : memref<4x2x128xi32, #tpu.memory_space<vmem>> -> memref<1x1x128xi32, #tpu.memory_space<vmem>>
      %dma_wait3A_471 = tpu.memref_squeeze %dma_wait3A_470 : memref<1x1x128xi32, #tpu.memory_space<vmem>> -> memref<128xi32, #tpu.memory_space<vmem>>
      %dma_wait3A_472 = arith.constant 0 : i32
      %dma_wait3A_473 = arith.constant 0 : i32
      %dma_wait3A_474 = tpu.memref_slice %arg6[%dma_wait3A_472, %dma_wait3A_473] : memref<10240x128xf32, #tpu.memory_space<vmem_shared>> -> memref<10240x128xf32, #tpu.memory_space<vmem_shared>>
      tpu.wait_indirect_dma semaphore(%arg16 : memref<!tpu.dma_semaphore, #tpu.memory_space<semaphore_mem>>) src(%arg8 : memref<128x128xf32, #tpu.memory_space<vmem>>) dst(%dma_wait3A_474 : memref<10240x128xf32, #tpu.memory_space<vmem_shared>>)
      %dma_start3A_475 = arith.constant 0 : i32
      %dma_start3A_476 = arith.constant 0 : i32
      %dma_start3A_477 = arith.constant 0 : i32
      %dma_start3A_478 = tpu.memref_slice %arg7[%dma_start3A_475, %dma_start3A_476, %dma_start3A_477] : memref<4x2x128xi32, #tpu.memory_space<vmem>> -> memref<1x1x128xi32, #tpu.memory_space<vmem>>
      %dma_start3A_479 = tpu.memref_squeeze %dma_start3A_478 : memref<1x1x128xi32, #tpu.memory_space<vmem>> -> memref<128xi32, #tpu.memory_space<vmem>>
      %dma_start3A_480 = arith.constant 0 : i32
      %dma_start3A_481 = arith.constant 0 : i32
      %dma_start3A_482 = tpu.memref_slice %arg4[%dma_start3A_480, %dma_start3A_481] : memref<10000x128xf32, #tpu.memory_space<hbm>> -> memref<10000x128xf32, #tpu.memory_space<hbm>>
      tpu.enqueue_indirect_dma source(%dma_start3A_482 : memref<10000x128xf32, #tpu.memory_space<hbm>>) target(%arg8 : memref<128x128xf32, #tpu.memory_space<vmem>>) offsets(%dma_start3A_479 : memref<128xi32, #tpu.memory_space<vmem>>) semaphore(%arg14 : memref<!tpu.dma_semaphore, #tpu.memory_space<semaphore_mem>>)
      %sub3A_483 = arith.constant 1 : i32
      %sub3A_484 = arith.subi %add3A_439, %sub3A_483 : i32
      %dma_wait3A_485 = arith.constant 3 : i32
      %dma_wait3A_486 = arith.constant 0 : i32
      %dma_wait3A_487 = arith.constant 0 : i32
      %dma_wait3A_488 = tpu.memref_slice %arg7[%dma_wait3A_485, %dma_wait3A_486, %dma_wait3A_487] : memref<4x2x128xi32, #tpu.memory_space<vmem>> -> memref<1x1x128xi32, #tpu.memory_space<vmem>>
      %dma_wait3A_489 = tpu.memref_squeeze %dma_wait3A_488 : memref<1x1x128xi32, #tpu.memory_space<vmem>> -> memref<128xi32, #tpu.memory_space<vmem>>
      %dma_wait3A_490 = arith.constant 0 : i32
      %dma_wait3A_491 = arith.constant 0 : i32
      %dma_wait3A_492 = tpu.memref_slice %arg4[%dma_wait3A_490, %dma_wait3A_491] : memref<10000x128xf32, #tpu.memory_space<hbm>> -> memref<10000x128xf32, #tpu.memory_space<hbm>>
      tpu.wait_indirect_dma semaphore(%arg15 : memref<!tpu.dma_semaphore, #tpu.memory_space<semaphore_mem>>) src(%dma_wait3A_492 : memref<10000x128xf32, #tpu.memory_space<hbm>>) dst(%arg9 : memref<128x128xf32, #tpu.memory_space<vmem>>)
      %sub3A_493 = arith.constant 1 : i32
      %sub3A_494 = arith.subi %add3A_439, %sub3A_493 : i32
      %dma_start3A_495 = arith.constant 3 : i32
      %dma_start3A_496 = arith.constant 1 : i32
      %dma_start3A_497 = arith.constant 0 : i32
      %dma_start3A_498 = tpu.memref_slice %arg7[%dma_start3A_495, %dma_start3A_496, %dma_start3A_497] : memref<4x2x128xi32, #tpu.memory_space<vmem>> -> memref<1x1x128xi32, #tpu.memory_space<vmem>>
      %dma_start3A_499 = tpu.memref_squeeze %dma_start3A_498 : memref<1x1x128xi32, #tpu.memory_space<vmem>> -> memref<128xi32, #tpu.memory_space<vmem>>
      %dma_start3A_500 = arith.constant 0 : i32
      %dma_start3A_501 = arith.constant 0 : i32
      %dma_start3A_502 = tpu.memref_slice %arg6[%dma_start3A_500, %dma_start3A_501] : memref<10240x128xf32, #tpu.memory_space<vmem_shared>> -> memref<10240x128xf32, #tpu.memory_space<vmem_shared>>
      tpu.enqueue_indirect_dma source(%arg9 : memref<128x128xf32, #tpu.memory_space<vmem>>) target(%dma_start3A_502 : memref<10240x128xf32, #tpu.memory_space<vmem_shared>>) offsets(%dma_start3A_499 : memref<128xi32, #tpu.memory_space<vmem>>) semaphore(%arg17 : memref<!tpu.dma_semaphore, #tpu.memory_space<semaphore_mem>>) {add = true}
      %add3A_503 = arith.constant 2 : i32
      %add3A_504 = arith.addi %add3A_439, %add3A_503 : i32
      %lt3A = arith.constant 80 : i32
      %lt3A_505 = arith.cmpi slt, %add3A_504, %lt3A : i32
      %convert_element_type3A = arith.extui %lt3A_505 : i1 to i32
      %cond3A = arith.constant 0 : i32
      %cond3A_506 = arith.cmpi ne, %convert_element_type3A, %cond3A : i32
      scf.if %cond3A_506 {
        %add3A_738 = arith.constant 2 : i32
        %add3A_739 = arith.addi %add3A_439, %add3A_738 : i32
        %mul3A_740 = arith.constant 128 : i32
        %mul3A_741 = arith.muli %add3A_739, %mul3A_740 : i32
        %add3A_742 = arith.addi %mul3A_21, %mul3A_741 : i32
        %dma_start3A_743 = arith.constant 2 : i32
        %dma_start3A_744 = arith.constant 0 : i32
        %dma_start3A_745 = arith.constant 0 : i32
        %dma_start3A_746 = tpu.memref_slice %arg7[%dma_start3A_743, %dma_start3A_744, %dma_start3A_745] : memref<4x2x128xi32, #tpu.memory_space<vmem>> -> memref<1x1x128xi32, #tpu.memory_space<vmem>>
        %dma_start3A_747 = tpu.memref_squeeze %dma_start3A_746 : memref<1x1x128xi32, #tpu.memory_space<vmem>> -> memref<128xi32, #tpu.memory_space<vmem>>
        %dma_start3A_748 = tpu.memref_slice %arg2[%add3A_742] : memref<327680xi32, #tpu.memory_space<hbm>> -> memref<128xi32, #tpu.memory_space<hbm>>
        %dma_start3A_749 = arith.constant 0 : i32
        %dma_start3A_750 = tpu.memref_slice %arg7[%dma_start3A_743, %dma_start3A_744, %dma_start3A_749] : memref<4x2x128xi32, #tpu.memory_space<vmem>> -> memref<1x1x128xi32, #tpu.memory_space<vmem>>
        %dma_start3A_751 = tpu.memref_squeeze %dma_start3A_750 : memref<1x1x128xi32, #tpu.memory_space<vmem>> -> memref<128xi32, #tpu.memory_space<vmem>>
        %dma_start3A_752 = tpu.memref_slice %arg2[%add3A_742] : memref<327680xi32, #tpu.memory_space<hbm>> -> memref<128xi32, #tpu.memory_space<hbm>>
        tpu.enqueue_dma source(%dma_start3A_752 : memref<128xi32, #tpu.memory_space<hbm>>) target(%dma_start3A_751 : memref<128xi32, #tpu.memory_space<vmem>>) target_semaphore(%arg12 : memref<!tpu.dma_semaphore, #tpu.memory_space<semaphore_mem>>)
        %mul3A_753 = arith.constant 128 : i32
        %mul3A_754 = arith.muli %add3A_739, %mul3A_753 : i32
        %add3A_755 = arith.addi %mul3A_21, %mul3A_754 : i32
        %dma_start3A_756 = arith.constant 2 : i32
        %dma_start3A_757 = arith.constant 1 : i32
        %dma_start3A_758 = arith.constant 0 : i32
        %dma_start3A_759 = tpu.memref_slice %arg7[%dma_start3A_756, %dma_start3A_757, %dma_start3A_758] : memref<4x2x128xi32, #tpu.memory_space<vmem>> -> memref<1x1x128xi32, #tpu.memory_space<vmem>>
        %dma_start3A_760 = tpu.memref_squeeze %dma_start3A_759 : memref<1x1x128xi32, #tpu.memory_space<vmem>> -> memref<128xi32, #tpu.memory_space<vmem>>
        %dma_start3A_761 = tpu.memref_slice %arg3[%add3A_755] : memref<327680xi32, #tpu.memory_space<hbm>> -> memref<128xi32, #tpu.memory_space<hbm>>
        %dma_start3A_762 = arith.constant 0 : i32
        %dma_start3A_763 = tpu.memref_slice %arg7[%dma_start3A_756, %dma_start3A_757, %dma_start3A_762] : memref<4x2x128xi32, #tpu.memory_space<vmem>> -> memref<1x1x128xi32, #tpu.memory_space<vmem>>
        %dma_start3A_764 = tpu.memref_squeeze %dma_start3A_763 : memref<1x1x128xi32, #tpu.memory_space<vmem>> -> memref<128xi32, #tpu.memory_space<vmem>>
        %dma_start3A_765 = tpu.memref_slice %arg3[%add3A_755] : memref<327680xi32, #tpu.memory_space<hbm>> -> memref<128xi32, #tpu.memory_space<hbm>>
        tpu.enqueue_dma source(%dma_start3A_765 : memref<128xi32, #tpu.memory_space<hbm>>) target(%dma_start3A_764 : memref<128xi32, #tpu.memory_space<vmem>>) target_semaphore(%arg12 : memref<!tpu.dma_semaphore, #tpu.memory_space<semaphore_mem>>)
      } else {
      }
      %mul3A_507 = arith.constant 4 : i32
      %mul3A_508 = arith.muli %mul3A_507, %add3A_433 : i32
      %add3A_509 = arith.constant 4 : i32
      %add3A_510 = arith.addi %add3A_509, %mul3A_508 : i32
      %add3A_511 = arith.constant 1 : i32
      %add3A_512 = arith.addi %add3A_510, %add3A_511 : i32
      %mul3A_513 = arith.constant 128 : i32
      %mul3A_514 = arith.muli %add3A_512, %mul3A_513 : i32
      %add3A_515 = arith.addi %mul3A_21, %mul3A_514 : i32
      %dma_wait3A_516 = arith.constant 1 : i32
      %dma_wait3A_517 = arith.constant 0 : i32
      %dma_wait3A_518 = arith.constant 0 : i32
      %dma_wait3A_519 = tpu.memref_slice %arg7[%dma_wait3A_516, %dma_wait3A_517, %dma_wait3A_518] : memref<4x2x128xi32, #tpu.memory_space<vmem>> -> memref<1x1x128xi32, #tpu.memory_space<vmem>>
      %dma_wait3A_520 = tpu.memref_squeeze %dma_wait3A_519 : memref<1x1x128xi32, #tpu.memory_space<vmem>> -> memref<128xi32, #tpu.memory_space<vmem>>
      %dma_wait3A_521 = tpu.memref_slice %arg2[%add3A_515] : memref<327680xi32, #tpu.memory_space<hbm>> -> memref<128xi32, #tpu.memory_space<hbm>>
      %dma_wait3A_522 = arith.constant 0 : i32
      %dma_wait3A_523 = tpu.memref_slice %arg7[%dma_wait3A_516, %dma_wait3A_517, %dma_wait3A_522] : memref<4x2x128xi32, #tpu.memory_space<vmem>> -> memref<1x1x128xi32, #tpu.memory_space<vmem>>
      %dma_wait3A_524 = tpu.memref_squeeze %dma_wait3A_523 : memref<1x1x128xi32, #tpu.memory_space<vmem>> -> memref<128xi32, #tpu.memory_space<vmem>>
      %dma_wait3A_525 = tpu.memref_slice %arg2[%add3A_515] : memref<327680xi32, #tpu.memory_space<hbm>> -> memref<128xi32, #tpu.memory_space<hbm>>
      tpu.wait_dma2 semaphore(%arg11 : memref<!tpu.dma_semaphore, #tpu.memory_space<semaphore_mem>>) src(%dma_wait3A_525 : memref<128xi32, #tpu.memory_space<hbm>>) dst(%dma_wait3A_524 : memref<128xi32, #tpu.memory_space<vmem>>)
      %mul3A_526 = arith.constant 128 : i32
      %mul3A_527 = arith.muli %add3A_512, %mul3A_526 : i32
      %add3A_528 = arith.addi %mul3A_21, %mul3A_527 : i32
      %dma_wait3A_529 = arith.constant 1 : i32
      %dma_wait3A_530 = arith.constant 1 : i32
      %dma_wait3A_531 = arith.constant 0 : i32
      %dma_wait3A_532 = tpu.memref_slice %arg7[%dma_wait3A_529, %dma_wait3A_530, %dma_wait3A_531] : memref<4x2x128xi32, #tpu.memory_space<vmem>> -> memref<1x1x128xi32, #tpu.memory_space<vmem>>
      %dma_wait3A_533 = tpu.memref_squeeze %dma_wait3A_532 : memref<1x1x128xi32, #tpu.memory_space<vmem>> -> memref<128xi32, #tpu.memory_space<vmem>>
      %dma_wait3A_534 = tpu.memref_slice %arg3[%add3A_528] : memref<327680xi32, #tpu.memory_space<hbm>> -> memref<128xi32, #tpu.memory_space<hbm>>
      %dma_wait3A_535 = arith.constant 0 : i32
      %dma_wait3A_536 = tpu.memref_slice %arg7[%dma_wait3A_529, %dma_wait3A_530, %dma_wait3A_535] : memref<4x2x128xi32, #tpu.memory_space<vmem>> -> memref<1x1x128xi32, #tpu.memory_space<vmem>>
      %dma_wait3A_537 = tpu.memref_squeeze %dma_wait3A_536 : memref<1x1x128xi32, #tpu.memory_space<vmem>> -> memref<128xi32, #tpu.memory_space<vmem>>
      %dma_wait3A_538 = tpu.memref_slice %arg3[%add3A_528] : memref<327680xi32, #tpu.memory_space<hbm>> -> memref<128xi32, #tpu.memory_space<hbm>>
      tpu.wait_dma2 semaphore(%arg11 : memref<!tpu.dma_semaphore, #tpu.memory_space<semaphore_mem>>) src(%dma_wait3A_538 : memref<128xi32, #tpu.memory_space<hbm>>) dst(%dma_wait3A_537 : memref<128xi32, #tpu.memory_space<vmem>>)
      %sub3A_539 = arith.constant 2 : i32
      %sub3A_540 = arith.subi %add3A_512, %sub3A_539 : i32
      %dma_wait3A_541 = arith.constant 3 : i32
      %dma_wait3A_542 = arith.constant 1 : i32
      %dma_wait3A_543 = arith.constant 0 : i32
      %dma_wait3A_544 = tpu.memref_slice %arg7[%dma_wait3A_541, %dma_wait3A_542, %dma_wait3A_543] : memref<4x2x128xi32, #tpu.memory_space<vmem>> -> memref<1x1x128xi32, #tpu.memory_space<vmem>>
      %dma_wait3A_545 = tpu.memref_squeeze %dma_wait3A_544 : memref<1x1x128xi32, #tpu.memory_space<vmem>> -> memref<128xi32, #tpu.memory_space<vmem>>
      %dma_wait3A_546 = arith.constant 0 : i32
      %dma_wait3A_547 = arith.constant 0 : i32
      %dma_wait3A_548 = tpu.memref_slice %arg6[%dma_wait3A_546, %dma_wait3A_547] : memref<10240x128xf32, #tpu.memory_space<vmem_shared>> -> memref<10240x128xf32, #tpu.memory_space<vmem_shared>>
      tpu.wait_indirect_dma semaphore(%arg17 : memref<!tpu.dma_semaphore, #tpu.memory_space<semaphore_mem>>) src(%arg9 : memref<128x128xf32, #tpu.memory_space<vmem>>) dst(%dma_wait3A_548 : memref<10240x128xf32, #tpu.memory_space<vmem_shared>>)
      %dma_start3A_549 = arith.constant 1 : i32
      %dma_start3A_550 = arith.constant 0 : i32
      %dma_start3A_551 = arith.constant 0 : i32
      %dma_start3A_552 = tpu.memref_slice %arg7[%dma_start3A_549, %dma_start3A_550, %dma_start3A_551] : memref<4x2x128xi32, #tpu.memory_space<vmem>> -> memref<1x1x128xi32, #tpu.memory_space<vmem>>
      %dma_start3A_553 = tpu.memref_squeeze %dma_start3A_552 : memref<1x1x128xi32, #tpu.memory_space<vmem>> -> memref<128xi32, #tpu.memory_space<vmem>>
      %dma_start3A_554 = arith.constant 0 : i32
      %dma_start3A_555 = arith.constant 0 : i32
      %dma_start3A_556 = tpu.memref_slice %arg4[%dma_start3A_554, %dma_start3A_555] : memref<10000x128xf32, #tpu.memory_space<hbm>> -> memref<10000x128xf32, #tpu.memory_space<hbm>>
      tpu.enqueue_indirect_dma source(%dma_start3A_556 : memref<10000x128xf32, #tpu.memory_space<hbm>>) target(%arg9 : memref<128x128xf32, #tpu.memory_space<vmem>>) offsets(%dma_start3A_553 : memref<128xi32, #tpu.memory_space<vmem>>) semaphore(%arg15 : memref<!tpu.dma_semaphore, #tpu.memory_space<semaphore_mem>>)
      %sub3A_557 = arith.constant 1 : i32
      %sub3A_558 = arith.subi %add3A_512, %sub3A_557 : i32
      %dma_wait3A_559 = arith.constant 0 : i32
      %dma_wait3A_560 = arith.constant 0 : i32
      %dma_wait3A_561 = arith.constant 0 : i32
      %dma_wait3A_562 = tpu.memref_slice %arg7[%dma_wait3A_559, %dma_wait3A_560, %dma_wait3A_561] : memref<4x2x128xi32, #tpu.memory_space<vmem>> -> memref<1x1x128xi32, #tpu.memory_space<vmem>>
      %dma_wait3A_563 = tpu.memref_squeeze %dma_wait3A_562 : memref<1x1x128xi32, #tpu.memory_space<vmem>> -> memref<128xi32, #tpu.memory_space<vmem>>
      %dma_wait3A_564 = arith.constant 0 : i32
      %dma_wait3A_565 = arith.constant 0 : i32
      %dma_wait3A_566 = tpu.memref_slice %arg4[%dma_wait3A_564, %dma_wait3A_565] : memref<10000x128xf32, #tpu.memory_space<hbm>> -> memref<10000x128xf32, #tpu.memory_space<hbm>>
      tpu.wait_indirect_dma semaphore(%arg14 : memref<!tpu.dma_semaphore, #tpu.memory_space<semaphore_mem>>) src(%dma_wait3A_566 : memref<10000x128xf32, #tpu.memory_space<hbm>>) dst(%arg8 : memref<128x128xf32, #tpu.memory_space<vmem>>)
      %sub3A_567 = arith.constant 1 : i32
      %sub3A_568 = arith.subi %add3A_512, %sub3A_567 : i32
      %dma_start3A_569 = arith.constant 0 : i32
      %dma_start3A_570 = arith.constant 1 : i32
      %dma_start3A_571 = arith.constant 0 : i32
      %dma_start3A_572 = tpu.memref_slice %arg7[%dma_start3A_569, %dma_start3A_570, %dma_start3A_571] : memref<4x2x128xi32, #tpu.memory_space<vmem>> -> memref<1x1x128xi32, #tpu.memory_space<vmem>>
      %dma_start3A_573 = tpu.memref_squeeze %dma_start3A_572 : memref<1x1x128xi32, #tpu.memory_space<vmem>> -> memref<128xi32, #tpu.memory_space<vmem>>
      %dma_start3A_574 = arith.constant 0 : i32
      %dma_start3A_575 = arith.constant 0 : i32
      %dma_start3A_576 = tpu.memref_slice %arg6[%dma_start3A_574, %dma_start3A_575] : memref<10240x128xf32, #tpu.memory_space<vmem_shared>> -> memref<10240x128xf32, #tpu.memory_space<vmem_shared>>
      tpu.enqueue_indirect_dma source(%arg8 : memref<128x128xf32, #tpu.memory_space<vmem>>) target(%dma_start3A_576 : memref<10240x128xf32, #tpu.memory_space<vmem_shared>>) offsets(%dma_start3A_573 : memref<128xi32, #tpu.memory_space<vmem>>) semaphore(%arg16 : memref<!tpu.dma_semaphore, #tpu.memory_space<semaphore_mem>>) {add = true}
      %add3A_577 = arith.constant 2 : i32
      %add3A_578 = arith.addi %add3A_512, %add3A_577 : i32
      %lt3A_579 = arith.constant 80 : i32
      %lt3A_580 = arith.cmpi slt, %add3A_578, %lt3A_579 : i32
      %convert_element_type3A_581 = arith.extui %lt3A_580 : i1 to i32
      %cond3A_582 = arith.constant 0 : i32
      %cond3A_583 = arith.cmpi ne, %convert_element_type3A_581, %cond3A_582 : i32
      scf.if %cond3A_583 {
        %add3A_738 = arith.constant 2 : i32
        %add3A_739 = arith.addi %add3A_512, %add3A_738 : i32
        %mul3A_740 = arith.constant 128 : i32
        %mul3A_741 = arith.muli %add3A_739, %mul3A_740 : i32
        %add3A_742 = arith.addi %mul3A_21, %mul3A_741 : i32
        %dma_start3A_743 = arith.constant 3 : i32
        %dma_start3A_744 = arith.constant 0 : i32
        %dma_start3A_745 = arith.constant 0 : i32
        %dma_start3A_746 = tpu.memref_slice %arg7[%dma_start3A_743, %dma_start3A_744, %dma_start3A_745] : memref<4x2x128xi32, #tpu.memory_space<vmem>> -> memref<1x1x128xi32, #tpu.memory_space<vmem>>
        %dma_start3A_747 = tpu.memref_squeeze %dma_start3A_746 : memref<1x1x128xi32, #tpu.memory_space<vmem>> -> memref<128xi32, #tpu.memory_space<vmem>>
        %dma_start3A_748 = tpu.memref_slice %arg2[%add3A_742] : memref<327680xi32, #tpu.memory_space<hbm>> -> memref<128xi32, #tpu.memory_space<hbm>>
        %dma_start3A_749 = arith.constant 0 : i32
        %dma_start3A_750 = tpu.memref_slice %arg7[%dma_start3A_743, %dma_start3A_744, %dma_start3A_749] : memref<4x2x128xi32, #tpu.memory_space<vmem>> -> memref<1x1x128xi32, #tpu.memory_space<vmem>>
        %dma_start3A_751 = tpu.memref_squeeze %dma_start3A_750 : memref<1x1x128xi32, #tpu.memory_space<vmem>> -> memref<128xi32, #tpu.memory_space<vmem>>
        %dma_start3A_752 = tpu.memref_slice %arg2[%add3A_742] : memref<327680xi32, #tpu.memory_space<hbm>> -> memref<128xi32, #tpu.memory_space<hbm>>
        tpu.enqueue_dma source(%dma_start3A_752 : memref<128xi32, #tpu.memory_space<hbm>>) target(%dma_start3A_751 : memref<128xi32, #tpu.memory_space<vmem>>) target_semaphore(%arg13 : memref<!tpu.dma_semaphore, #tpu.memory_space<semaphore_mem>>)
        %mul3A_753 = arith.constant 128 : i32
        %mul3A_754 = arith.muli %add3A_739, %mul3A_753 : i32
        %add3A_755 = arith.addi %mul3A_21, %mul3A_754 : i32
        %dma_start3A_756 = arith.constant 3 : i32
        %dma_start3A_757 = arith.constant 1 : i32
        %dma_start3A_758 = arith.constant 0 : i32
        %dma_start3A_759 = tpu.memref_slice %arg7[%dma_start3A_756, %dma_start3A_757, %dma_start3A_758] : memref<4x2x128xi32, #tpu.memory_space<vmem>> -> memref<1x1x128xi32, #tpu.memory_space<vmem>>
        %dma_start3A_760 = tpu.memref_squeeze %dma_start3A_759 : memref<1x1x128xi32, #tpu.memory_space<vmem>> -> memref<128xi32, #tpu.memory_space<vmem>>
        %dma_start3A_761 = tpu.memref_slice %arg3[%add3A_755] : memref<327680xi32, #tpu.memory_space<hbm>> -> memref<128xi32, #tpu.memory_space<hbm>>
        %dma_start3A_762 = arith.constant 0 : i32
        %dma_start3A_763 = tpu.memref_slice %arg7[%dma_start3A_756, %dma_start3A_757, %dma_start3A_762] : memref<4x2x128xi32, #tpu.memory_space<vmem>> -> memref<1x1x128xi32, #tpu.memory_space<vmem>>
        %dma_start3A_764 = tpu.memref_squeeze %dma_start3A_763 : memref<1x1x128xi32, #tpu.memory_space<vmem>> -> memref<128xi32, #tpu.memory_space<vmem>>
        %dma_start3A_765 = tpu.memref_slice %arg3[%add3A_755] : memref<327680xi32, #tpu.memory_space<hbm>> -> memref<128xi32, #tpu.memory_space<hbm>>
        tpu.enqueue_dma source(%dma_start3A_765 : memref<128xi32, #tpu.memory_space<hbm>>) target(%dma_start3A_764 : memref<128xi32, #tpu.memory_space<vmem>>) target_semaphore(%arg13 : memref<!tpu.dma_semaphore, #tpu.memory_space<semaphore_mem>>)
      } else {
      }
      %mul3A_584 = arith.constant 4 : i32
      %mul3A_585 = arith.muli %mul3A_584, %add3A_433 : i32
      %add3A_586 = arith.constant 4 : i32
      %add3A_587 = arith.addi %add3A_586, %mul3A_585 : i32
      %add3A_588 = arith.constant 2 : i32
      %add3A_589 = arith.addi %add3A_587, %add3A_588 : i32
      %mul3A_590 = arith.constant 128 : i32
      %mul3A_591 = arith.muli %add3A_589, %mul3A_590 : i32
      %add3A_592 = arith.addi %mul3A_21, %mul3A_591 : i32
      %dma_wait3A_593 = arith.constant 2 : i32
      %dma_wait3A_594 = arith.constant 0 : i32
      %dma_wait3A_595 = arith.constant 0 : i32
      %dma_wait3A_596 = tpu.memref_slice %arg7[%dma_wait3A_593, %dma_wait3A_594, %dma_wait3A_595] : memref<4x2x128xi32, #tpu.memory_space<vmem>> -> memref<1x1x128xi32, #tpu.memory_space<vmem>>
      %dma_wait3A_597 = tpu.memref_squeeze %dma_wait3A_596 : memref<1x1x128xi32, #tpu.memory_space<vmem>> -> memref<128xi32, #tpu.memory_space<vmem>>
      %dma_wait3A_598 = tpu.memref_slice %arg2[%add3A_592] : memref<327680xi32, #tpu.memory_space<hbm>> -> memref<128xi32, #tpu.memory_space<hbm>>
      %dma_wait3A_599 = arith.constant 0 : i32
      %dma_wait3A_600 = tpu.memref_slice %arg7[%dma_wait3A_593, %dma_wait3A_594, %dma_wait3A_599] : memref<4x2x128xi32, #tpu.memory_space<vmem>> -> memref<1x1x128xi32, #tpu.memory_space<vmem>>
      %dma_wait3A_601 = tpu.memref_squeeze %dma_wait3A_600 : memref<1x1x128xi32, #tpu.memory_space<vmem>> -> memref<128xi32, #tpu.memory_space<vmem>>
      %dma_wait3A_602 = tpu.memref_slice %arg2[%add3A_592] : memref<327680xi32, #tpu.memory_space<hbm>> -> memref<128xi32, #tpu.memory_space<hbm>>
      tpu.wait_dma2 semaphore(%arg12 : memref<!tpu.dma_semaphore, #tpu.memory_space<semaphore_mem>>) src(%dma_wait3A_602 : memref<128xi32, #tpu.memory_space<hbm>>) dst(%dma_wait3A_601 : memref<128xi32, #tpu.memory_space<vmem>>)
      %mul3A_603 = arith.constant 128 : i32
      %mul3A_604 = arith.muli %add3A_589, %mul3A_603 : i32
      %add3A_605 = arith.addi %mul3A_21, %mul3A_604 : i32
      %dma_wait3A_606 = arith.constant 2 : i32
      %dma_wait3A_607 = arith.constant 1 : i32
      %dma_wait3A_608 = arith.constant 0 : i32
      %dma_wait3A_609 = tpu.memref_slice %arg7[%dma_wait3A_606, %dma_wait3A_607, %dma_wait3A_608] : memref<4x2x128xi32, #tpu.memory_space<vmem>> -> memref<1x1x128xi32, #tpu.memory_space<vmem>>
      %dma_wait3A_610 = tpu.memref_squeeze %dma_wait3A_609 : memref<1x1x128xi32, #tpu.memory_space<vmem>> -> memref<128xi32, #tpu.memory_space<vmem>>
      %dma_wait3A_611 = tpu.memref_slice %arg3[%add3A_605] : memref<327680xi32, #tpu.memory_space<hbm>> -> memref<128xi32, #tpu.memory_space<hbm>>
      %dma_wait3A_612 = arith.constant 0 : i32
      %dma_wait3A_613 = tpu.memref_slice %arg7[%dma_wait3A_606, %dma_wait3A_607, %dma_wait3A_612] : memref<4x2x128xi32, #tpu.memory_space<vmem>> -> memref<1x1x128xi32, #tpu.memory_space<vmem>>
      %dma_wait3A_614 = tpu.memref_squeeze %dma_wait3A_613 : memref<1x1x128xi32, #tpu.memory_space<vmem>> -> memref<128xi32, #tpu.memory_space<vmem>>
      %dma_wait3A_615 = tpu.memref_slice %arg3[%add3A_605] : memref<327680xi32, #tpu.memory_space<hbm>> -> memref<128xi32, #tpu.memory_space<hbm>>
      tpu.wait_dma2 semaphore(%arg12 : memref<!tpu.dma_semaphore, #tpu.memory_space<semaphore_mem>>) src(%dma_wait3A_615 : memref<128xi32, #tpu.memory_space<hbm>>) dst(%dma_wait3A_614 : memref<128xi32, #tpu.memory_space<vmem>>)
      %sub3A_616 = arith.constant 2 : i32
      %sub3A_617 = arith.subi %add3A_589, %sub3A_616 : i32
      %dma_wait3A_618 = arith.constant 0 : i32
      %dma_wait3A_619 = arith.constant 1 : i32
      %dma_wait3A_620 = arith.constant 0 : i32
      %dma_wait3A_621 = tpu.memref_slice %arg7[%dma_wait3A_618, %dma_wait3A_619, %dma_wait3A_620] : memref<4x2x128xi32, #tpu.memory_space<vmem>> -> memref<1x1x128xi32, #tpu.memory_space<vmem>>
      %dma_wait3A_622 = tpu.memref_squeeze %dma_wait3A_621 : memref<1x1x128xi32, #tpu.memory_space<vmem>> -> memref<128xi32, #tpu.memory_space<vmem>>
      %dma_wait3A_623 = arith.constant 0 : i32
      %dma_wait3A_624 = arith.constant 0 : i32
      %dma_wait3A_625 = tpu.memref_slice %arg6[%dma_wait3A_623, %dma_wait3A_624] : memref<10240x128xf32, #tpu.memory_space<vmem_shared>> -> memref<10240x128xf32, #tpu.memory_space<vmem_shared>>
      tpu.wait_indirect_dma semaphore(%arg16 : memref<!tpu.dma_semaphore, #tpu.memory_space<semaphore_mem>>) src(%arg8 : memref<128x128xf32, #tpu.memory_space<vmem>>) dst(%dma_wait3A_625 : memref<10240x128xf32, #tpu.memory_space<vmem_shared>>)
      %dma_start3A_626 = arith.constant 2 : i32
      %dma_start3A_627 = arith.constant 0 : i32
      %dma_start3A_628 = arith.constant 0 : i32
      %dma_start3A_629 = tpu.memref_slice %arg7[%dma_start3A_626, %dma_start3A_627, %dma_start3A_628] : memref<4x2x128xi32, #tpu.memory_space<vmem>> -> memref<1x1x128xi32, #tpu.memory_space<vmem>>
      %dma_start3A_630 = tpu.memref_squeeze %dma_start3A_629 : memref<1x1x128xi32, #tpu.memory_space<vmem>> -> memref<128xi32, #tpu.memory_space<vmem>>
      %dma_start3A_631 = arith.constant 0 : i32
      %dma_start3A_632 = arith.constant 0 : i32
      %dma_start3A_633 = tpu.memref_slice %arg4[%dma_start3A_631, %dma_start3A_632] : memref<10000x128xf32, #tpu.memory_space<hbm>> -> memref<10000x128xf32, #tpu.memory_space<hbm>>
      tpu.enqueue_indirect_dma source(%dma_start3A_633 : memref<10000x128xf32, #tpu.memory_space<hbm>>) target(%arg8 : memref<128x128xf32, #tpu.memory_space<vmem>>) offsets(%dma_start3A_630 : memref<128xi32, #tpu.memory_space<vmem>>) semaphore(%arg14 : memref<!tpu.dma_semaphore, #tpu.memory_space<semaphore_mem>>)
      %sub3A_634 = arith.constant 1 : i32
      %sub3A_635 = arith.subi %add3A_589, %sub3A_634 : i32
      %dma_wait3A_636 = arith.constant 1 : i32
      %dma_wait3A_637 = arith.constant 0 : i32
      %dma_wait3A_638 = arith.constant 0 : i32
      %dma_wait3A_639 = tpu.memref_slice %arg7[%dma_wait3A_636, %dma_wait3A_637, %dma_wait3A_638] : memref<4x2x128xi32, #tpu.memory_space<vmem>> -> memref<1x1x128xi32, #tpu.memory_space<vmem>>
      %dma_wait3A_640 = tpu.memref_squeeze %dma_wait3A_639 : memref<1x1x128xi32, #tpu.memory_space<vmem>> -> memref<128xi32, #tpu.memory_space<vmem>>
      %dma_wait3A_641 = arith.constant 0 : i32
      %dma_wait3A_642 = arith.constant 0 : i32
      %dma_wait3A_643 = tpu.memref_slice %arg4[%dma_wait3A_641, %dma_wait3A_642] : memref<10000x128xf32, #tpu.memory_space<hbm>> -> memref<10000x128xf32, #tpu.memory_space<hbm>>
      tpu.wait_indirect_dma semaphore(%arg15 : memref<!tpu.dma_semaphore, #tpu.memory_space<semaphore_mem>>) src(%dma_wait3A_643 : memref<10000x128xf32, #tpu.memory_space<hbm>>) dst(%arg9 : memref<128x128xf32, #tpu.memory_space<vmem>>)
      %sub3A_644 = arith.constant 1 : i32
      %sub3A_645 = arith.subi %add3A_589, %sub3A_644 : i32
      %dma_start3A_646 = arith.constant 1 : i32
      %dma_start3A_647 = arith.constant 1 : i32
      %dma_start3A_648 = arith.constant 0 : i32
      %dma_start3A_649 = tpu.memref_slice %arg7[%dma_start3A_646, %dma_start3A_647, %dma_start3A_648] : memref<4x2x128xi32, #tpu.memory_space<vmem>> -> memref<1x1x128xi32, #tpu.memory_space<vmem>>
      %dma_start3A_650 = tpu.memref_squeeze %dma_start3A_649 : memref<1x1x128xi32, #tpu.memory_space<vmem>> -> memref<128xi32, #tpu.memory_space<vmem>>
      %dma_start3A_651 = arith.constant 0 : i32
      %dma_start3A_652 = arith.constant 0 : i32
      %dma_start3A_653 = tpu.memref_slice %arg6[%dma_start3A_651, %dma_start3A_652] : memref<10240x128xf32, #tpu.memory_space<vmem_shared>> -> memref<10240x128xf32, #tpu.memory_space<vmem_shared>>
      tpu.enqueue_indirect_dma source(%arg9 : memref<128x128xf32, #tpu.memory_space<vmem>>) target(%dma_start3A_653 : memref<10240x128xf32, #tpu.memory_space<vmem_shared>>) offsets(%dma_start3A_650 : memref<128xi32, #tpu.memory_space<vmem>>) semaphore(%arg17 : memref<!tpu.dma_semaphore, #tpu.memory_space<semaphore_mem>>) {add = true}
      %add3A_654 = arith.constant 2 : i32
      %add3A_655 = arith.addi %add3A_589, %add3A_654 : i32
      %lt3A_656 = arith.constant 80 : i32
      %lt3A_657 = arith.cmpi slt, %add3A_655, %lt3A_656 : i32
      %convert_element_type3A_658 = arith.extui %lt3A_657 : i1 to i32
      %cond3A_659 = arith.constant 0 : i32
      %cond3A_660 = arith.cmpi ne, %convert_element_type3A_658, %cond3A_659 : i32
      scf.if %cond3A_660 {
        %add3A_738 = arith.constant 2 : i32
        %add3A_739 = arith.addi %add3A_589, %add3A_738 : i32
        %mul3A_740 = arith.constant 128 : i32
        %mul3A_741 = arith.muli %add3A_739, %mul3A_740 : i32
        %add3A_742 = arith.addi %mul3A_21, %mul3A_741 : i32
        %dma_start3A_743 = arith.constant 0 : i32
        %dma_start3A_744 = arith.constant 0 : i32
        %dma_start3A_745 = arith.constant 0 : i32
        %dma_start3A_746 = tpu.memref_slice %arg7[%dma_start3A_743, %dma_start3A_744, %dma_start3A_745] : memref<4x2x128xi32, #tpu.memory_space<vmem>> -> memref<1x1x128xi32, #tpu.memory_space<vmem>>
        %dma_start3A_747 = tpu.memref_squeeze %dma_start3A_746 : memref<1x1x128xi32, #tpu.memory_space<vmem>> -> memref<128xi32, #tpu.memory_space<vmem>>
        %dma_start3A_748 = tpu.memref_slice %arg2[%add3A_742] : memref<327680xi32, #tpu.memory_space<hbm>> -> memref<128xi32, #tpu.memory_space<hbm>>
        %dma_start3A_749 = arith.constant 0 : i32
        %dma_start3A_750 = tpu.memref_slice %arg7[%dma_start3A_743, %dma_start3A_744, %dma_start3A_749] : memref<4x2x128xi32, #tpu.memory_space<vmem>> -> memref<1x1x128xi32, #tpu.memory_space<vmem>>
        %dma_start3A_751 = tpu.memref_squeeze %dma_start3A_750 : memref<1x1x128xi32, #tpu.memory_space<vmem>> -> memref<128xi32, #tpu.memory_space<vmem>>
        %dma_start3A_752 = tpu.memref_slice %arg2[%add3A_742] : memref<327680xi32, #tpu.memory_space<hbm>> -> memref<128xi32, #tpu.memory_space<hbm>>
        tpu.enqueue_dma source(%dma_start3A_752 : memref<128xi32, #tpu.memory_space<hbm>>) target(%dma_start3A_751 : memref<128xi32, #tpu.memory_space<vmem>>) target_semaphore(%arg10 : memref<!tpu.dma_semaphore, #tpu.memory_space<semaphore_mem>>)
        %mul3A_753 = arith.constant 128 : i32
        %mul3A_754 = arith.muli %add3A_739, %mul3A_753 : i32
        %add3A_755 = arith.addi %mul3A_21, %mul3A_754 : i32
        %dma_start3A_756 = arith.constant 0 : i32
        %dma_start3A_757 = arith.constant 1 : i32
        %dma_start3A_758 = arith.constant 0 : i32
        %dma_start3A_759 = tpu.memref_slice %arg7[%dma_start3A_756, %dma_start3A_757, %dma_start3A_758] : memref<4x2x128xi32, #tpu.memory_space<vmem>> -> memref<1x1x128xi32, #tpu.memory_space<vmem>>
        %dma_start3A_760 = tpu.memref_squeeze %dma_start3A_759 : memref<1x1x128xi32, #tpu.memory_space<vmem>> -> memref<128xi32, #tpu.memory_space<vmem>>
        %dma_start3A_761 = tpu.memref_slice %arg3[%add3A_755] : memref<327680xi32, #tpu.memory_space<hbm>> -> memref<128xi32, #tpu.memory_space<hbm>>
        %dma_start3A_762 = arith.constant 0 : i32
        %dma_start3A_763 = tpu.memref_slice %arg7[%dma_start3A_756, %dma_start3A_757, %dma_start3A_762] : memref<4x2x128xi32, #tpu.memory_space<vmem>> -> memref<1x1x128xi32, #tpu.memory_space<vmem>>
        %dma_start3A_764 = tpu.memref_squeeze %dma_start3A_763 : memref<1x1x128xi32, #tpu.memory_space<vmem>> -> memref<128xi32, #tpu.memory_space<vmem>>
        %dma_start3A_765 = tpu.memref_slice %arg3[%add3A_755] : memref<327680xi32, #tpu.memory_space<hbm>> -> memref<128xi32, #tpu.memory_space<hbm>>
        tpu.enqueue_dma source(%dma_start3A_765 : memref<128xi32, #tpu.memory_space<hbm>>) target(%dma_start3A_764 : memref<128xi32, #tpu.memory_space<vmem>>) target_semaphore(%arg10 : memref<!tpu.dma_semaphore, #tpu.memory_space<semaphore_mem>>)
      } else {
      }
      %mul3A_661 = arith.constant 4 : i32
      %mul3A_662 = arith.muli %mul3A_661, %add3A_433 : i32
      %add3A_663 = arith.constant 4 : i32
      %add3A_664 = arith.addi %add3A_663, %mul3A_662 : i32
      %add3A_665 = arith.constant 3 : i32
      %add3A_666 = arith.addi %add3A_664, %add3A_665 : i32
      %mul3A_667 = arith.constant 128 : i32
      %mul3A_668 = arith.muli %add3A_666, %mul3A_667 : i32
      %add3A_669 = arith.addi %mul3A_21, %mul3A_668 : i32
      %dma_wait3A_670 = arith.constant 3 : i32
      %dma_wait3A_671 = arith.constant 0 : i32
      %dma_wait3A_672 = arith.constant 0 : i32
      %dma_wait3A_673 = tpu.memref_slice %arg7[%dma_wait3A_670, %dma_wait3A_671, %dma_wait3A_672] : memref<4x2x128xi32, #tpu.memory_space<vmem>> -> memref<1x1x128xi32, #tpu.memory_space<vmem>>
      %dma_wait3A_674 = tpu.memref_squeeze %dma_wait3A_673 : memref<1x1x128xi32, #tpu.memory_space<vmem>> -> memref<128xi32, #tpu.memory_space<vmem>>
      %dma_wait3A_675 = tpu.memref_slice %arg2[%add3A_669] : memref<327680xi32, #tpu.memory_space<hbm>> -> memref<128xi32, #tpu.memory_space<hbm>>
      %dma_wait3A_676 = arith.constant 0 : i32
      %dma_wait3A_677 = tpu.memref_slice %arg7[%dma_wait3A_670, %dma_wait3A_671, %dma_wait3A_676] : memref<4x2x128xi32, #tpu.memory_space<vmem>> -> memref<1x1x128xi32, #tpu.memory_space<vmem>>
      %dma_wait3A_678 = tpu.memref_squeeze %dma_wait3A_677 : memref<1x1x128xi32, #tpu.memory_space<vmem>> -> memref<128xi32, #tpu.memory_space<vmem>>
      %dma_wait3A_679 = tpu.memref_slice %arg2[%add3A_669] : memref<327680xi32, #tpu.memory_space<hbm>> -> memref<128xi32, #tpu.memory_space<hbm>>
      tpu.wait_dma2 semaphore(%arg13 : memref<!tpu.dma_semaphore, #tpu.memory_space<semaphore_mem>>) src(%dma_wait3A_679 : memref<128xi32, #tpu.memory_space<hbm>>) dst(%dma_wait3A_678 : memref<128xi32, #tpu.memory_space<vmem>>)
      %mul3A_680 = arith.constant 128 : i32
      %mul3A_681 = arith.muli %add3A_666, %mul3A_680 : i32
      %add3A_682 = arith.addi %mul3A_21, %mul3A_681 : i32
      %dma_wait3A_683 = arith.constant 3 : i32
      %dma_wait3A_684 = arith.constant 1 : i32
      %dma_wait3A_685 = arith.constant 0 : i32
      %dma_wait3A_686 = tpu.memref_slice %arg7[%dma_wait3A_683, %dma_wait3A_684, %dma_wait3A_685] : memref<4x2x128xi32, #tpu.memory_space<vmem>> -> memref<1x1x128xi32, #tpu.memory_space<vmem>>
      %dma_wait3A_687 = tpu.memref_squeeze %dma_wait3A_686 : memref<1x1x128xi32, #tpu.memory_space<vmem>> -> memref<128xi32, #tpu.memory_space<vmem>>
      %dma_wait3A_688 = tpu.memref_slice %arg3[%add3A_682] : memref<327680xi32, #tpu.memory_space<hbm>> -> memref<128xi32, #tpu.memory_space<hbm>>
      %dma_wait3A_689 = arith.constant 0 : i32
      %dma_wait3A_690 = tpu.memref_slice %arg7[%dma_wait3A_683, %dma_wait3A_684, %dma_wait3A_689] : memref<4x2x128xi32, #tpu.memory_space<vmem>> -> memref<1x1x128xi32, #tpu.memory_space<vmem>>
      %dma_wait3A_691 = tpu.memref_squeeze %dma_wait3A_690 : memref<1x1x128xi32, #tpu.memory_space<vmem>> -> memref<128xi32, #tpu.memory_space<vmem>>
      %dma_wait3A_692 = tpu.memref_slice %arg3[%add3A_682] : memref<327680xi32, #tpu.memory_space<hbm>> -> memref<128xi32, #tpu.memory_space<hbm>>
      tpu.wait_dma2 semaphore(%arg13 : memref<!tpu.dma_semaphore, #tpu.memory_space<semaphore_mem>>) src(%dma_wait3A_692 : memref<128xi32, #tpu.memory_space<hbm>>) dst(%dma_wait3A_691 : memref<128xi32, #tpu.memory_space<vmem>>)
      %sub3A_693 = arith.constant 2 : i32
      %sub3A_694 = arith.subi %add3A_666, %sub3A_693 : i32
      %dma_wait3A_695 = arith.constant 1 : i32
      %dma_wait3A_696 = arith.constant 1 : i32
      %dma_wait3A_697 = arith.constant 0 : i32
      %dma_wait3A_698 = tpu.memref_slice %arg7[%dma_wait3A_695, %dma_wait3A_696, %dma_wait3A_697] : memref<4x2x128xi32, #tpu.memory_space<vmem>> -> memref<1x1x128xi32, #tpu.memory_space<vmem>>
      %dma_wait3A_699 = tpu.memref_squeeze %dma_wait3A_698 : memref<1x1x128xi32, #tpu.memory_space<vmem>> -> memref<128xi32, #tpu.memory_space<vmem>>
      %dma_wait3A_700 = arith.constant 0 : i32
      %dma_wait3A_701 = arith.constant 0 : i32
      %dma_wait3A_702 = tpu.memref_slice %arg6[%dma_wait3A_700, %dma_wait3A_701] : memref<10240x128xf32, #tpu.memory_space<vmem_shared>> -> memref<10240x128xf32, #tpu.memory_space<vmem_shared>>
      tpu.wait_indirect_dma semaphore(%arg17 : memref<!tpu.dma_semaphore, #tpu.memory_space<semaphore_mem>>) src(%arg9 : memref<128x128xf32, #tpu.memory_space<vmem>>) dst(%dma_wait3A_702 : memref<10240x128xf32, #tpu.memory_space<vmem_shared>>)
      %dma_start3A_703 = arith.constant 3 : i32
      %dma_start3A_704 = arith.constant 0 : i32
      %dma_start3A_705 = arith.constant 0 : i32
      %dma_start3A_706 = tpu.memref_slice %arg7[%dma_start3A_703, %dma_start3A_704, %dma_start3A_705] : memref<4x2x128xi32, #tpu.memory_space<vmem>> -> memref<1x1x128xi32, #tpu.memory_space<vmem>>
      %dma_start3A_707 = tpu.memref_squeeze %dma_start3A_706 : memref<1x1x128xi32, #tpu.memory_space<vmem>> -> memref<128xi32, #tpu.memory_space<vmem>>
      %dma_start3A_708 = arith.constant 0 : i32
      %dma_start3A_709 = arith.constant 0 : i32
      %dma_start3A_710 = tpu.memref_slice %arg4[%dma_start3A_708, %dma_start3A_709] : memref<10000x128xf32, #tpu.memory_space<hbm>> -> memref<10000x128xf32, #tpu.memory_space<hbm>>
      tpu.enqueue_indirect_dma source(%dma_start3A_710 : memref<10000x128xf32, #tpu.memory_space<hbm>>) target(%arg9 : memref<128x128xf32, #tpu.memory_space<vmem>>) offsets(%dma_start3A_707 : memref<128xi32, #tpu.memory_space<vmem>>) semaphore(%arg15 : memref<!tpu.dma_semaphore, #tpu.memory_space<semaphore_mem>>)
      %sub3A_711 = arith.constant 1 : i32
      %sub3A_712 = arith.subi %add3A_666, %sub3A_711 : i32
      %dma_wait3A_713 = arith.constant 2 : i32
      %dma_wait3A_714 = arith.constant 0 : i32
      %dma_wait3A_715 = arith.constant 0 : i32
      %dma_wait3A_716 = tpu.memref_slice %arg7[%dma_wait3A_713, %dma_wait3A_714, %dma_wait3A_715] : memref<4x2x128xi32, #tpu.memory_space<vmem>> -> memref<1x1x128xi32, #tpu.memory_space<vmem>>
      %dma_wait3A_717 = tpu.memref_squeeze %dma_wait3A_716 : memref<1x1x128xi32, #tpu.memory_space<vmem>> -> memref<128xi32, #tpu.memory_space<vmem>>
      %dma_wait3A_718 = arith.constant 0 : i32
      %dma_wait3A_719 = arith.constant 0 : i32
      %dma_wait3A_720 = tpu.memref_slice %arg4[%dma_wait3A_718, %dma_wait3A_719] : memref<10000x128xf32, #tpu.memory_space<hbm>> -> memref<10000x128xf32, #tpu.memory_space<hbm>>
      tpu.wait_indirect_dma semaphore(%arg14 : memref<!tpu.dma_semaphore, #tpu.memory_space<semaphore_mem>>) src(%dma_wait3A_720 : memref<10000x128xf32, #tpu.memory_space<hbm>>) dst(%arg8 : memref<128x128xf32, #tpu.memory_space<vmem>>)
      %sub3A_721 = arith.constant 1 : i32
      %sub3A_722 = arith.subi %add3A_666, %sub3A_721 : i32
      %dma_start3A_723 = arith.constant 2 : i32
      %dma_start3A_724 = arith.constant 1 : i32
      %dma_start3A_725 = arith.constant 0 : i32
      %dma_start3A_726 = tpu.memref_slice %arg7[%dma_start3A_723, %dma_start3A_724, %dma_start3A_725] : memref<4x2x128xi32, #tpu.memory_space<vmem>> -> memref<1x1x128xi32, #tpu.memory_space<vmem>>
      %dma_start3A_727 = tpu.memref_squeeze %dma_start3A_726 : memref<1x1x128xi32, #tpu.memory_space<vmem>> -> memref<128xi32, #tpu.memory_space<vmem>>
      %dma_start3A_728 = arith.constant 0 : i32
      %dma_start3A_729 = arith.constant 0 : i32
      %dma_start3A_730 = tpu.memref_slice %arg6[%dma_start3A_728, %dma_start3A_729] : memref<10240x128xf32, #tpu.memory_space<vmem_shared>> -> memref<10240x128xf32, #tpu.memory_space<vmem_shared>>
      tpu.enqueue_indirect_dma source(%arg8 : memref<128x128xf32, #tpu.memory_space<vmem>>) target(%dma_start3A_730 : memref<10240x128xf32, #tpu.memory_space<vmem_shared>>) offsets(%dma_start3A_727 : memref<128xi32, #tpu.memory_space<vmem>>) semaphore(%arg16 : memref<!tpu.dma_semaphore, #tpu.memory_space<semaphore_mem>>) {add = true}
      %add3A_731 = arith.constant 2 : i32
      %add3A_732 = arith.addi %add3A_666, %add3A_731 : i32
      %lt3A_733 = arith.constant 80 : i32
      %lt3A_734 = arith.cmpi slt, %add3A_732, %lt3A_733 : i32
      %convert_element_type3A_735 = arith.extui %lt3A_734 : i1 to i32
      %cond3A_736 = arith.constant 0 : i32
      %cond3A_737 = arith.cmpi ne, %convert_element_type3A_735, %cond3A_736 : i32
      scf.if %cond3A_737 {
        %add3A_738 = arith.constant 2 : i32
        %add3A_739 = arith.addi %add3A_666, %add3A_738 : i32
        %mul3A_740 = arith.constant 128 : i32
        %mul3A_741 = arith.muli %add3A_739, %mul3A_740 : i32
        %add3A_742 = arith.addi %mul3A_21, %mul3A_741 : i32
        %dma_start3A_743 = arith.constant 1 : i32
        %dma_start3A_744 = arith.constant 0 : i32
        %dma_start3A_745 = arith.constant 0 : i32
        %dma_start3A_746 = tpu.memref_slice %arg7[%dma_start3A_743, %dma_start3A_744, %dma_start3A_745] : memref<4x2x128xi32, #tpu.memory_space<vmem>> -> memref<1x1x128xi32, #tpu.memory_space<vmem>>
        %dma_start3A_747 = tpu.memref_squeeze %dma_start3A_746 : memref<1x1x128xi32, #tpu.memory_space<vmem>> -> memref<128xi32, #tpu.memory_space<vmem>>
        %dma_start3A_748 = tpu.memref_slice %arg2[%add3A_742] : memref<327680xi32, #tpu.memory_space<hbm>> -> memref<128xi32, #tpu.memory_space<hbm>>
        %dma_start3A_749 = arith.constant 0 : i32
        %dma_start3A_750 = tpu.memref_slice %arg7[%dma_start3A_743, %dma_start3A_744, %dma_start3A_749] : memref<4x2x128xi32, #tpu.memory_space<vmem>> -> memref<1x1x128xi32, #tpu.memory_space<vmem>>
        %dma_start3A_751 = tpu.memref_squeeze %dma_start3A_750 : memref<1x1x128xi32, #tpu.memory_space<vmem>> -> memref<128xi32, #tpu.memory_space<vmem>>
        %dma_start3A_752 = tpu.memref_slice %arg2[%add3A_742] : memref<327680xi32, #tpu.memory_space<hbm>> -> memref<128xi32, #tpu.memory_space<hbm>>
        tpu.enqueue_dma source(%dma_start3A_752 : memref<128xi32, #tpu.memory_space<hbm>>) target(%dma_start3A_751 : memref<128xi32, #tpu.memory_space<vmem>>) target_semaphore(%arg11 : memref<!tpu.dma_semaphore, #tpu.memory_space<semaphore_mem>>)
        %mul3A_753 = arith.constant 128 : i32
        %mul3A_754 = arith.muli %add3A_739, %mul3A_753 : i32
        %add3A_755 = arith.addi %mul3A_21, %mul3A_754 : i32
        %dma_start3A_756 = arith.constant 1 : i32
        %dma_start3A_757 = arith.constant 1 : i32
        %dma_start3A_758 = arith.constant 0 : i32
        %dma_start3A_759 = tpu.memref_slice %arg7[%dma_start3A_756, %dma_start3A_757, %dma_start3A_758] : memref<4x2x128xi32, #tpu.memory_space<vmem>> -> memref<1x1x128xi32, #tpu.memory_space<vmem>>
        %dma_start3A_760 = tpu.memref_squeeze %dma_start3A_759 : memref<1x1x128xi32, #tpu.memory_space<vmem>> -> memref<128xi32, #tpu.memory_space<vmem>>
        %dma_start3A_761 = tpu.memref_slice %arg3[%add3A_755] : memref<327680xi32, #tpu.memory_space<hbm>> -> memref<128xi32, #tpu.memory_space<hbm>>
        %dma_start3A_762 = arith.constant 0 : i32
        %dma_start3A_763 = tpu.memref_slice %arg7[%dma_start3A_756, %dma_start3A_757, %dma_start3A_762] : memref<4x2x128xi32, #tpu.memory_space<vmem>> -> memref<1x1x128xi32, #tpu.memory_space<vmem>>
        %dma_start3A_764 = tpu.memref_squeeze %dma_start3A_763 : memref<1x1x128xi32, #tpu.memory_space<vmem>> -> memref<128xi32, #tpu.memory_space<vmem>>
        %dma_start3A_765 = tpu.memref_slice %arg3[%add3A_755] : memref<327680xi32, #tpu.memory_space<hbm>> -> memref<128xi32, #tpu.memory_space<hbm>>
        tpu.enqueue_dma source(%dma_start3A_765 : memref<128xi32, #tpu.memory_space<hbm>>) target(%dma_start3A_764 : memref<128xi32, #tpu.memory_space<vmem>>) target_semaphore(%arg11 : memref<!tpu.dma_semaphore, #tpu.memory_space<semaphore_mem>>)
      } else {
      }
    }
    %scan3A_360 = arith.constant 19 : i32
    %dma_wait3A_361 = arith.constant 3 : i32
    %dma_wait3A_362 = arith.constant 0 : i32
    %dma_wait3A_363 = arith.constant 0 : i32
    %dma_wait3A_364 = tpu.memref_slice %arg7[%dma_wait3A_361, %dma_wait3A_362, %dma_wait3A_363] : memref<4x2x128xi32, #tpu.memory_space<vmem>> -> memref<1x1x128xi32, #tpu.memory_space<vmem>>
    %dma_wait3A_365 = tpu.memref_squeeze %dma_wait3A_364 : memref<1x1x128xi32, #tpu.memory_space<vmem>> -> memref<128xi32, #tpu.memory_space<vmem>>
    %dma_wait3A_366 = arith.constant 0 : i32
    %dma_wait3A_367 = arith.constant 0 : i32
    %dma_wait3A_368 = tpu.memref_slice %arg4[%dma_wait3A_366, %dma_wait3A_367] : memref<10000x128xf32, #tpu.memory_space<hbm>> -> memref<10000x128xf32, #tpu.memory_space<hbm>>
    tpu.wait_indirect_dma semaphore(%arg15 : memref<!tpu.dma_semaphore, #tpu.memory_space<semaphore_mem>>) src(%dma_wait3A_368 : memref<10000x128xf32, #tpu.memory_space<hbm>>) dst(%arg9 : memref<128x128xf32, #tpu.memory_space<vmem>>)
    %dma_start3A_369 = arith.constant 3 : i32
    %dma_start3A_370 = arith.constant 1 : i32
    %dma_start3A_371 = arith.constant 0 : i32
    %dma_start3A_372 = tpu.memref_slice %arg7[%dma_start3A_369, %dma_start3A_370, %dma_start3A_371] : memref<4x2x128xi32, #tpu.memory_space<vmem>> -> memref<1x1x128xi32, #tpu.memory_space<vmem>>
    %dma_start3A_373 = tpu.memref_squeeze %dma_start3A_372 : memref<1x1x128xi32, #tpu.memory_space<vmem>> -> memref<128xi32, #tpu.memory_space<vmem>>
    %dma_start3A_374 = arith.constant 0 : i32
    %dma_start3A_375 = arith.constant 0 : i32
    %dma_start3A_376 = tpu.memref_slice %arg6[%dma_start3A_374, %dma_start3A_375] : memref<10240x128xf32, #tpu.memory_space<vmem_shared>> -> memref<10240x128xf32, #tpu.memory_space<vmem_shared>>
    tpu.enqueue_indirect_dma source(%arg9 : memref<128x128xf32, #tpu.memory_space<vmem>>) target(%dma_start3A_376 : memref<10240x128xf32, #tpu.memory_space<vmem_shared>>) offsets(%dma_start3A_373 : memref<128xi32, #tpu.memory_space<vmem>>) semaphore(%arg17 : memref<!tpu.dma_semaphore, #tpu.memory_space<semaphore_mem>>) {add = true}
    %dma_wait3A_377 = arith.constant 2 : i32
    %dma_wait3A_378 = arith.constant 1 : i32
    %dma_wait3A_379 = arith.constant 0 : i32
    %dma_wait3A_380 = tpu.memref_slice %arg7[%dma_wait3A_377, %dma_wait3A_378, %dma_wait3A_379] : memref<4x2x128xi32, #tpu.memory_space<vmem>> -> memref<1x1x128xi32, #tpu.memory_space<vmem>>
    %dma_wait3A_381 = tpu.memref_squeeze %dma_wait3A_380 : memref<1x1x128xi32, #tpu.memory_space<vmem>> -> memref<128xi32, #tpu.memory_space<vmem>>
    %dma_wait3A_382 = arith.constant 0 : i32
    %dma_wait3A_383 = arith.constant 0 : i32
    %dma_wait3A_384 = tpu.memref_slice %arg6[%dma_wait3A_382, %dma_wait3A_383] : memref<10240x128xf32, #tpu.memory_space<vmem_shared>> -> memref<10240x128xf32, #tpu.memory_space<vmem_shared>>
    tpu.wait_indirect_dma semaphore(%arg16 : memref<!tpu.dma_semaphore, #tpu.memory_space<semaphore_mem>>) src(%arg8 : memref<128x128xf32, #tpu.memory_space<vmem>>) dst(%dma_wait3A_384 : memref<10240x128xf32, #tpu.memory_space<vmem_shared>>)
    %dma_wait3A_385 = arith.constant 3 : i32
    %dma_wait3A_386 = arith.constant 1 : i32
    %dma_wait3A_387 = arith.constant 0 : i32
    %dma_wait3A_388 = tpu.memref_slice %arg7[%dma_wait3A_385, %dma_wait3A_386, %dma_wait3A_387] : memref<4x2x128xi32, #tpu.memory_space<vmem>> -> memref<1x1x128xi32, #tpu.memory_space<vmem>>
    %dma_wait3A_389 = tpu.memref_squeeze %dma_wait3A_388 : memref<1x1x128xi32, #tpu.memory_space<vmem>> -> memref<128xi32, #tpu.memory_space<vmem>>
    %dma_wait3A_390 = arith.constant 0 : i32
    %dma_wait3A_391 = arith.constant 0 : i32
    %dma_wait3A_392 = tpu.memref_slice %arg6[%dma_wait3A_390, %dma_wait3A_391] : memref<10240x128xf32, #tpu.memory_space<vmem_shared>> -> memref<10240x128xf32, #tpu.memory_space<vmem_shared>>
    tpu.wait_indirect_dma semaphore(%arg17 : memref<!tpu.dma_semaphore, #tpu.memory_space<semaphore_mem>>) src(%arg9 : memref<128x128xf32, #tpu.memory_space<vmem>>) dst(%dma_wait3A_392 : memref<10240x128xf32, #tpu.memory_space<vmem_shared>>)
    %barrier3A_393 = arith.constant 0 : index
    tpu.barrier barrier_id(%barrier3A_393)
    %add3A_394 = arith.constant 0 : i32
    %add3A_395 = arith.addi %mul3A_7, %add3A_394 : i32
    "tpu.region"() ({
      %run_scoped3A = tpu.sem_alloc : memref<!tpu.dma_semaphore, #tpu.memory_space<semaphore_mem>>
      %dma_start3A_429 = arith.constant 0 : i32
      %dma_start3A_430 = tpu.memref_slice %arg6[%add3A_395, %dma_start3A_429] : memref<10240x128xf32, #tpu.memory_space<vmem_shared>> -> memref<128x128xf32, #tpu.memory_space<vmem_shared>>
      %dma_start3A_431 = arith.constant 0 : i32
      %dma_start3A_432 = tpu.memref_slice %arg6[%add3A_395, %dma_start3A_431] : memref<10240x128xf32, #tpu.memory_space<vmem_shared>> -> memref<128x128xf32, #tpu.memory_space<vmem_shared>>
      tpu.enqueue_dma source(%dma_start3A_432 : memref<128x128xf32, #tpu.memory_space<vmem_shared>>) target(%arg8 : memref<128x128xf32, #tpu.memory_space<vmem>>) target_semaphore(%run_scoped3A : memref<!tpu.dma_semaphore, #tpu.memory_space<semaphore_mem>>)
      %dma_wait3A_433 = arith.constant 0 : i32
      %dma_wait3A_434 = tpu.memref_slice %arg6[%add3A_395, %dma_wait3A_433] : memref<10240x128xf32, #tpu.memory_space<vmem_shared>> -> memref<128x128xf32, #tpu.memory_space<vmem_shared>>
      %dma_wait3A_435 = arith.constant 0 : i32
      %dma_wait3A_436 = tpu.memref_slice %arg6[%add3A_395, %dma_wait3A_435] : memref<10240x128xf32, #tpu.memory_space<vmem_shared>> -> memref<128x128xf32, #tpu.memory_space<vmem_shared>>
      tpu.wait_dma2 semaphore(%run_scoped3A : memref<!tpu.dma_semaphore, #tpu.memory_space<semaphore_mem>>) src(%dma_wait3A_436 : memref<128x128xf32, #tpu.memory_space<vmem_shared>>) dst(%arg8 : memref<128x128xf32, #tpu.memory_space<vmem>>)
      tpu.yield
    }) : () -> ()
    %mul3A_396 = arith.constant 10240 : i32
    %mul3A_397 = arith.muli %arg0, %mul3A_396 : i32
    %add3A_398 = arith.addi %mul3A_397, %mul3A_7 : i32
    %add3A_399 = arith.constant 0 : i32
    %add3A_400 = arith.addi %add3A_398, %add3A_399 : i32
    "tpu.region"() ({
      %run_scoped3A = tpu.sem_alloc : memref<!tpu.dma_semaphore, #tpu.memory_space<semaphore_mem>>
      %dma_start3A_429 = arith.constant 0 : i32
      %dma_start3A_430 = tpu.memref_slice %arg5[%add3A_400, %dma_start3A_429] : memref<20480x128xf32, #tpu.memory_space<hbm>> -> memref<128x128xf32, #tpu.memory_space<hbm>>
      %dma_start3A_431 = arith.constant 0 : i32
      %dma_start3A_432 = tpu.memref_slice %arg5[%add3A_400, %dma_start3A_431] : memref<20480x128xf32, #tpu.memory_space<hbm>> -> memref<128x128xf32, #tpu.memory_space<hbm>>
      tpu.enqueue_dma source(%arg8 : memref<128x128xf32, #tpu.memory_space<vmem>>) target(%dma_start3A_432 : memref<128x128xf32, #tpu.memory_space<hbm>>) target_semaphore(%run_scoped3A : memref<!tpu.dma_semaphore, #tpu.memory_space<semaphore_mem>>)
      %dma_wait3A_433 = arith.constant 0 : i32
      %dma_wait3A_434 = tpu.memref_slice %arg5[%add3A_400, %dma_wait3A_433] : memref<20480x128xf32, #tpu.memory_space<hbm>> -> memref<128x128xf32, #tpu.memory_space<hbm>>
      %dma_wait3A_435 = arith.constant 0 : i32
      %dma_wait3A_436 = tpu.memref_slice %arg5[%add3A_400, %dma_wait3A_435] : memref<20480x128xf32, #tpu.memory_space<hbm>> -> memref<128x128xf32, #tpu.memory_space<hbm>>
      tpu.wait_dma2 semaphore(%run_scoped3A : memref<!tpu.dma_semaphore, #tpu.memory_space<semaphore_mem>>) src(%arg8 : memref<128x128xf32, #tpu.memory_space<vmem>>) dst(%dma_wait3A_436 : memref<128x128xf32, #tpu.memory_space<hbm>>)
      tpu.yield
    }) : () -> ()
    %add3A_401 = arith.constant 128 : i32
    %add3A_402 = arith.addi %mul3A_7, %add3A_401 : i32
    "tpu.region"() ({
      %run_scoped3A = tpu.sem_alloc : memref<!tpu.dma_semaphore, #tpu.memory_space<semaphore_mem>>
      %dma_start3A_429 = arith.constant 0 : i32
      %dma_start3A_430 = tpu.memref_slice %arg6[%add3A_402, %dma_start3A_429] : memref<10240x128xf32, #tpu.memory_space<vmem_shared>> -> memref<128x128xf32, #tpu.memory_space<vmem_shared>>
      %dma_start3A_431 = arith.constant 0 : i32
      %dma_start3A_432 = tpu.memref_slice %arg6[%add3A_402, %dma_start3A_431] : memref<10240x128xf32, #tpu.memory_space<vmem_shared>> -> memref<128x128xf32, #tpu.memory_space<vmem_shared>>
      tpu.enqueue_dma source(%dma_start3A_432 : memref<128x128xf32, #tpu.memory_space<vmem_shared>>) target(%arg8 : memref<128x128xf32, #tpu.memory_space<vmem>>) target_semaphore(%run_scoped3A : memref<!tpu.dma_semaphore, #tpu.memory_space<semaphore_mem>>)
      %dma_wait3A_433 = arith.constant 0 : i32
      %dma_wait3A_434 = tpu.memref_slice %arg6[%add3A_402, %dma_wait3A_433] : memref<10240x128xf32, #tpu.memory_space<vmem_shared>> -> memref<128x128xf32, #tpu.memory_space<vmem_shared>>
      %dma_wait3A_435 = arith.constant 0 : i32
      %dma_wait3A_436 = tpu.memref_slice %arg6[%add3A_402, %dma_wait3A_435] : memref<10240x128xf32, #tpu.memory_space<vmem_shared>> -> memref<128x128xf32, #tpu.memory_space<vmem_shared>>
      tpu.wait_dma2 semaphore(%run_scoped3A : memref<!tpu.dma_semaphore, #tpu.memory_space<semaphore_mem>>) src(%dma_wait3A_436 : memref<128x128xf32, #tpu.memory_space<vmem_shared>>) dst(%arg8 : memref<128x128xf32, #tpu.memory_space<vmem>>)
      tpu.yield
    }) : () -> ()
    %mul3A_403 = arith.constant 10240 : i32
    %mul3A_404 = arith.muli %arg0, %mul3A_403 : i32
    %add3A_405 = arith.addi %mul3A_404, %mul3A_7 : i32
    %add3A_406 = arith.constant 128 : i32
    %add3A_407 = arith.addi %add3A_405, %add3A_406 : i32
    "tpu.region"() ({
      %run_scoped3A = tpu.sem_alloc : memref<!tpu.dma_semaphore, #tpu.memory_space<semaphore_mem>>
      %dma_start3A_429 = arith.constant 0 : i32
      %dma_start3A_430 = tpu.memref_slice %arg5[%add3A_407, %dma_start3A_429] : memref<20480x128xf32, #tpu.memory_space<hbm>> -> memref<128x128xf32, #tpu.memory_space<hbm>>
      %dma_start3A_431 = arith.constant 0 : i32
      %dma_start3A_432 = tpu.memref_slice %arg5[%add3A_407, %dma_start3A_431] : memref<20480x128xf32, #tpu.memory_space<hbm>> -> memref<128x128xf32, #tpu.memory_space<hbm>>
      tpu.enqueue_dma source(%arg8 : memref<128x128xf32, #tpu.memory_space<vmem>>) target(%dma_start3A_432 : memref<128x128xf32, #tpu.memory_space<hbm>>) target_semaphore(%run_scoped3A : memref<!tpu.dma_semaphore, #tpu.memory_space<semaphore_mem>>)
      %dma_wait3A_433 = arith.constant 0 : i32
      %dma_wait3A_434 = tpu.memref_slice %arg5[%add3A_407, %dma_wait3A_433] : memref<20480x128xf32, #tpu.memory_space<hbm>> -> memref<128x128xf32, #tpu.memory_space<hbm>>
      %dma_wait3A_435 = arith.constant 0 : i32
      %dma_wait3A_436 = tpu.memref_slice %arg5[%add3A_407, %dma_wait3A_435] : memref<20480x128xf32, #tpu.memory_space<hbm>> -> memref<128x128xf32, #tpu.memory_space<hbm>>
      tpu.wait_dma2 semaphore(%run_scoped3A : memref<!tpu.dma_semaphore, #tpu.memory_space<semaphore_mem>>) src(%arg8 : memref<128x128xf32, #tpu.memory_space<vmem>>) dst(%dma_wait3A_436 : memref<128x128xf32, #tpu.memory_space<hbm>>)
      tpu.yield
    }) : () -> ()
    %add3A_408 = arith.constant 256 : i32
    %add3A_409 = arith.addi %mul3A_7, %add3A_408 : i32
    "tpu.region"() ({
      %run_scoped3A = tpu.sem_alloc : memref<!tpu.dma_semaphore, #tpu.memory_space<semaphore_mem>>
      %dma_start3A_429 = arith.constant 0 : i32
      %dma_start3A_430 = tpu.memref_slice %arg6[%add3A_409, %dma_start3A_429] : memref<10240x128xf32, #tpu.memory_space<vmem_shared>> -> memref<128x128xf32, #tpu.memory_space<vmem_shared>>
      %dma_start3A_431 = arith.constant 0 : i32
      %dma_start3A_432 = tpu.memref_slice %arg6[%add3A_409, %dma_start3A_431] : memref<10240x128xf32, #tpu.memory_space<vmem_shared>> -> memref<128x128xf32, #tpu.memory_space<vmem_shared>>
      tpu.enqueue_dma source(%dma_start3A_432 : memref<128x128xf32, #tpu.memory_space<vmem_shared>>) target(%arg8 : memref<128x128xf32, #tpu.memory_space<vmem>>) target_semaphore(%run_scoped3A : memref<!tpu.dma_semaphore, #tpu.memory_space<semaphore_mem>>)
      %dma_wait3A_433 = arith.constant 0 : i32
      %dma_wait3A_434 = tpu.memref_slice %arg6[%add3A_409, %dma_wait3A_433] : memref<10240x128xf32, #tpu.memory_space<vmem_shared>> -> memref<128x128xf32, #tpu.memory_space<vmem_shared>>
      %dma_wait3A_435 = arith.constant 0 : i32
      %dma_wait3A_436 = tpu.memref_slice %arg6[%add3A_409, %dma_wait3A_435] : memref<10240x128xf32, #tpu.memory_space<vmem_shared>> -> memref<128x128xf32, #tpu.memory_space<vmem_shared>>
      tpu.wait_dma2 semaphore(%run_scoped3A : memref<!tpu.dma_semaphore, #tpu.memory_space<semaphore_mem>>) src(%dma_wait3A_436 : memref<128x128xf32, #tpu.memory_space<vmem_shared>>) dst(%arg8 : memref<128x128xf32, #tpu.memory_space<vmem>>)
      tpu.yield
    }) : () -> ()
    %mul3A_410 = arith.constant 10240 : i32
    %mul3A_411 = arith.muli %arg0, %mul3A_410 : i32
    %add3A_412 = arith.addi %mul3A_411, %mul3A_7 : i32
    %add3A_413 = arith.constant 256 : i32
    %add3A_414 = arith.addi %add3A_412, %add3A_413 : i32
    "tpu.region"() ({
      %run_scoped3A = tpu.sem_alloc : memref<!tpu.dma_semaphore, #tpu.memory_space<semaphore_mem>>
      %dma_start3A_429 = arith.constant 0 : i32
      %dma_start3A_430 = tpu.memref_slice %arg5[%add3A_414, %dma_start3A_429] : memref<20480x128xf32, #tpu.memory_space<hbm>> -> memref<128x128xf32, #tpu.memory_space<hbm>>
      %dma_start3A_431 = arith.constant 0 : i32
      %dma_start3A_432 = tpu.memref_slice %arg5[%add3A_414, %dma_start3A_431] : memref<20480x128xf32, #tpu.memory_space<hbm>> -> memref<128x128xf32, #tpu.memory_space<hbm>>
      tpu.enqueue_dma source(%arg8 : memref<128x128xf32, #tpu.memory_space<vmem>>) target(%dma_start3A_432 : memref<128x128xf32, #tpu.memory_space<hbm>>) target_semaphore(%run_scoped3A : memref<!tpu.dma_semaphore, #tpu.memory_space<semaphore_mem>>)
      %dma_wait3A_433 = arith.constant 0 : i32
      %dma_wait3A_434 = tpu.memref_slice %arg5[%add3A_414, %dma_wait3A_433] : memref<20480x128xf32, #tpu.memory_space<hbm>> -> memref<128x128xf32, #tpu.memory_space<hbm>>
      %dma_wait3A_435 = arith.constant 0 : i32
      %dma_wait3A_436 = tpu.memref_slice %arg5[%add3A_414, %dma_wait3A_435] : memref<20480x128xf32, #tpu.memory_space<hbm>> -> memref<128x128xf32, #tpu.memory_space<hbm>>
      tpu.wait_dma2 semaphore(%run_scoped3A : memref<!tpu.dma_semaphore, #tpu.memory_space<semaphore_mem>>) src(%arg8 : memref<128x128xf32, #tpu.memory_space<vmem>>) dst(%dma_wait3A_436 : memref<128x128xf32, #tpu.memory_space<hbm>>)
      tpu.yield
    }) : () -> ()
    %add3A_415 = arith.constant 384 : i32
    %add3A_416 = arith.addi %mul3A_7, %add3A_415 : i32
    "tpu.region"() ({
      %run_scoped3A = tpu.sem_alloc : memref<!tpu.dma_semaphore, #tpu.memory_space<semaphore_mem>>
      %dma_start3A_429 = arith.constant 0 : i32
      %dma_start3A_430 = tpu.memref_slice %arg6[%add3A_416, %dma_start3A_429] : memref<10240x128xf32, #tpu.memory_space<vmem_shared>> -> memref<128x128xf32, #tpu.memory_space<vmem_shared>>
      %dma_start3A_431 = arith.constant 0 : i32
      %dma_start3A_432 = tpu.memref_slice %arg6[%add3A_416, %dma_start3A_431] : memref<10240x128xf32, #tpu.memory_space<vmem_shared>> -> memref<128x128xf32, #tpu.memory_space<vmem_shared>>
      tpu.enqueue_dma source(%dma_start3A_432 : memref<128x128xf32, #tpu.memory_space<vmem_shared>>) target(%arg8 : memref<128x128xf32, #tpu.memory_space<vmem>>) target_semaphore(%run_scoped3A : memref<!tpu.dma_semaphore, #tpu.memory_space<semaphore_mem>>)
      %dma_wait3A_433 = arith.constant 0 : i32
      %dma_wait3A_434 = tpu.memref_slice %arg6[%add3A_416, %dma_wait3A_433] : memref<10240x128xf32, #tpu.memory_space<vmem_shared>> -> memref<128x128xf32, #tpu.memory_space<vmem_shared>>
      %dma_wait3A_435 = arith.constant 0 : i32
      %dma_wait3A_436 = tpu.memref_slice %arg6[%add3A_416, %dma_wait3A_435] : memref<10240x128xf32, #tpu.memory_space<vmem_shared>> -> memref<128x128xf32, #tpu.memory_space<vmem_shared>>
      tpu.wait_dma2 semaphore(%run_scoped3A : memref<!tpu.dma_semaphore, #tpu.memory_space<semaphore_mem>>) src(%dma_wait3A_436 : memref<128x128xf32, #tpu.memory_space<vmem_shared>>) dst(%arg8 : memref<128x128xf32, #tpu.memory_space<vmem>>)
      tpu.yield
    }) : () -> ()
    %mul3A_417 = arith.constant 10240 : i32
    %mul3A_418 = arith.muli %arg0, %mul3A_417 : i32
    %add3A_419 = arith.addi %mul3A_418, %mul3A_7 : i32
    %add3A_420 = arith.constant 384 : i32
    %add3A_421 = arith.addi %add3A_419, %add3A_420 : i32
    "tpu.region"() ({
      %run_scoped3A = tpu.sem_alloc : memref<!tpu.dma_semaphore, #tpu.memory_space<semaphore_mem>>
      %dma_start3A_429 = arith.constant 0 : i32
      %dma_start3A_430 = tpu.memref_slice %arg5[%add3A_421, %dma_start3A_429] : memref<20480x128xf32, #tpu.memory_space<hbm>> -> memref<128x128xf32, #tpu.memory_space<hbm>>
      %dma_start3A_431 = arith.constant 0 : i32
      %dma_start3A_432 = tpu.memref_slice %arg5[%add3A_421, %dma_start3A_431] : memref<20480x128xf32, #tpu.memory_space<hbm>> -> memref<128x128xf32, #tpu.memory_space<hbm>>
      tpu.enqueue_dma source(%arg8 : memref<128x128xf32, #tpu.memory_space<vmem>>) target(%dma_start3A_432 : memref<128x128xf32, #tpu.memory_space<hbm>>) target_semaphore(%run_scoped3A : memref<!tpu.dma_semaphore, #tpu.memory_space<semaphore_mem>>)
      %dma_wait3A_433 = arith.constant 0 : i32
      %dma_wait3A_434 = tpu.memref_slice %arg5[%add3A_421, %dma_wait3A_433] : memref<20480x128xf32, #tpu.memory_space<hbm>> -> memref<128x128xf32, #tpu.memory_space<hbm>>
      %dma_wait3A_435 = arith.constant 0 : i32
      %dma_wait3A_436 = tpu.memref_slice %arg5[%add3A_421, %dma_wait3A_435] : memref<20480x128xf32, #tpu.memory_space<hbm>> -> memref<128x128xf32, #tpu.memory_space<hbm>>
      tpu.wait_dma2 semaphore(%run_scoped3A : memref<!tpu.dma_semaphore, #tpu.memory_space<semaphore_mem>>) src(%arg8 : memref<128x128xf32, #tpu.memory_space<vmem>>) dst(%dma_wait3A_436 : memref<128x128xf32, #tpu.memory_space<hbm>>)
      tpu.yield
    }) : () -> ()
    %add3A_422 = arith.constant 512 : i32
    %add3A_423 = arith.addi %mul3A_7, %add3A_422 : i32
    "tpu.region"() ({
      %run_scoped3A = tpu.sem_alloc : memref<!tpu.dma_semaphore, #tpu.memory_space<semaphore_mem>>
      %dma_start3A_429 = arith.constant 0 : i32
      %dma_start3A_430 = tpu.memref_slice %arg6[%add3A_423, %dma_start3A_429] : memref<10240x128xf32, #tpu.memory_space<vmem_shared>> -> memref<128x128xf32, #tpu.memory_space<vmem_shared>>
      %dma_start3A_431 = arith.constant 0 : i32
      %dma_start3A_432 = tpu.memref_slice %arg6[%add3A_423, %dma_start3A_431] : memref<10240x128xf32, #tpu.memory_space<vmem_shared>> -> memref<128x128xf32, #tpu.memory_space<vmem_shared>>
      tpu.enqueue_dma source(%dma_start3A_432 : memref<128x128xf32, #tpu.memory_space<vmem_shared>>) target(%arg8 : memref<128x128xf32, #tpu.memory_space<vmem>>) target_semaphore(%run_scoped3A : memref<!tpu.dma_semaphore, #tpu.memory_space<semaphore_mem>>)
      %dma_wait3A_433 = arith.constant 0 : i32
      %dma_wait3A_434 = tpu.memref_slice %arg6[%add3A_423, %dma_wait3A_433] : memref<10240x128xf32, #tpu.memory_space<vmem_shared>> -> memref<128x128xf32, #tpu.memory_space<vmem_shared>>
      %dma_wait3A_435 = arith.constant 0 : i32
      %dma_wait3A_436 = tpu.memref_slice %arg6[%add3A_423, %dma_wait3A_435] : memref<10240x128xf32, #tpu.memory_space<vmem_shared>> -> memref<128x128xf32, #tpu.memory_space<vmem_shared>>
      tpu.wait_dma2 semaphore(%run_scoped3A : memref<!tpu.dma_semaphore, #tpu.memory_space<semaphore_mem>>) src(%dma_wait3A_436 : memref<128x128xf32, #tpu.memory_space<vmem_shared>>) dst(%arg8 : memref<128x128xf32, #tpu.memory_space<vmem>>)
      tpu.yield
    }) : () -> ()
    %mul3A_424 = arith.constant 10240 : i32
    %mul3A_425 = arith.muli %arg0, %mul3A_424 : i32
    %add3A_426 = arith.addi %mul3A_425, %mul3A_7 : i32
    %add3A_427 = arith.constant 512 : i32
    %add3A_428 = arith.addi %add3A_426, %add3A_427 : i32
    "tpu.region"() ({
      %run_scoped3A = tpu.sem_alloc : memref<!tpu.dma_semaphore, #tpu.memory_space<semaphore_mem>>
      %dma_start3A_429 = arith.constant 0 : i32
      %dma_start3A_430 = tpu.memref_slice %arg5[%add3A_428, %dma_start3A_429] : memref<20480x128xf32, #tpu.memory_space<hbm>> -> memref<128x128xf32, #tpu.memory_space<hbm>>
      %dma_start3A_431 = arith.constant 0 : i32
      %dma_start3A_432 = tpu.memref_slice %arg5[%add3A_428, %dma_start3A_431] : memref<20480x128xf32, #tpu.memory_space<hbm>> -> memref<128x128xf32, #tpu.memory_space<hbm>>
      tpu.enqueue_dma source(%arg8 : memref<128x128xf32, #tpu.memory_space<vmem>>) target(%dma_start3A_432 : memref<128x128xf32, #tpu.memory_space<hbm>>) target_semaphore(%run_scoped3A : memref<!tpu.dma_semaphore, #tpu.memory_space<semaphore_mem>>)
      %dma_wait3A_433 = arith.constant 0 : i32
      %dma_wait3A_434 = tpu.memref_slice %arg5[%add3A_428, %dma_wait3A_433] : memref<20480x128xf32, #tpu.memory_space<hbm>> -> memref<128x128xf32, #tpu.memory_space<hbm>>
      %dma_wait3A_435 = arith.constant 0 : i32
      %dma_wait3A_436 = tpu.memref_slice %arg5[%add3A_428, %dma_wait3A_435] : memref<20480x128xf32, #tpu.memory_space<hbm>> -> memref<128x128xf32, #tpu.memory_space<hbm>>
      tpu.wait_dma2 semaphore(%run_scoped3A : memref<!tpu.dma_semaphore, #tpu.memory_space<semaphore_mem>>) src(%arg8 : memref<128x128xf32, #tpu.memory_space<vmem>>) dst(%dma_wait3A_436 : memref<128x128xf32, #tpu.memory_space<hbm>>)
      tpu.yield
    }) : () -> ()
    return
  }
}

module attributes {stable_mosaic.version = 14 : i64} {
  func.func @_hs_body(%arg0: i32, %arg1: memref<2x5120xf32, #tpu.memory_space<vmem>>, %arg2: memref<5120x128xf32, #tpu.memory_space<vmem>>, %arg3: memref<128x128xf32, #tpu.memory_space<vmem>>, %arg4: memref<5120x128xf32, #tpu.memory_space<vmem>>) attributes {dimension_semantics = [#tpu.dimension_semantics<arbitrary>], iteration_bounds = array<i64: 2>, scalar_prefetch = 0 : i64, scratch_operands = 0 : i64, tpu.core_type = #tpu.core_type<tc>, window_params = [{transform_indices = @transform_0, window_bounds = array<i64: 2, 5120>}, {transform_indices = @transform_1, window_bounds = array<i64: 5120, 128>}, {pipeline_mode = #tpu.pipeline_mode<synchronous>, transform_indices = @transform_2, window_bounds = array<i64: 128, 128>}, {transform_indices = @transform_3, window_bounds = array<i64: 5120, 128>}]} {
    %get3A = arith.constant 0 : index
    %get3A_0 = arith.constant 0 : index
    %get3A_1 = vector.load %arg2[%get3A, %get3A_0] : memref<5120x128xf32, #tpu.memory_space<vmem>>, vector<5120x128xf32>
    %get3A_2 = arith.constant 0 : index
    %get3A_3 = arith.constant 0 : index
    %get3A_4 = vector.load %arg3[%get3A_2, %get3A_3] : memref<128x128xf32, #tpu.memory_space<vmem>>, vector<128x128xf32>
    %dot_general3A = arith.constant dense<0.000000e+00> : vector<5120x128xf32>
    %dot_general3A_5 = tpu.matmul %get3A_1, %get3A_4, %dot_general3A {dimension_numbers = #tpu.dot_dimension_numbers<[1], [0], [0], [1], [0, 0, 1, 1], [], []>, transpose_lhs_hint = false} : vector<5120x128xf32>, vector<128x128xf32>, vector<5120x128xf32> -> vector<5120x128xf32>
    %get3A_6 = arith.constant 0 : index
    %get3A_7 = arith.constant 0 : index
    %get3A_8 = vector.load %arg1[%get3A_6, %get3A_7] : memref<2x5120xf32, #tpu.memory_space<vmem>>, vector<1x5120xf32>
    %add3A = arith.constant 1.000000e+00 : f32
    %add3A_9 = vector.broadcast %add3A : f32 to vector<1x5120xf32>
    %add3A_10 = arith.addf %add3A_9, %get3A_8 : vector<1x5120xf32>
    %get3A_11 = arith.constant 1 : index
    %get3A_12 = arith.constant 0 : index
    %get3A_13 = vector.load %arg1[%get3A_11, %get3A_12] : memref<2x5120xf32, #tpu.memory_space<vmem>>, vector<1x5120xf32>
    %add3A_14 = arith.addf %add3A_10, %get3A_13 : vector<1x5120xf32>
    %rsqrt3A = math.rsqrt %add3A_14 : vector<1x5120xf32>
    %reshape3A = vector.shape_cast %rsqrt3A : vector<1x5120xf32> to vector<5120x1xf32>
    %mul3A = vector.broadcast %reshape3A : vector<5120x1xf32> to vector<5120x128xf32>
    %mul3A_15 = arith.mulf %dot_general3A_5, %mul3A : vector<5120x128xf32>
    %swap3A = arith.constant 0 : index
    %swap3A_16 = arith.constant 0 : index
    %swap3A_17 = vector.load %arg4[%swap3A, %swap3A_16] : memref<5120x128xf32, #tpu.memory_space<vmem>>, vector<5120x128xf32>
    tpu.vector_store %arg4[%swap3A, %swap3A_16], %mul3A_15 {strides = array<i32>} : memref<5120x128xf32, #tpu.memory_space<vmem>>, vector<5120x128xf32>,
    return
  }
  func.func @transform_0(%arg0: i32) -> (i32, i32) {
    %c0_i32 = arith.constant 0 : i32
    %c0_i32_0 = arith.constant 0 : i32
    return %c0_i32, %arg0 : i32, i32
  }
  func.func @transform_1(%arg0: i32) -> (i32, i32) {
    %c0_i32 = arith.constant 0 : i32
    %c0_i32_0 = arith.constant 0 : i32
    return %arg0, %c0_i32 : i32, i32
  }
  func.func @transform_2(%arg0: i32) -> (i32, i32) {
    %c0_i32 = arith.constant 0 : i32
    %c0_i32_0 = arith.constant 0 : i32
    %c0_i32_1 = arith.constant 0 : i32
    return %c0_i32, %c0_i32_0 : i32, i32
  }
  func.func @transform_3(%arg0: i32) -> (i32, i32) {
    %c0_i32 = arith.constant 0 : i32
    %c0_i32_0 = arith.constant 0 : i32
    return %arg0, %c0_i32 : i32, i32
  }
}

module attributes {stable_mosaic.version = 14 : i64} {
  func.func @_fin_body(%arg0: i32, %arg1: i32, %arg2: memref<2x5120x128xf32, #tpu.memory_space<vmem>>, %arg3: memref<5120x128xf32, #tpu.memory_space<vmem>>, %arg4: memref<2x5120xf32, #tpu.memory_space<vmem>>, %arg5: memref<1x128xf32, #tpu.memory_space<vmem>>, %arg6: memref<1x128xf32, #tpu.memory_space<vmem>>, %arg7: memref<1x128xf32, #tpu.memory_space<vmem>>, %arg8: memref<5120x128xf32, #tpu.memory_space<vmem>>, %arg9: memref<10240x128xf32, #tpu.memory_space<vmem>>, %arg10: memref<1x128xf32, #tpu.memory_space<vmem>>, %arg11: memref<1x128xf32, #tpu.memory_space<vmem>>, %arg12: memref<1x128xf32, #tpu.memory_space<vmem>>, %arg13: memref<1x128xf32, #tpu.memory_space<vmem>>) attributes {dimension_semantics = [#tpu.dimension_semantics<arbitrary>, #tpu.dimension_semantics<arbitrary>], iteration_bounds = array<i64: 2, 2>, scalar_prefetch = 0 : i64, scratch_operands = 5 : i64, tpu.core_type = #tpu.core_type<tc>, window_params = [{transform_indices = @transform_0, window_bounds = array<i64: 2, 5120, 128>}, {transform_indices = @transform_1, window_bounds = array<i64: 5120, 128>}, {transform_indices = @transform_2, window_bounds = array<i64: 2, 5120>}, {pipeline_mode = #tpu.pipeline_mode<synchronous>, transform_indices = @transform_3, window_bounds = array<i64: 1, 128>}, {pipeline_mode = #tpu.pipeline_mode<synchronous>, transform_indices = @transform_4, window_bounds = array<i64: 1, 128>}, {pipeline_mode = #tpu.pipeline_mode<synchronous>, transform_indices = @transform_5, window_bounds = array<i64: 1, 128>}, {transform_indices = @transform_6, window_bounds = array<i64: 5120, 128>}]} {
    %eq3A = arith.constant 0 : i32
    %eq3A_0 = arith.cmpi eq, %arg0, %eq3A : i32
    %convert_element_type3A = arith.extui %eq3A_0 : i1 to i32
    %cond3A = arith.constant 0 : i32
    %cond3A_1 = arith.cmpi ne, %convert_element_type3A, %cond3A : i32
    scf.if %cond3A_1 {
      %get3A = arith.constant 0 : index
      %get3A_14 = arith.constant 0 : index
      %get3A_15 = arith.constant 0 : index
      %get3A_16 = vector.load %arg2[%get3A, %get3A_14, %get3A_15] : memref<2x5120x128xf32, #tpu.memory_space<vmem>>, vector<1x5120x128xf32>
      %get3A_17 = vector.shape_cast %get3A_16 : vector<1x5120x128xf32> to vector<5120x128xf32>
      %get3A_18 = arith.constant 1 : index
      %get3A_19 = arith.constant 0 : index
      %get3A_20 = arith.constant 0 : index
      %get3A_21 = vector.load %arg2[%get3A_18, %get3A_19, %get3A_20] : memref<2x5120x128xf32, #tpu.memory_space<vmem>>, vector<1x5120x128xf32>
      %get3A_22 = vector.shape_cast %get3A_21 : vector<1x5120x128xf32> to vector<5120x128xf32>
      %add3A = arith.addf %get3A_17, %get3A_22 : vector<5120x128xf32>
      %get3A_23 = arith.constant 0 : index
      %get3A_24 = arith.constant 0 : index
      %get3A_25 = vector.load %arg3[%get3A_23, %get3A_24] : memref<5120x128xf32, #tpu.memory_space<vmem>>, vector<5120x128xf32>
      %add3A_26 = arith.addf %add3A, %get3A_25 : vector<5120x128xf32>
      %get3A_27 = arith.constant 0 : index
      %get3A_28 = arith.constant 0 : index
      %get3A_29 = vector.load %arg4[%get3A_27, %get3A_28] : memref<2x5120xf32, #tpu.memory_space<vmem>>, vector<1x5120xf32>
      %add3A_30 = arith.constant 1.000000e+00 : f32
      %add3A_31 = vector.broadcast %add3A_30 : f32 to vector<1x5120xf32>
      %add3A_32 = arith.addf %add3A_31, %get3A_29 : vector<1x5120xf32>
      %get3A_33 = arith.constant 1 : index
      %get3A_34 = arith.constant 0 : index
      %get3A_35 = vector.load %arg4[%get3A_33, %get3A_34] : memref<2x5120xf32, #tpu.memory_space<vmem>>, vector<1x5120xf32>
      %add3A_36 = arith.addf %add3A_32, %get3A_35 : vector<1x5120xf32>
      %rsqrt3A = math.rsqrt %add3A_36 : vector<1x5120xf32>
      %reshape3A = vector.shape_cast %rsqrt3A : vector<1x5120xf32> to vector<5120x1xf32>
      %mul3A = vector.broadcast %reshape3A : vector<5120x1xf32> to vector<5120x128xf32>
      %mul3A_37 = arith.mulf %add3A_26, %mul3A : vector<5120x128xf32>
      %get3A_38 = arith.constant 0 : index
      %get3A_39 = arith.constant 0 : index
      %get3A_40 = vector.load %arg5[%get3A_38, %get3A_39] : memref<1x128xf32, #tpu.memory_space<vmem>>, vector<1x128xf32>
      %add3A_41 = vector.broadcast %get3A_40 : vector<1x128xf32> to vector<5120x128xf32>
      %add3A_42 = arith.addf %mul3A_37, %add3A_41 : vector<5120x128xf32>
      %ge3A = arith.constant 0.000000e+00 : f32
      %ge3A_43 = vector.broadcast %ge3A : f32 to vector<5120x128xf32>
      %ge3A_44 = arith.cmpf oge, %add3A_42, %ge3A_43 : vector<5120x128xf32>
      %mul3A_45 = arith.constant 0.00999999977 : f32
      %mul3A_46 = vector.broadcast %mul3A_45 : f32 to vector<5120x128xf32>
      %mul3A_47 = arith.mulf %mul3A_46, %add3A_42 : vector<5120x128xf32>
      %select_n3A = arith.select %ge3A_44, %add3A_42, %mul3A_47 : vector<5120x128xi1>, vector<5120x128xf32>
      %mul3A_48 = arith.constant 5120 : i32
      %mul3A_49 = arith.muli %arg1, %mul3A_48 : i32
      %swap3A = arith.index_cast %mul3A_49 : i32 to index
      %swap3A_50 = arith.constant 0 : index
      %swap3A_51 = vector.load %arg9[%swap3A, %swap3A_50] : memref<10240x128xf32, #tpu.memory_space<vmem>>, vector<5120x128xf32>
      tpu.vector_store %arg9[%swap3A, %swap3A_50], %select_n3A {strides = array<i32>} : memref<10240x128xf32, #tpu.memory_space<vmem>>, vector<5120x128xf32>,
      %eq3A_52 = arith.constant 0 : i32
      %eq3A_53 = arith.cmpi eq, %arg1, %eq3A_52 : i32
      %convert_element_type3A_54 = arith.extui %eq3A_53 : i1 to i32
      %cond3A_55 = arith.constant 0 : i32
      %cond3A_56 = arith.cmpi ne, %convert_element_type3A_54, %cond3A_55 : i32
      scf.if %cond3A_56 {
        %broadcast_in_dim3A_88 = arith.constant 0.000000e+00 : f32
        %broadcast_in_dim3A_89 = vector.broadcast %broadcast_in_dim3A_88 : f32 to vector<1x128xf32>
        %swap3A_90 = arith.constant 0 : index
        %swap3A_91 = arith.constant 0 : index
        %swap3A_92 = vector.load %arg10[%swap3A_90, %swap3A_91] : memref<1x128xf32, #tpu.memory_space<vmem>>, vector<1x128xf32>
        tpu.vector_store %arg10[%swap3A_90, %swap3A_91], %broadcast_in_dim3A_89 {strides = array<i32>} : memref<1x128xf32, #tpu.memory_space<vmem>>, vector<1x128xf32>,
        %broadcast_in_dim3A_93 = arith.constant 0.000000e+00 : f32
        %broadcast_in_dim3A_94 = vector.broadcast %broadcast_in_dim3A_93 : f32 to vector<1x128xf32>
        %swap3A_95 = arith.constant 0 : index
        %swap3A_96 = arith.constant 0 : index
        %swap3A_97 = vector.load %arg11[%swap3A_95, %swap3A_96] : memref<1x128xf32, #tpu.memory_space<vmem>>, vector<1x128xf32>
        tpu.vector_store %arg11[%swap3A_95, %swap3A_96], %broadcast_in_dim3A_94 {strides = array<i32>} : memref<1x128xf32, #tpu.memory_space<vmem>>, vector<1x128xf32>,
      } else {
      }
      %mul3A_57 = arith.constant 5120 : i32
      %mul3A_58 = arith.muli %arg1, %mul3A_57 : i32
      %iota3A = tpu.iota {dimensions = array<i32: 1>} : vector<1x5120xi32>
      %iota3A_59 = vector.shape_cast %iota3A : vector<1x5120xi32> to vector<5120xi32>
      %broadcast_in_dim3A = vector.shape_cast %iota3A_59 : vector<5120xi32> to vector<5120x1xi32>
      %add3A_60 = vector.broadcast %mul3A_58 : i32 to vector<5120x1xi32>
      %add3A_61 = arith.addi %add3A_60, %broadcast_in_dim3A : vector<5120x1xi32>
      %lt3A = arith.constant 10000 : i32
      %lt3A_62 = vector.broadcast %lt3A : i32 to vector<5120x1xi32>
      %lt3A_63 = arith.cmpi slt, %add3A_61, %lt3A_62 : vector<5120x1xi32>
      %jit3A = arith.constant 0.000000e+00 : f32
      %broadcast_in_dim3A_64 = vector.shape_cast %lt3A_63 : vector<5120x1xi1> to vector<5120x1xi1>
      %broadcast_in_dim3A_65 = vector.broadcast %broadcast_in_dim3A_64 : vector<5120x1xi1> to vector<5120x128xi1>
      %broadcast_in_dim3A_66 = vector.broadcast %jit3A : f32 to vector<5120x128xf32>
      %select_n3A_67 = arith.select %broadcast_in_dim3A_65, %select_n3A, %broadcast_in_dim3A_66 : vector<5120x128xi1>, vector<5120x128xf32>
      %get3A_68 = arith.constant 0 : index
      %get3A_69 = arith.constant 0 : index
      %get3A_70 = vector.load %arg10[%get3A_68, %get3A_69] : memref<1x128xf32, #tpu.memory_space<vmem>>, vector<1x128xf32>
      %reduce_sum3A = arith.constant dense<0.000000e+00> : vector<128xf32>
      %reduce_sum3A_71 = vector.multi_reduction <add>, %select_n3A_67, %reduce_sum3A [0] : vector<5120x128xf32> to vector<128xf32>
      %broadcast_in_dim3A_72 = vector.shape_cast %reduce_sum3A_71 : vector<128xf32> to vector<1x128xf32>
      %add3A_73 = arith.addf %get3A_70, %broadcast_in_dim3A_72 : vector<1x128xf32>
      %swap3A_74 = arith.constant 0 : index
      %swap3A_75 = arith.constant 0 : index
      %swap3A_76 = vector.load %arg10[%swap3A_74, %swap3A_75] : memref<1x128xf32, #tpu.memory_space<vmem>>, vector<1x128xf32>
      tpu.vector_store %arg10[%swap3A_74, %swap3A_75], %add3A_73 {strides = array<i32>} : memref<1x128xf32, #tpu.memory_space<vmem>>, vector<1x128xf32>,
      %get3A_77 = arith.constant 0 : index
      %get3A_78 = arith.constant 0 : index
      %get3A_79 = vector.load %arg11[%get3A_77, %get3A_78] : memref<1x128xf32, #tpu.memory_space<vmem>>, vector<1x128xf32>
      %mul3A_80 = arith.mulf %select_n3A_67, %select_n3A_67 : vector<5120x128xf32>
      %reduce_sum3A_81 = arith.constant dense<0.000000e+00> : vector<128xf32>
      %reduce_sum3A_82 = vector.multi_reduction <add>, %mul3A_80, %reduce_sum3A_81 [0] : vector<5120x128xf32> to vector<128xf32>
      %broadcast_in_dim3A_83 = vector.shape_cast %reduce_sum3A_82 : vector<128xf32> to vector<1x128xf32>
      %add3A_84 = arith.addf %get3A_79, %broadcast_in_dim3A_83 : vector<1x128xf32>
      %swap3A_85 = arith.constant 0 : index
      %swap3A_86 = arith.constant 0 : index
      %swap3A_87 = vector.load %arg11[%swap3A_85, %swap3A_86] : memref<1x128xf32, #tpu.memory_space<vmem>>, vector<1x128xf32>
      tpu.vector_store %arg11[%swap3A_85, %swap3A_86], %add3A_84 {strides = array<i32>} : memref<1x128xf32, #tpu.memory_space<vmem>>, vector<1x128xf32>,
    } else {
    }
    %eq3A_2 = arith.constant 1 : i32
    %eq3A_3 = arith.cmpi eq, %arg0, %eq3A_2 : i32
    %eq3A_4 = arith.constant 0 : i32
    %eq3A_5 = arith.cmpi eq, %arg1, %eq3A_4 : i32
    %and3A = arith.andi %eq3A_3, %eq3A_5 : i1
    %convert_element_type3A_6 = arith.extui %and3A : i1 to i32
    %cond3A_7 = arith.constant 0 : i32
    %cond3A_8 = arith.cmpi ne, %convert_element_type3A_6, %cond3A_7 : i32
    scf.if %cond3A_8 {
      %get3A = arith.constant 0 : index
      %get3A_14 = arith.constant 0 : index
      %get3A_15 = vector.load %arg10[%get3A, %get3A_14] : memref<1x128xf32, #tpu.memory_space<vmem>>, vector<1x128xf32>
      %mul3A = arith.constant 9.99999974E-5 : f32
      %mul3A_16 = vector.broadcast %mul3A : f32 to vector<1x128xf32>
      %mul3A_17 = arith.mulf %get3A_15, %mul3A_16 : vector<1x128xf32>
      %get3A_18 = arith.constant 0 : index
      %get3A_19 = arith.constant 0 : index
      %get3A_20 = vector.load %arg11[%get3A_18, %get3A_19] : memref<1x128xf32, #tpu.memory_space<vmem>>, vector<1x128xf32>
      %mul3A_21 = arith.constant 9.99999974E-5 : f32
      %mul3A_22 = vector.broadcast %mul3A_21 : f32 to vector<1x128xf32>
      %mul3A_23 = arith.mulf %get3A_20, %mul3A_22 : vector<1x128xf32>
      %mul3A_24 = arith.mulf %mul3A_17, %mul3A_17 : vector<1x128xf32>
      %sub3A = arith.subf %mul3A_23, %mul3A_24 : vector<1x128xf32>
      %get3A_25 = arith.constant 0 : index
      %get3A_26 = arith.constant 0 : index
      %get3A_27 = vector.load %arg6[%get3A_25, %get3A_26] : memref<1x128xf32, #tpu.memory_space<vmem>>, vector<1x128xf32>
      %add3A = arith.constant 9.99999974E-6 : f32
      %add3A_28 = vector.broadcast %add3A : f32 to vector<1x128xf32>
      %add3A_29 = arith.addf %sub3A, %add3A_28 : vector<1x128xf32>
      %rsqrt3A = math.rsqrt %add3A_29 : vector<1x128xf32>
      %mul3A_30 = arith.mulf %get3A_27, %rsqrt3A : vector<1x128xf32>
      %swap3A = arith.constant 0 : index
      %swap3A_31 = arith.constant 0 : index
      %swap3A_32 = vector.load %arg12[%swap3A, %swap3A_31] : memref<1x128xf32, #tpu.memory_space<vmem>>, vector<1x128xf32>
      tpu.vector_store %arg12[%swap3A, %swap3A_31], %mul3A_30 {strides = array<i32>} : memref<1x128xf32, #tpu.memory_space<vmem>>, vector<1x128xf32>,
      %get3A_33 = arith.constant 0 : index
      %get3A_34 = arith.constant 0 : index
      %get3A_35 = vector.load %arg7[%get3A_33, %get3A_34] : memref<1x128xf32, #tpu.memory_space<vmem>>, vector<1x128xf32>
      %mul3A_36 = arith.mulf %mul3A_17, %mul3A_30 : vector<1x128xf32>
      %sub3A_37 = arith.subf %get3A_35, %mul3A_36 : vector<1x128xf32>
      %swap3A_38 = arith.constant 0 : index
      %swap3A_39 = arith.constant 0 : index
      %swap3A_40 = vector.load %arg13[%swap3A_38, %swap3A_39] : memref<1x128xf32, #tpu.memory_space<vmem>>, vector<1x128xf32>
      tpu.vector_store %arg13[%swap3A_38, %swap3A_39], %sub3A_37 {strides = array<i32>} : memref<1x128xf32, #tpu.memory_space<vmem>>, vector<1x128xf32>,
    } else {
    }
    %eq3A_9 = arith.constant 1 : i32
    %eq3A_10 = arith.cmpi eq, %arg0, %eq3A_9 : i32
    %convert_element_type3A_11 = arith.extui %eq3A_10 : i1 to i32
    %cond3A_12 = arith.constant 0 : i32
    %cond3A_13 = arith.cmpi ne, %convert_element_type3A_11, %cond3A_12 : i32
    scf.if %cond3A_13 {
      %mul3A = arith.constant 5120 : i32
      %mul3A_14 = arith.muli %arg1, %mul3A : i32
      %get3A = arith.index_cast %mul3A_14 : i32 to index
      %get3A_15 = arith.constant 0 : index
      %get3A_16 = vector.load %arg9[%get3A, %get3A_15] : memref<10240x128xf32, #tpu.memory_space<vmem>>, vector<5120x128xf32>
      %get3A_17 = arith.constant 0 : index
      %get3A_18 = arith.constant 0 : index
      %get3A_19 = vector.load %arg12[%get3A_17, %get3A_18] : memref<1x128xf32, #tpu.memory_space<vmem>>, vector<1x128xf32>
      %mul3A_20 = vector.broadcast %get3A_19 : vector<1x128xf32> to vector<5120x128xf32>
      %mul3A_21 = arith.mulf %get3A_16, %mul3A_20 : vector<5120x128xf32>
      %get3A_22 = arith.constant 0 : index
      %get3A_23 = arith.constant 0 : index
      %get3A_24 = vector.load %arg13[%get3A_22, %get3A_23] : memref<1x128xf32, #tpu.memory_space<vmem>>, vector<1x128xf32>
      %add3A = vector.broadcast %get3A_24 : vector<1x128xf32> to vector<5120x128xf32>
      %add3A_25 = arith.addf %mul3A_21, %add3A : vector<5120x128xf32>
      %swap3A = arith.constant 0 : index
      %swap3A_26 = arith.constant 0 : index
      %swap3A_27 = vector.load %arg8[%swap3A, %swap3A_26] : memref<5120x128xf32, #tpu.memory_space<vmem>>, vector<5120x128xf32>
      tpu.vector_store %arg8[%swap3A, %swap3A_26], %add3A_25 {strides = array<i32>} : memref<5120x128xf32, #tpu.memory_space<vmem>>, vector<5120x128xf32>,
    } else {
    }
    return
  }
  func.func @transform_0(%arg0: i32, %arg1: i32) -> (i32, i32, i32) {
    %c0_i32 = arith.constant 0 : i32
    %c0_i32_0 = arith.constant 0 : i32
    %c0_i32_1 = arith.constant 0 : i32
    return %c0_i32, %arg1, %c0_i32_0 : i32, i32, i32
  }
  func.func @transform_1(%arg0: i32, %arg1: i32) -> (i32, i32) {
    %c0_i32 = arith.constant 0 : i32
    %c0_i32_0 = arith.constant 0 : i32
    return %arg1, %c0_i32 : i32, i32
  }
  func.func @transform_2(%arg0: i32, %arg1: i32) -> (i32, i32) {
    %c0_i32 = arith.constant 0 : i32
    %c0_i32_0 = arith.constant 0 : i32
    return %c0_i32, %arg1 : i32, i32
  }
  func.func @transform_3(%arg0: i32, %arg1: i32) -> (i32, i32) {
    %c0_i32 = arith.constant 0 : i32
    %c0_i32_0 = arith.constant 0 : i32
    %c0_i32_1 = arith.constant 0 : i32
    return %c0_i32, %c0_i32_0 : i32, i32
  }
  func.func @transform_4(%arg0: i32, %arg1: i32) -> (i32, i32) {
    %c0_i32 = arith.constant 0 : i32
    %c0_i32_0 = arith.constant 0 : i32
    %c0_i32_1 = arith.constant 0 : i32
    return %c0_i32, %c0_i32_0 : i32, i32
  }
  func.func @transform_5(%arg0: i32, %arg1: i32) -> (i32, i32) {
    %c0_i32 = arith.constant 0 : i32
    %c0_i32_0 = arith.constant 0 : i32
    %c0_i32_1 = arith.constant 0 : i32
    return %c0_i32, %c0_i32_0 : i32, i32
  }
  func.func @transform_6(%arg0: i32, %arg1: i32) -> (i32, i32) {
    %eq3A = arith.constant 0 : i32
    %eq3A_0 = arith.cmpi eq, %arg0, %eq3A : i32
    %jit3A = arith.constant 0 : i32
    %select_n3A = arith.select %eq3A_0, %jit3A, %arg1 : i32
    %c0_i32 = arith.constant 0 : i32
    %c0_i32_1 = arith.constant 0 : i32
    return %select_n3A, %c0_i32 : i32, i32
  }
}

</mosaic_0001>

<sc_bundles>
// kernel: kernel.6.cloned.1.call-start
scs
__scs_entry_jumppad:
0x0: {  	(pc) =	sbr.rel $0x88, $3  }
0x1: {  	(tag) =	ssettag $0x0;
	lr =	simm.s32 $0x1  }
0x2: {  	[smem:$0x3F9B] =	sst lr;
	_ =	strace $0xD0000000  }
0x3: {  	_ = 	snop  }
0x4: {  	_ = 	snop  }
0x5: {  	_ = 	snop  }
0x6: {  	_ = 	snop  }
0x7: {  	_ = 	snop  }
__scs_overlays_trampoline_lowered:
0x8: {  	[smem:$0x3FAA] =	sst s0  }
0x9: {  	[smem:$0x3FAB] =	sst s1  }
0xa: {  	[smem:$0x3FAC] =	sst s2  }
0xb: {  	[smem:$0x3FAD] =	sst s3  }
0xc: {  	[smem:$0x3FAE] =	sst s4  }
0xd: {  	[smem:$0x3FAF] =	sst s5  }
0xe: {  	[smem:$0x3FB0] =	sst s6  }
0xf: {  	[smem:$0x3FB1] =	sst s7  }
0x10: {  	[smem:$0x3FB2] =	sst s8  }
0x11: {  	[smem:$0x3FB3] =	sst s9;
	s0 =	simm.s32 @!p0 $0x0  }
0x12: {  	s1 =	sld [smem:$0x3F99];
	s0 =	simm.s32 @p0 $0x1  }
0x13: {  	[smem:$0x3FB4] =	sst s0;
	s0 =	simm.s32 @!p1 $0x0  }
0x14: {  	s2 =	sld [smem:$0x3F98];
	s0 =	simm.s32 @p1 $0x1  }
0x15: {  	[smem:$0x3FB5] =	sst s0;
	s0 =	simm.s32 @!p2 $0x0  }
0x16: {  	s3 =	sld [smem:$0x3FDB];
	s0 =	simm.s32 @p2 $0x1  }
0x17: {  	s4 =	simm.s32 $0x1BF5;
	[smem:$0x3FB7] =	sst s0  }
0x18: {  	s0 =	sld [smem:$0x3F9A];
	_ =	swait.ge [sflag:s4], $0x0  }
0x19: {  	s7 =	sld [smem:$0x3F9B]  }
0x1a: {  	s8 =	sadd.s32 $0xFFFFE003, lr  }
0x1b: {  	s9 =	sadd.s32 $0xFFFFFEF7, lr;
	s5 =	simm.s32 $0xFFFFFFFF;
	p2 =	slt.u32 s8, $0xFFFFF086  }
0x1c: {  	p1 =	slt.u32 s9, $0xF7A;
	s5 =	simm.s32 @!p2 $0x0  }
0x1d: {  	s5 =	simm.s32 @p1 $0x1;
	p0 =	seq.s32 s7, s2  }
0x1e: {  	s7 =	smul.u32 @!p0 $0xF7A, s2;
	p2 =	seq.s32 @!p0 s5, $0x0  }
0x1f: {  	s9 =	smul.u32 $0xF7A, s1;
	s8 =	simm.s32 @!p0 $0x1BF5;
	p2 =	por !p2, p0  }
0x20: {  	[sflag:s8] =	ssyncset.s32 @!p0 $0xFFFFF086;
	s6 =	sadd.s32 @!p0 s3, s7;
	s7 =	simm.s32 @!p0 $0x108  }
0x21: {  	s3 =	sadd.s32 s3, s9;
	s6 =	sadd.s32 @!p0 $0x88, s6;
	s7 =	simm.s32 @p2 $0x1082  }
0x22: {  	[simem:s7], [sflag:s8] =	dma.local @!p0 [hbm:s6], $0xF7A  }
0x23: {  	s9 =	sor.u32 $0xD0000000, s2;
	s6 =	simm.s32 $0x108;
	_ =	swait.ge @!p0 [sflag:s8], $0x0  }
0x24: {  	s3 =	sadd.s32 $0x88, s3;
	s6 =	simm.s32 @!p1 $0x1082;
	[sflag:s4] =	ssyncset.s32 $0xFFFFF086  }
0x25: {  	[simem:s6], [sflag:s4] =	dma.local [hbm:s3], $0xF7A  }
0x26: {  	[smem:$0x3F9B] =	sst s1;
	(tag) =	ssettag s2;
	_ =	strace s9  }
0x27: {  	s1 =	sld [smem:$0x3FAB]  }
0x28: {  	s2 =	sld [smem:$0x3FAC]  }
0x29: {  	s4 =	sld [smem:$0x3FAE]  }
0x2a: {  	p0 =	seq.s32 s5, $0x0;
	s5 =	sld [smem:$0x3FAF]  }
0x2b: {  	s6 =	sld [smem:$0x3FB0]  }
0x2c: {  	s7 =	sld [smem:$0x3FB1]  }
0x2d: {  	s3 =	simm.s32 $0x108;
	s8 =	sld [smem:$0x3FB2]  }
0x2e: {  	s3 =	simm.s32 @!p0 $0x1082;
	s9 =	sld [smem:$0x3FB3]  }
0x2f: {  	lr =	sadd.s32 s0, s3;
	s0 =	sld [smem:$0x3FAA]  }
0x30: {  	s3 =	sld [smem:$0x3FAD]  }
0x31: {  	[smem:$0x3FB6] =	sst s10  }
0x32: {  	s10 =	sld [smem:$0x3FB4];
	_ =	sdelay $0x3  }
0x33: {  	p0 =	seq.s32 s10, $0x1;
	s10 =	sld [smem:$0x3FB6];
	_ =	sdelay $0x3  }
0x34: {  	[smem:$0x3FB6] =	sst s10  }
0x35: {  	s10 =	sld [smem:$0x3FB5];
	_ =	sdelay $0x3  }
0x36: {  	p1 =	seq.s32 s10, $0x1;
	s10 =	sld [smem:$0x3FB6];
	_ =	sdelay $0x3  }
0x37: {  	[smem:$0x3FB6] =	sst s10  }
0x38: {  	s10 =	sld [smem:$0x3FB7]  }
0x39: {  	_ = 	snop;
	(pc) =	sbr.ind lr, $3  }
0x3a: {  	_ = 	snop  }
0x3b: {  	_ = 	snop  }
0x3c: {  	p2 =	seq.s32 s10, $0x1;
	s10 =	sld [smem:$0x3FB6]  }
0x3d: {  	_ =	shalt  }
0x3e: {  	_ =	shalt  }
0x3f: {  	_ =	shalt  }
0x40: {  	_ =	shalt  }
0x41: {  	_ =	shalt  }
0x42: {  	_ =	shalt  }
0x43: {  	_ =	shalt  }
0x44: {  	_ =	shalt  }
0x45: {  	_ =	shalt  }
0x46: {  	_ =	shalt  }
0x47: {  	_ =	shalt  }
0x48: {  	_ =	shalt  }
0x49: {  	_ =	shalt  }
0x4a: {  	_ =	shalt  }
0x4b: {  	_ =	shalt  }
0x4c: {  	_ =	shalt  }
0x4d: {  	_ =	shalt  }
0x4e: {  	_ =	shalt  }
0x4f: {  	_ =	shalt  }
0x50: {  	_ =	shalt  }
0x51: {  	_ =	shalt  }
0x52: {  	_ =	shalt  }
0x53: {  	_ =	shalt  }
0x54: {  	_ =	shalt  }
0x55: {  	_ =	shalt  }
0x56: {  	_ =	shalt  }
0x57: {  	_ =	shalt  }
0x58: {  	_ =	shalt  }
0x59: {  	_ =	shalt  }
0x5a: {  	_ =	shalt  }
0x5b: {  	_ =	shalt  }
0x5c: {  	_ =	shalt  }
0x5d: {  	_ =	shalt  }
0x5e: {  	_ =	shalt  }
0x5f: {  	_ =	shalt  }
0x60: {  	_ =	shalt  }
0x61: {  	_ =	shalt  }
0x62: {  	_ =	shalt  }
0x63: {  	_ =	shalt  }
0x64: {  	_ =	shalt  }
0x65: {  	_ =	shalt  }
0x66: {  	_ =	shalt  }
0x67: {  	_ =	shalt  }
0x68: {  	_ =	shalt  }
0x69: {  	_ =	shalt  }
0x6a: {  	_ =	shalt  }
0x6b: {  	_ =	shalt  }
0x6c: {  	_ =	shalt  }
0x6d: {  	_ =	shalt  }
0x6e: {  	_ =	shalt  }
0x6f: {  	_ =	shalt  }
0x70: {  	_ =	shalt  }
0x71: {  	_ =	shalt  }
0x72: {  	_ =	shalt  }
0x73: {  	_ =	shalt  }
0x74: {  	_ =	shalt  }
0x75: {  	_ =	shalt  }
0x76: {  	_ =	shalt  }
0x77: {  	_ =	shalt  }
0x78: {  	_ =	shalt  }
0x79: {  	_ =	shalt  }
0x7a: {  	_ =	shalt  }
0x7b: {  	_ =	shalt  }
0x7c: {  	_ =	shalt  }
0x7d: {  	_ =	shalt  }
0x7e: {  	_ =	shalt  }
0x7f: {  	_ =	shalt  }
0x80: {  	_ =	shalt  }
0x81: {  	_ =	shalt  }
0x82: {  	_ =	shalt  }
0x83: {  	_ =	shalt  }
0x84: {  	_ =	shalt  }
0x85: {  	_ =	shalt  }
0x86: {  	_ =	shalt  }
0x87: {  	_ =	shalt  }
.Lfunc_end0:
.L_simem_size_0:
called_computation_lowered:
.L_overlay_start_0:
0x88: {  	s2 =	sld [smem:$0x3FD9]  }
0x89: {  	s3 =	sld [smem:$0x3FFE];
	_ =	sdelay $0x1  }
0x8a: {  	s1 =	srdreg.scid  }
0x8b: {  	s0 =	sand.u32 $0x1, s1  }
0x8c: {  	s17 =	sshll.u32 s0, $0xA;
	s2 =	sadd.s32 s3, s2  }
0x8d: {  	s2 =	sadd.s32 s2, s17  }
0x8e: {  	[smem:$0x3FC2] =	sst s2  }
0x8f: {  	_ = 	snop  }
0x90: {  	s2 =	sld [smem:$0x3FD0];
	(tm) =	ssettm $0x1  }
0x91: {  	s18 =	sld [smem:$0x3FFB];
	_ =	sdelay $0x3  }
0x92: {  	_ =	strace s18  }
0x93: {  	s3 =	sld [smem:$0x3FFC];
	_ =	sdelay $0x3  }
0x94: {  	_ =	strace s3  }
0x95: {  	s3 =	sld [smem:$0x3FFD];
	_ =	sdelay $0x3  }
0x96: {  	_ =	strace s3  }
0x97: {  	_ =	strace $0x8FFFFFFF  }
0x98: {  	s19 =	sld [smem:$0x3FDB];
	_ =	sdelay $0x1  }
0x99: {  	s4 =	simm.s32 $_scs_section_size  }
0x9a: {  	s5 =	simm.s32 $_size__tile_overlayer_lowered;
	s6 =	simm.s32 $_tile_overlayer_lowered  }
0x9b: {  	s22 =	simm.s32 $0x1BFF;
	s21 =	sshll.u32 s6, $0x1;
	s3 =	sadd.s32 s4, s19  }
0x9c: {  	s7 =	simm.s32 $0x0;
	s20 =	sshll.u32 s5, $0x1;
	s5 =	sadd.s32 s21, s3  }
0x9d: {  	[timem:s7], [sflag:s22] =	dma.local [hbm:s5], s20  }
0x9e: {  	_ =	swait.ge [sflag:s22], s20  }
0x9f: {  	s4 =	ssub.s32 $0x0, s20;
	[sflag:s22] =	ssyncset.done $0x0  }
0xa0: {  	[sflag:s22] =	ssyncadd.s32 s4;
	_ =	sdelay $0x1  }
0xa1: {  	s23 =	simm.s32 $0x1B8B  }
0xa2: {  	_ =	swait.ge [sflag:s23], $0x1  }
0xa3: {  	[sflag:s23] =	ssyncset.done $0x0  }
0xa4: {  	s25 =	simm.s32 $0x1B8E;
	s24 =	sld [smem:$0x3FFE];
	[sflag:s23] =	ssyncadd.s32 $0xFFFFFFFF  }
0xa5: {  	s26 =	simm.s32 $execute0_lowered;
	[smem:$0x3FD2] =	sst s25  }
0xa6: {  	s5 =	sshll.u32 s26, $0x1;
	_ =	strace $0x80000046;
	[dreg:$0x1] =	wrdreg $0xFFFFFFFF  }
0xa7: {  	s28 =	simm.s32 $_size_execute0_lowered;
	s3 =	sadd.s32 s3, s5;
	[dreg:$0x0] =	wrdreg $0x0  }
0xa8: {  	s5 =	sshll.u32 s28, $0x1;
	[dreg:$0x2] =	wrdreg s3  }
0xa9: {  	[dreg:$0x3] =	wrdreg s5  }
0xaa: {  	[dreg:$0x4] =	wrdreg $0xC0  }
0xab: {  	_ =	task [dreg:s7], $0x5FFFF  }
0xac: {  	[dreg:$0x1] =	wrdreg $0xFFFFFFFF  }
0xad: {  	[dreg:$0x0] =	wrdreg $0x60  }
0xae: {  	[dreg:$0x2] =	wrdreg s24  }
0xaf: {  	[dreg:$0x3] =	wrdreg s2  }
0xb0: {  	[dreg:$0x4] =	wrdreg $0x0  }
0xb1: {  	[dreg:$0x5] =	wrdreg $0x9  }
0xb2: {  	_ =	task.clear_ibuf [dreg:s7], $0x6FFFF;
	_ =	strace $0x90000046  }
0xb3: {  	s29 =	simm.s32 $0x9;
	_ =	strace $0x80000048  }
0xb4: {  	_ =	swait.ge [sflag:s29], $0x1  }
0xb5: {  	[sflag:s29] =	ssyncadd.s32 $0xFFFFFFFF  }
0xb6: {  	_ =	strace $0x90000048  }
0xb7: {  	_ =	sfence  }
0xb8: {  	s30 =	sld [smem:$0x0];
	_ =	sdelay $0x2  }
0xb9: {  	s31 =	sshll.u32 s1, $0xD;
	s1 =	sshrl.u32 s1, $0x2  }
0xba: {  	s3 =	sand.u32 $0x4000, s31;
	s1 =	sadd.s32 s1, s30  }
0xbb: {  	s0 =	sor.u32 s3, s0;
	s1 =	sshll.u32 s1, $0x11  }
0xbc: {  	s0 =	sor.u32 s1, s0  }
0xbd: {  	s0 =	sadd.s32 $0x8F2B, s0  }
0xbe: {  	[sflag:s0] =	ssyncadd.remote.s32 $0x1  }
0xbf: {  	_ =	sfence.sel $0xFFFF  }
0xc0: {  	[dreg:$0x0] =	wrdreg $0xFFFFFFFF;
	(pc) =	sbr.abs _section_cstart, $3  }
0xc1: {  	[dreg:$0x1] =	wrdreg $0xFFFFFFFF  }
0xc2: {  	_ =	task.clear_ibuf [dreg:s7], $0x2FFFF;
	_ =	strace $0x9FFFFFFF  }
0xc3: {  	(tm) =	ssettm $0x7FFFFFFF  }
tec
execute0_lowered:
.L_overlay_start_1:
0x0: {  	(tag) =	ssettag $0x1  }
0x1: {  	s1 =	srdreg.scid;
	s4 =	rddreg [dreg:$0x0]  }
0x2: {  	s0 =	stileid.u32;
	s6 =	rddreg [dreg:$0x1]  }
0x3: {  	s2 =	rddreg [dreg:$0x2];
	s3 =	simm.s32 $0x0;
	s11 =	simm.s32 $0x80  }
0x4: {  	s12 =	simm.s32 $0x2A80;
	s13 =	simm.s32 $0x0;
	s5 =	sand.u32 $0x1, s1  }
0x5: {  	s29 =	sshll.u32 s0, $0x1;
	s8 =	smul.u32 $0x280, s0;
	[smem:$0x7FF] =	sst s3  }
0x6: {  	s1 =	sor.u32 s5, s29;
	s9 =	smul.u32 $0x2800, s5;
	s5 =	ssub.s32 $0x2, s5  }
0x7: {  	s7 =	smul.u32 $0x500, s1;
	s1 =	rddreg [dreg:$0x3];
	s30 =	sshrl.u32 s5, $0x1  }
0x8: {  	_ =	strace $0x80000047;
	s9 =	sadd.s32 s8, s9;
	s10 =	ssub.s32 s5, s30  }
0x9: {  	s7 =	sadd.s32 s7, s4;
	s4 =	sadd.s32 s8, s2;
	s31 =	sshrl.u32 s9, $0x3  }
0xa: {  	s8 =	simm.s32 $0x2B00;
	s9 =	simm.s32 $0x1;
	s5 =	sadd.s32 $0xBE00, s7  }
0xb: {  	v0 =	vimm.f32 $1.000000000e+00;
	v1 =	vimm.f32 $0.0e+00;
	s6 =	sadd.s32 s6, s31;
	s7 =	smax.u32 s10, $0x1;
	s10 =	simm.s32 $0x280  }
.LBB2_1:
0xc: {  	[tilespmem:$0x2A80] =	vst v0  }
0xd: {  	[tilespmem:$0x2A90] =	vst v0  }
0xe: {  	[tilespmem:$0x2AA0] =	vst v0  }
0xf: {  	[tilespmem:$0x2AB0] =	vst v0  }
0x10: {  	[tilespmem:$0x2AC0] =	vst v0  }
0x11: {  	[tilespmem:$0x2AD0] =	vst v0  }
0x12: {  	[tilespmem:$0x2AE0] =	vst v0  }
0x13: {  	[tilespmem:$0x2AF0] =	vst v0  }
0x14: {  	[tilespmem:$0x2B00] =	vst v1  }
0x15: {  	[tilespmem:$0x2B10] =	vst v1  }
0x16: {  	[tilespmem:$0x2B20] =	vst v1  }
0x17: {  	[tilespmem:$0x2B30] =	vst v1  }
0x18: {  	[tilespmem:$0x2B40] =	vst v1  }
0x19: {  	[tilespmem:$0x2B50] =	vst v1  }
0x1a: {  	[tilespmem:$0x2B60] =	vst v1  }
0x1b: {  	[tilespmem:$0x2B70] =	vst v1  }
0x1c: {  	[tilespmem:$0x2B80] =	vst v1  }
0x1d: {  	[tilespmem:$0x2B90] =	vst v1  }
0x1e: {  	[tilespmem:$0x2BA0] =	vst v1  }
0x1f: {  	[tilespmem:$0x2BB0] =	vst v1  }
0x20: {  	[tilespmem:$0x2BC0] =	vst v1  }
0x21: {  	[tilespmem:$0x2BD0] =	vst v1  }
0x22: {  	[tilespmem:$0x2BE0] =	vst v1  }
0x23: {  	[tilespmem:$0x2BF0] =	vst v1  }
0x24: {  	[tilespmem:$0x2C00] =	vst v1  }
0x25: {  	[tilespmem:$0x2C10] =	vst v1  }
0x26: {  	[tilespmem:$0x2C20] =	vst v1  }
0x27: {  	[tilespmem:$0x2C30] =	vst v1  }
0x28: {  	[tilespmem:$0x2C40] =	vst v1  }
0x29: {  	[tilespmem:$0x2C50] =	vst v1  }
0x2a: {  	[tilespmem:$0x2C60] =	vst v1  }
0x2b: {  	[tilespmem:$0x2C70] =	vst v1  }
0x2c: {  	[tilespmem:$0x2C80] =	vst v1  }
0x2d: {  	[tilespmem:$0x2C90] =	vst v1  }
0x2e: {  	[tilespmem:$0x2CA0] =	vst v1  }
0x2f: {  	[tilespmem:$0x2CB0] =	vst v1  }
0x30: {  	[tilespmem:$0x2CC0] =	vst v1  }
0x31: {  	[tilespmem:$0x2CD0] =	vst v1  }
0x32: {  	[tilespmem:$0x2CE0] =	vst v1  }
0x33: {  	[tilespmem:$0x2CF0] =	vst v1  }
0x34: {  	[tilespmem:$0x2D00] =	vst v1  }
0x35: {  	[tilespmem:$0x2D10] =	vst v1  }
0x36: {  	[tilespmem:$0x2D20] =	vst v1  }
0x37: {  	[tilespmem:$0x2D30] =	vst v1  }
0x38: {  	[tilespmem:$0x2D40] =	vst v1  }
0x39: {  	[tilespmem:$0x2D50] =	vst v1  }
0x3a: {  	[tilespmem:$0x2D60] =	vst v1  }
0x3b: {  	[tilespmem:$0x2D70] =	vst v1  }
0x3c: {  	[spmem:s4] =	stream.linear.scatter [tilespmem:s8], [sflag:$0x1], $0x280, $0x38;
	[tilespmem:$0x2D80] =	vst v63  }
0x3d: {  	_ =	swait.ge [sflag:s9], $0x280  }
0x3e: {  	[sflag:s9] =	ssyncset.done $0x0  }
0x3f: {  	[sflag:s9] =	ssyncadd.s32 $0xFFFFFD80  }
0x40: {  	[tilespmem:s10], [sflag:$0x1] =	stream.linear.gather [hbm4b:s5+s3], $0x2800, $0x38;
	[tilespmem:$0x2D80] =	vst v63  }
0x41: {  	_ =	swait.ge [sflag:s9], $0x2800  }
0x42: {  	[sflag:s9] =	ssyncset.done $0x0  }
0x43: {  	[sflag:s9] =	ssyncadd.s32 $0xFFFFD800  }
0x44: {  	s14 =	simm.s32 $0x280;
	[bflag:$0x0] =	sbarrier.arrive $0xFFFF  }
0x45: {  	[spmem:s2] =	stream.indirect.scatter.add.f32 [tilespmem:s12], [sflag:$0x1], $0x1, s14, s11, $0xb8;
	[tilespmem:$0x2D80] =	vst v63  }
0x46: {  	s14 =	simm.s32 $0x200;
	_ =	swait.ge [sflag:s9], $0x80  }
.LBB2_2:
0x47: {  	s15 =	sshra.s32 s14, $0x2;
	[sflag:s9] =	ssyncset.done $0x0;
	p0 =	sne.s32 s14, $0x9E00  }
.Ltmp0:
0x48: {  	s15 =	sadd.s32 $0x280, s15;
	[sflag:s9] =	ssyncadd.s32 $0xFFFFFF80;
	(pc) =	sbr.rel @p0 .LBB2_2-.Ltmp0, $3  }
0x49: {  	[spmem:s2] =	stream.indirect.scatter.add.f32 [tilespmem:s12], [sflag:$0x1], $0x1, s15, s11, $0xb8;
	[tilespmem:$0x2D80] =	vst v63  }
0x4a: {  	s14 =	sadd.s32 $0x200, s14;
	_ =	sdelay $0x1  }
0x4b: {  	_ =	swait.ge [sflag:s9], $0x80  }
0x4c: {  	[sflag:s9] =	ssyncset.done $0x0  }
0x4d: {  	[sflag:s9] =	ssyncadd.s32 $0xFFFFFF80  }
0x4e: {  	[bflag:$0x0] =	sbarrier.arrive $0xFFFF  }
0x4f: {  	[tilespmem:s8], [sflag:$0x1] =	stream.linear.gather [spmem:s4], $0x280, $0x38;
	[tilespmem:$0x2D80] =	vst v63  }
0x50: {  	s13 =	sadd.s32 $0x1, s13;
	_ =	swait.ge [sflag:s9], $0x280  }
0x51: {  	p0 =	sne.s32 s13, s7;
	[sflag:s9] =	ssyncset.done $0x0  }
.Ltmp1:
0x52: {  	[sflag:s9] =	ssyncadd.s32 $0xFFFFFD80;
	(pc) =	sbr.rel @p0 .LBB2_1-.Ltmp1, $4  }
0x53: {  	[hbm4b:s6+s3] =	stream.linear.scatter [tilespmem:s8], [sflag:$0x1], $0x280, $0x38;
	[tilespmem:$0x2D80] =	vst v63  }
0x54: {  	_ =	swait.ge [sflag:s9], $0x280  }
0x55: {  	[sflag:s9] =	ssyncset.done $0x0  }
0x56: {  	[sflag:s9] =	ssyncadd.s32 $0xFFFFFD80  }
0x57: {  	_ =	sfence.sel $0x180000  }
0x58: {  	[bflag:$0x0] =	sbarrier.arrive $0xFFFF  }
0x59: {  	p0 =	sne.s32 s0, $0x0;
	_ =	strace $0x90000047  }
0x5a: {  	s0 =	sadd.s32 @!p0 $0x100000, s1;
	[bflag:$0x2] =	sbarrier.arrive $0xFFFF  }
0x5b: {  	[sflag:s0] =	ssyncadd.tile.s32 @!p0 $0x1;
	_ =	shalt  }
.Lfunc_end2:
_tile_overlayer_lowered:
.L_overlay_start_2:
0x5c: {  	(tag) =	ssettag $0x2  }
0x5d: {  	s0 =	rddreg [dreg:$0x0];
	s2 =	stileid.u32  }
0x5e: {  	s1 =	rddreg [dreg:$0x1];
	p0 =	sne.s32 s2, $0x0  }
0x5f: {  	s3 =	rddreg [dreg:$0x2];
	[bflag:$0x3] =	sbarrier.arrive $0xFFFF;
	s2 =	simm.s32 @!p0 $0x1C01  }
0x60: {  	[timem:s3], [sflag:s2] =	dma.local @!p0 [hbm:s0], s1  }
0x61: {  	s0 =	simm.s32 @!p0 $0x1  }
0x62: {  	_ =	swait.ge @!p0 [sflag:s0], s1  }
0x63: {  	s1 =	ssub.s32 @!p0 $0x0, s1;
	[sflag:s0] =	ssyncset.done @!p0 $0x0  }
0x64: {  	[sflag:s0] =	ssyncadd.s32 @!p0 s1  }
0x65: {  	[bflag:$0x3] =	sbarrier.arrive $0xFFFF  }
0x66: {  	_ =	shalt  }

// kernel: kernel.9.cloned.1.call-start
scs
__scs_entry_jumppad:
0x0: {  	(pc) =	sbr.rel $0x88, $3  }
0x1: {  	(tag) =	ssettag $0x0;
	lr =	simm.s32 $0x1  }
0x2: {  	[smem:$0x3F9B] =	sst lr;
	_ =	strace $0xD0000000  }
0x3: {  	_ = 	snop  }
0x4: {  	_ = 	snop  }
0x5: {  	_ = 	snop  }
0x6: {  	_ = 	snop  }
0x7: {  	_ = 	snop  }
__scs_overlays_trampoline_lowered:
0x8: {  	[smem:$0x3FAA] =	sst s0  }
0x9: {  	[smem:$0x3FAB] =	sst s1  }
0xa: {  	[smem:$0x3FAC] =	sst s2  }
0xb: {  	[smem:$0x3FAD] =	sst s3  }
0xc: {  	[smem:$0x3FAE] =	sst s4  }
0xd: {  	[smem:$0x3FAF] =	sst s5  }
0xe: {  	[smem:$0x3FB0] =	sst s6  }
0xf: {  	[smem:$0x3FB1] =	sst s7  }
0x10: {  	[smem:$0x3FB2] =	sst s8  }
0x11: {  	[smem:$0x3FB3] =	sst s9;
	s0 =	simm.s32 @!p0 $0x0  }
0x12: {  	s1 =	sld [smem:$0x3F99];
	s0 =	simm.s32 @p0 $0x1  }
0x13: {  	[smem:$0x3FB4] =	sst s0;
	s0 =	simm.s32 @!p1 $0x0  }
0x14: {  	s2 =	sld [smem:$0x3F98];
	s0 =	simm.s32 @p1 $0x1  }
0x15: {  	[smem:$0x3FB5] =	sst s0;
	s0 =	simm.s32 @!p2 $0x0  }
0x16: {  	s3 =	sld [smem:$0x3FDB];
	s0 =	simm.s32 @p2 $0x1  }
0x17: {  	s4 =	simm.s32 $0x1BF5;
	[smem:$0x3FB7] =	sst s0  }
0x18: {  	s0 =	sld [smem:$0x3F9A];
	_ =	swait.ge [sflag:s4], $0x0  }
0x19: {  	s7 =	sld [smem:$0x3F9B]  }
0x1a: {  	s8 =	sadd.s32 $0xFFFFE003, lr  }
0x1b: {  	s9 =	sadd.s32 $0xFFFFFEF7, lr;
	s5 =	simm.s32 $0xFFFFFFFF;
	p2 =	slt.u32 s8, $0xFFFFF086  }
0x1c: {  	p1 =	slt.u32 s9, $0xF7A;
	s5 =	simm.s32 @!p2 $0x0  }
0x1d: {  	s5 =	simm.s32 @p1 $0x1;
	p0 =	seq.s32 s7, s2  }
0x1e: {  	s7 =	smul.u32 @!p0 $0xF7A, s2;
	p2 =	seq.s32 @!p0 s5, $0x0  }
0x1f: {  	s9 =	smul.u32 $0xF7A, s1;
	s8 =	simm.s32 @!p0 $0x1BF5;
	p2 =	por !p2, p0  }
0x20: {  	[sflag:s8] =	ssyncset.s32 @!p0 $0xFFFFF086;
	s6 =	sadd.s32 @!p0 s3, s7;
	s7 =	simm.s32 @!p0 $0x108  }
0x21: {  	s3 =	sadd.s32 s3, s9;
	s6 =	sadd.s32 @!p0 $0x88, s6;
	s7 =	simm.s32 @p2 $0x1082  }
0x22: {  	[simem:s7], [sflag:s8] =	dma.local @!p0 [hbm:s6], $0xF7A  }
0x23: {  	s9 =	sor.u32 $0xD0000000, s2;
	s6 =	simm.s32 $0x108;
	_ =	swait.ge @!p0 [sflag:s8], $0x0  }
0x24: {  	s3 =	sadd.s32 $0x88, s3;
	s6 =	simm.s32 @!p1 $0x1082;
	[sflag:s4] =	ssyncset.s32 $0xFFFFF086  }
0x25: {  	[simem:s6], [sflag:s4] =	dma.local [hbm:s3], $0xF7A  }
0x26: {  	[smem:$0x3F9B] =	sst s1;
	(tag) =	ssettag s2;
	_ =	strace s9  }
0x27: {  	s1 =	sld [smem:$0x3FAB]  }
0x28: {  	s2 =	sld [smem:$0x3FAC]  }
0x29: {  	s4 =	sld [smem:$0x3FAE]  }
0x2a: {  	p0 =	seq.s32 s5, $0x0;
	s5 =	sld [smem:$0x3FAF]  }
0x2b: {  	s6 =	sld [smem:$0x3FB0]  }
0x2c: {  	s7 =	sld [smem:$0x3FB1]  }
0x2d: {  	s3 =	simm.s32 $0x108;
	s8 =	sld [smem:$0x3FB2]  }
0x2e: {  	s3 =	simm.s32 @!p0 $0x1082;
	s9 =	sld [smem:$0x3FB3]  }
0x2f: {  	lr =	sadd.s32 s0, s3;
	s0 =	sld [smem:$0x3FAA]  }
0x30: {  	s3 =	sld [smem:$0x3FAD]  }
0x31: {  	[smem:$0x3FB6] =	sst s10  }
0x32: {  	s10 =	sld [smem:$0x3FB4];
	_ =	sdelay $0x3  }
0x33: {  	p0 =	seq.s32 s10, $0x1;
	s10 =	sld [smem:$0x3FB6];
	_ =	sdelay $0x3  }
0x34: {  	[smem:$0x3FB6] =	sst s10  }
0x35: {  	s10 =	sld [smem:$0x3FB5];
	_ =	sdelay $0x3  }
0x36: {  	p1 =	seq.s32 s10, $0x1;
	s10 =	sld [smem:$0x3FB6];
	_ =	sdelay $0x3  }
0x37: {  	[smem:$0x3FB6] =	sst s10  }
0x38: {  	s10 =	sld [smem:$0x3FB7]  }
0x39: {  	_ = 	snop;
	(pc) =	sbr.ind lr, $3  }
0x3a: {  	_ = 	snop  }
0x3b: {  	_ = 	snop  }
0x3c: {  	p2 =	seq.s32 s10, $0x1;
	s10 =	sld [smem:$0x3FB6]  }
0x3d: {  	_ =	shalt  }
0x3e: {  	_ =	shalt  }
0x3f: {  	_ =	shalt  }
0x40: {  	_ =	shalt  }
0x41: {  	_ =	shalt  }
0x42: {  	_ =	shalt  }
0x43: {  	_ =	shalt  }
0x44: {  	_ =	shalt  }
0x45: {  	_ =	shalt  }
0x46: {  	_ =	shalt  }
0x47: {  	_ =	shalt  }
0x48: {  	_ =	shalt  }
0x49: {  	_ =	shalt  }
0x4a: {  	_ =	shalt  }
0x4b: {  	_ =	shalt  }
0x4c: {  	_ =	shalt  }
0x4d: {  	_ =	shalt  }
0x4e: {  	_ =	shalt  }
0x4f: {  	_ =	shalt  }
0x50: {  	_ =	shalt  }
0x51: {  	_ =	shalt  }
0x52: {  	_ =	shalt  }
0x53: {  	_ =	shalt  }
0x54: {  	_ =	shalt  }
0x55: {  	_ =	shalt  }
0x56: {  	_ =	shalt  }
0x57: {  	_ =	shalt  }
0x58: {  	_ =	shalt  }
0x59: {  	_ =	shalt  }
0x5a: {  	_ =	shalt  }
0x5b: {  	_ =	shalt  }
0x5c: {  	_ =	shalt  }
0x5d: {  	_ =	shalt  }
0x5e: {  	_ =	shalt  }
0x5f: {  	_ =	shalt  }
0x60: {  	_ =	shalt  }
0x61: {  	_ =	shalt  }
0x62: {  	_ =	shalt  }
0x63: {  	_ =	shalt  }
0x64: {  	_ =	shalt  }
0x65: {  	_ =	shalt  }
0x66: {  	_ =	shalt  }
0x67: {  	_ =	shalt  }
0x68: {  	_ =	shalt  }
0x69: {  	_ =	shalt  }
0x6a: {  	_ =	shalt  }
0x6b: {  	_ =	shalt  }
0x6c: {  	_ =	shalt  }
0x6d: {  	_ =	shalt  }
0x6e: {  	_ =	shalt  }
0x6f: {  	_ =	shalt  }
0x70: {  	_ =	shalt  }
0x71: {  	_ =	shalt  }
0x72: {  	_ =	shalt  }
0x73: {  	_ =	shalt  }
0x74: {  	_ =	shalt  }
0x75: {  	_ =	shalt  }
0x76: {  	_ =	shalt  }
0x77: {  	_ =	shalt  }
0x78: {  	_ =	shalt  }
0x79: {  	_ =	shalt  }
0x7a: {  	_ =	shalt  }
0x7b: {  	_ =	shalt  }
0x7c: {  	_ =	shalt  }
0x7d: {  	_ =	shalt  }
0x7e: {  	_ =	shalt  }
0x7f: {  	_ =	shalt  }
0x80: {  	_ =	shalt  }
0x81: {  	_ =	shalt  }
0x82: {  	_ =	shalt  }
0x83: {  	_ =	shalt  }
0x84: {  	_ =	shalt  }
0x85: {  	_ =	shalt  }
0x86: {  	_ =	shalt  }
0x87: {  	_ =	shalt  }
.Lfunc_end0:
.L_simem_size_0:
called_computation.1_lowered:
.L_overlay_start_0:
0x88: {  	s2 =	sld [smem:$0x3FD9]  }
0x89: {  	s3 =	sld [smem:$0x3FFE];
	_ =	sdelay $0x1  }
0x8a: {  	s1 =	srdreg.scid  }
0x8b: {  	s0 =	sand.u32 $0x1, s1  }
0x8c: {  	s17 =	sshll.u32 s0, $0xA;
	s2 =	sadd.s32 s3, s2  }
0x8d: {  	s2 =	sadd.s32 s2, s17  }
0x8e: {  	[smem:$0x3FC2] =	sst s2  }
0x8f: {  	_ = 	snop  }
0x90: {  	s2 =	sld [smem:$0x3FD0];
	(tm) =	ssettm $0x1  }
0x91: {  	s18 =	sld [smem:$0x3FFB];
	_ =	sdelay $0x3  }
0x92: {  	_ =	strace s18  }
0x93: {  	s3 =	sld [smem:$0x3FFC];
	_ =	sdelay $0x3  }
0x94: {  	_ =	strace s3  }
0x95: {  	s3 =	sld [smem:$0x3FFD];
	_ =	sdelay $0x3  }
0x96: {  	_ =	strace s3  }
0x97: {  	_ =	strace $0x8FFFFFFF  }
0x98: {  	s19 =	sld [smem:$0x3FDB];
	_ =	sdelay $0x1  }
0x99: {  	s4 =	simm.s32 $_scs_section_size  }
0x9a: {  	s5 =	simm.s32 $_size__tile_overlayer_lowered;
	s6 =	simm.s32 $_tile_overlayer_lowered  }
0x9b: {  	s22 =	simm.s32 $0x1BFF;
	s21 =	sshll.u32 s6, $0x1;
	s3 =	sadd.s32 s4, s19  }
0x9c: {  	s7 =	simm.s32 $0x0;
	s20 =	sshll.u32 s5, $0x1;
	s5 =	sadd.s32 s21, s3  }
0x9d: {  	[timem:s7], [sflag:s22] =	dma.local [hbm:s5], s20  }
0x9e: {  	_ =	swait.ge [sflag:s22], s20  }
0x9f: {  	s4 =	ssub.s32 $0x0, s20;
	[sflag:s22] =	ssyncset.done $0x0  }
0xa0: {  	[sflag:s22] =	ssyncadd.s32 s4;
	_ =	sdelay $0x1  }
0xa1: {  	s23 =	simm.s32 $0x1B8B  }
0xa2: {  	_ =	swait.ge [sflag:s23], $0x1  }
0xa3: {  	[sflag:s23] =	ssyncset.done $0x0  }
0xa4: {  	s25 =	simm.s32 $0x1B8E;
	s24 =	sld [smem:$0x3FFE];
	[sflag:s23] =	ssyncadd.s32 $0xFFFFFFFF  }
0xa5: {  	s26 =	simm.s32 $execute0_lowered;
	[smem:$0x3FD2] =	sst s25  }
0xa6: {  	s5 =	sshll.u32 s26, $0x1;
	_ =	strace $0x80000049;
	[dreg:$0x1] =	wrdreg $0xFFFFFFFF  }
0xa7: {  	s28 =	simm.s32 $_size_execute0_lowered;
	s3 =	sadd.s32 s3, s5;
	[dreg:$0x0] =	wrdreg $0x0  }
0xa8: {  	s5 =	sshll.u32 s28, $0x1;
	[dreg:$0x2] =	wrdreg s3  }
0xa9: {  	[dreg:$0x3] =	wrdreg s5  }
0xaa: {  	[dreg:$0x4] =	wrdreg $0xC0  }
0xab: {  	_ =	task [dreg:s7], $0x5FFFF  }
0xac: {  	[dreg:$0x1] =	wrdreg $0xFFFFFFFF  }
0xad: {  	[dreg:$0x0] =	wrdreg $0x60  }
0xae: {  	[dreg:$0x2] =	wrdreg s24  }
0xaf: {  	[dreg:$0x3] =	wrdreg s2  }
0xb0: {  	[dreg:$0x4] =	wrdreg $0x0  }
0xb1: {  	[dreg:$0x5] =	wrdreg $0x9  }
0xb2: {  	_ =	task.clear_ibuf [dreg:s7], $0x6FFFF;
	_ =	strace $0x90000049  }
0xb3: {  	s29 =	simm.s32 $0x9;
	_ =	strace $0x8000004B  }
0xb4: {  	_ =	swait.ge [sflag:s29], $0x1  }
0xb5: {  	[sflag:s29] =	ssyncadd.s32 $0xFFFFFFFF  }
0xb6: {  	_ =	strace $0x9000004B  }
0xb7: {  	_ =	sfence  }
0xb8: {  	s30 =	sld [smem:$0x0];
	_ =	sdelay $0x2  }
0xb9: {  	s31 =	sshll.u32 s1, $0xD;
	s1 =	sshrl.u32 s1, $0x2  }
0xba: {  	s3 =	sand.u32 $0x4000, s31;
	s1 =	sadd.s32 s1, s30  }
0xbb: {  	s0 =	sor.u32 s3, s0;
	s1 =	sshll.u32 s1, $0x11  }
0xbc: {  	s0 =	sor.u32 s1, s0  }
0xbd: {  	s0 =	sadd.s32 $0x8F2B, s0  }
0xbe: {  	[sflag:s0] =	ssyncadd.remote.s32 $0x1  }
0xbf: {  	_ =	sfence.sel $0xFFFF  }
0xc0: {  	[dreg:$0x0] =	wrdreg $0xFFFFFFFF;
	(pc) =	sbr.abs _section_cstart, $3  }
0xc1: {  	[dreg:$0x1] =	wrdreg $0xFFFFFFFF  }
0xc2: {  	_ =	task.clear_ibuf [dreg:s7], $0x2FFFF;
	_ =	strace $0x9FFFFFFF  }
0xc3: {  	(tm) =	ssettm $0x7FFFFFFF  }
tec
execute0_lowered:
.L_overlay_start_1:
0x0: {  	(tag) =	ssettag $0x1  }
0x1: {  	s0 =	rddreg [dreg:$0x0]  }
0x2: {  	s2 =	srdreg.scid;
	s11 =	stileid.u32  }
0x3: {  	s1 =	rddreg [dreg:$0x1];
	s28 =	simm.s32 $0x2;
	s29 =	simm.s32 $0x18400  }
0x4: {  	s30 =	simm.s32 $0x5;
	s31 =	simm.s32 $0x14300;
	s3 =	sand.u32 $0x1, s2  }
0x5: {  	s4 =	smul.u32 $0x280, s11;
	s2 =	simm.s32 $0x0;
	s6 =	sshll.u32 s11, $0x1  }
0x6: {  	s7 =	sadd.s32 $0x1E00, s0;
	s5 =	smul.u32 $0x2800, s3;
	s6 =	sor.u32 s3, s6  }
0x7: {  	s8 =	sadd.s32 $0xBE00, s0;
	s3 =	ssub.s32 $0x2, s3;
	s6 =	smul.u32 $0x2800, s6  }
0x8: {  	[smem:$0x7FF] =	sst s2;
	s9 =	sshrl.u32 s3, $0x1;
	s4 =	sadd.s32 s4, s5  }
0x9: {  	s3 =	ssub.s32 s3, s9;
	s26 =	sshrl.u32 s6, $0x3;
	s6 =	smul.u32 $0x50000, s11  }
0xa: {  	s4 =	sshll.u32 s4, $0x4;
	s11 =	smul.u32 $0x5000, s11;
	s10 =	sadd.s32 s7, s26  }
0xb: {  	s12 =	sor.u32 $0x10, s26;
	[dreg:$0x4] =	wrdreg s10;
	s10 =	sadd.s32 s8, s26  }
0xc: {  	s0 =	sadd.s32 s4, s0;
	s13 =	sadd.s32 s7, s12;
	[dreg:$0x5] =	wrdreg s10  }
0xd: {  	s14 =	sor.u32 $0x20, s26;
	s9 =	sadd.s32 s8, s12;
	[dreg:$0x6] =	wrdreg s13  }
0xe: {  	s15 =	sor.u32 $0x30, s26;
	s12 =	sadd.s32 s7, s14;
	[dreg:$0x7] =	wrdreg s9  }
0xf: {  	s18 =	sor.u32 $0x40, s26;
	s16 =	sadd.s32 s7, s15;
	[dreg:$0x8] =	wrdreg s12  }
0x10: {  	s4 =	sor.u32 $0x50, s26;
	s17 =	sadd.s32 s8, s15;
	[dreg:$0xa] =	wrdreg s16  }
0x11: {  	s5 =	sadd.s32 s5, s11;
	s19 =	sadd.s32 s7, s18;
	[dreg:$0xb] =	wrdreg s17  }
0x12: {  	s21 =	sadd.s32 s7, s4;
	s4 =	sadd.s32 s8, s4;
	[dreg:$0xc] =	wrdreg s19  }
0x13: {  	s15 =	sadd.s32 $0x16E00, s0;
	s9 =	sadd.s32 s8, s14;
	[dreg:$0xe] =	wrdreg s21  }
0x14: {  	s20 =	sor.u32 $0x480, s5;
	[dreg:$0xf] =	wrdreg s4;
	s24 =	sor.u32 $0x400, s5  }
0x15: {  	s25 =	sor.u32 $0x380, s5;
	s5 =	sor.u32 $0x300, s5;
	s12 =	sshrl.u32 s6, $0x2  }
0x16: {  	s13 =	sadd.s32 $0x15E00, s0;
	s14 =	sadd.s32 $0x16600, s0;
	s16 =	sadd.s32 $0x17600, s0  }
0x17: {  	[dreg:$0x9] =	wrdreg s9;
	s9 =	sadd.s32 s8, s18;
	s22 =	sshrl.u32 s20, $0x3  }
0x18: {  	s0 =	sadd.s32 $0x17E00, s0;
	[dreg:$0xd] =	wrdreg s9;
	s23 =	sadd.s32 s22, s8  }
0x19: {  	s4 =	sshrl.u32 s24, $0x3;
	s9 =	sadd.s32 s22, s7;
	[dreg:$0x10] =	wrdreg s23  }
0x1a: {  	s17 =	smax.u32 s3, $0x1;
	s26 =	sadd.s32 s4, s8;
	[dreg:$0x1c] =	wrdreg s9  }
0x1b: {  	s6 =	simm.s32 $0x14400;
	s10 =	simm.s32 $0x14100;
	[dreg:$0x1d] =	wrdreg s26  }
0x1c: {  	s3 =	simm.s32 $0x7;
	s11 =	sshrl.u32 s5, $0x3;
	s23 =	rddreg [dreg:$0x2]  }
0x1d: {  	s5 =	simm.s32 $0x4;
	_ =	strace $0x8000004A;
	[dreg:$0x12] =	wrdreg s13  }
0x1e: {  	s18 =	sadd.s32 s4, s7;
	s22 =	sadd.s32 s11, s8;
	[dreg:$0x13] =	wrdreg s14  }
0x1f: {  	s24 =	sadd.s32 s11, s7;
	s11 =	simm.s32 $0x14180;
	[dreg:$0x14] =	wrdreg s15  }
0x20: {  	s4 =	simm.s32 $0x6;
	s9 =	sshrl.u32 s25, $0x3;
	[dreg:$0x15] =	wrdreg s16  }
0x21: {  	s20 =	sadd.s32 s9, s8;
	s21 =	sadd.s32 s9, s7;
	[dreg:$0x16] =	wrdreg s0  }
0x22: {  	s7 =	sadd.s32 s12, s23;
	[dreg:$0x17] =	wrdreg s17;
	s12 =	simm.s32 $0x1  }
0x23: {  	s13 =	simm.s32 $0x80;
	s14 =	simm.s32 $0x14200;
	s0 =	simm.s32 $0x3  }
.Ltmp0:
0x24: {  	s19 =	sadd.s32 $0x8000, s7;
	[dreg:$0x11] =	wrdreg s7;
	(pc) =	sbr.rel .LBB2_1-.Ltmp0, $4  }
0x25: {  	s16 =	simm.s32 $0x0;
	s25 =	sadd.s32 $0xC000, s7;
	[dreg:$0x19] =	wrdreg s19  }
0x26: {  	s17 =	simm.s32 $0x14080;
	s26 =	sadd.s32 $0x10000, s7;
	[dreg:$0x1a] =	wrdreg s25  }
0x27: {  	s15 =	sadd.s32 $0x4000, s7;
	[dreg:$0x1b] =	wrdreg s26;
	s26 =	simm.s32 $0x14280  }
0x28: {  	v0 =	vimm.f32 $0.0e+00;
	s19 =	simm.s32 $0x14380;
	s25 =	simm.s32 $0x8;
	[dreg:$0x18] =	wrdreg s15  }
.LBB2_6:
0x29: {  	_ =	swait.ge [sflag:s4], $0x4000  }
0x2a: {  	[sflag:s4] =	ssyncset.done $0x0  }
0x2b: {  	[sflag:s4] =	ssyncadd.s32 $0xFFFFC000  }
0x2c: {  	[spmem:s23] =	stream.indirect.scatter.add.f32 [tilespmem:s29], [sflag:$0x8], $0x80, s19, s13, $0xb8;
	[tilespmem:$0x1C400] =	vst v63  }
0x2d: {  	_ =	swait.ge [sflag:s3], $0x4000  }
0x2e: {  	[sflag:s3] =	ssyncset.done $0x0  }
0x2f: {  	[sflag:s3] =	ssyncadd.s32 $0xFFFFC000  }
0x30: {  	_ =	swait.ge [sflag:s25], $0x4000  }
0x31: {  	[sflag:s25] =	ssyncset.done $0x0  }
0x32: {  	[sflag:s25] =	ssyncadd.s32 $0xFFFFC000  }
0x33: {  	[bflag:$0x0] =	sbarrier.arrive $0xFFFF  }
0x34: {  	s9 =	simm.s32 $0x9;
	s7 =	rddreg [dreg:$0x11]  }
0x35: {  	[tilespmem:s6], [sflag:$0x9] =	stream.linear.gather [spmem:s7], $0x4000, $0x38;
	[tilespmem:$0x1C400] =	vst v63  }
0x36: {  	_ =	swait.ge [sflag:s9], $0x4000  }
0x37: {  	[sflag:s9] =	ssyncset.done $0x0  }
0x38: {  	s8 =	rddreg [dreg:$0x12];
	[sflag:s9] =	ssyncadd.s32 $0xFFFFC000  }
0x39: {  	[hbm4b:s8+s2] =	stream.linear.scatter [tilespmem:s6], [sflag:$0x9], $0x4000, $0x38;
	[tilespmem:$0x1C400] =	vst v63  }
0x3a: {  	_ =	swait.ge [sflag:s9], $0x4000  }
0x3b: {  	[sflag:s9] =	ssyncset.done $0x0  }
0x3c: {  	s15 =	rddreg [dreg:$0x18];
	[sflag:s9] =	ssyncadd.s32 $0xFFFFC000  }
0x3d: {  	[tilespmem:s6], [sflag:$0x9] =	stream.linear.gather [spmem:s15], $0x4000, $0x38;
	[tilespmem:$0x1C400] =	vst v63  }
0x3e: {  	_ =	swait.ge [sflag:s9], $0x4000  }
0x3f: {  	[sflag:s9] =	ssyncset.done $0x0  }
0x40: {  	s16 =	rddreg [dreg:$0x13];
	[sflag:s9] =	ssyncadd.s32 $0xFFFFC000  }
0x41: {  	[hbm4b:s16+s2] =	stream.linear.scatter [tilespmem:s6], [sflag:$0x9], $0x4000, $0x38;
	[tilespmem:$0x1C400] =	vst v63  }
0x42: {  	_ =	swait.ge [sflag:s9], $0x4000  }
0x43: {  	[sflag:s9] =	ssyncset.done $0x0  }
0x44: {  	s16 =	rddreg [dreg:$0x19];
	[sflag:s9] =	ssyncadd.s32 $0xFFFFC000  }
0x45: {  	[tilespmem:s6], [sflag:$0x9] =	stream.linear.gather [spmem:s16], $0x4000, $0x38;
	[tilespmem:$0x1C400] =	vst v63  }
0x46: {  	_ =	swait.ge [sflag:s9], $0x4000  }
0x47: {  	[sflag:s9] =	ssyncset.done $0x0  }
0x48: {  	s16 =	rddreg [dreg:$0x14];
	[sflag:s9] =	ssyncadd.s32 $0xFFFFC000  }
0x49: {  	[hbm4b:s16+s2] =	stream.linear.scatter [tilespmem:s6], [sflag:$0x9], $0x4000, $0x38;
	[tilespmem:$0x1C400] =	vst v63  }
0x4a: {  	_ =	swait.ge [sflag:s9], $0x4000  }
0x4b: {  	[sflag:s9] =	ssyncset.done $0x0  }
0x4c: {  	s16 =	rddreg [dreg:$0x1a];
	[sflag:s9] =	ssyncadd.s32 $0xFFFFC000  }
0x4d: {  	[tilespmem:s6], [sflag:$0x9] =	stream.linear.gather [spmem:s16], $0x4000, $0x38;
	[tilespmem:$0x1C400] =	vst v63  }
0x4e: {  	_ =	swait.ge [sflag:s9], $0x4000  }
0x4f: {  	[sflag:s9] =	ssyncset.done $0x0  }
0x50: {  	s16 =	rddreg [dreg:$0x15];
	[sflag:s9] =	ssyncadd.s32 $0xFFFFC000  }
0x51: {  	[hbm4b:s16+s2] =	stream.linear.scatter [tilespmem:s6], [sflag:$0x9], $0x4000, $0x38;
	[tilespmem:$0x1C400] =	vst v63  }
0x52: {  	_ =	swait.ge [sflag:s9], $0x4000  }
0x53: {  	[sflag:s9] =	ssyncset.done $0x0  }
0x54: {  	s16 =	rddreg [dreg:$0x1b];
	[sflag:s9] =	ssyncadd.s32 $0xFFFFC000  }
0x55: {  	[tilespmem:s6], [sflag:$0x9] =	stream.linear.gather [spmem:s16], $0x4000, $0x38;
	[tilespmem:$0x1C400] =	vst v63  }
0x56: {  	_ =	swait.ge [sflag:s9], $0x4000  }
0x57: {  	[sflag:s9] =	ssyncset.done $0x0  }
0x58: {  	s16 =	rddreg [dreg:$0x16];
	[sflag:s9] =	ssyncadd.s32 $0xFFFFC000  }
0x59: {  	[hbm4b:s16+s2] =	stream.linear.scatter [tilespmem:s6], [sflag:$0x9], $0x4000, $0x38;
	[tilespmem:$0x1C400] =	vst v63  }
0x5a: {  	_ =	swait.ge [sflag:s9], $0x4000  }
0x5b: {  	s16 =	rddreg [dreg:$0x1e]  }
0x5c: {  	s8 =	rddreg [dreg:$0x17];
	s16 =	sadd.s32 $0x1, s16  }
0x5d: {  	p0 =	sne.s32 s16, s8  }
.Ltmp1:
0x5e: {  	_ = 	snop;
	(pc) =	sbr.rel @!p0 .LBB2_7-.Ltmp1, $3  }
0x5f: {  	_ =	sdelay $0x1  }
0x60: {  	[sflag:s9] =	ssyncset.done $0x0  }
0x61: {  	[sflag:s9] =	ssyncadd.s32 $0xFFFFC000  }
.LBB2_1:
0x62: {  	[dreg:$0x1e] =	wrdreg s16;
	s8 =	simm.s32 $0x0;
	s9 =	simm.s32 $0x200  }
.LBB2_2:
0x63: {  	p0 =	sne.s32 s9, $0xFE00;
	[tilespmem:s8+$0x14470] =	vst v0  }
0x64: {  	[tilespmem:s8+$0x14400] =	vst v0  }
0x65: {  	[tilespmem:s8+$0x14410] =	vst v0  }
.Ltmp2:
0x66: {  	[tilespmem:s8+$0x14420] =	vst v0;
	(pc) =	sbr.rel @p0 .LBB2_2-.Ltmp2, $4  }
0x67: {  	[tilespmem:s8+$0x14430] =	vst v0  }
0x68: {  	[tilespmem:s8+$0x14440] =	vst v0  }
0x69: {  	[tilespmem:s8+$0x14450] =	vst v0  }
0x6a: {  	[tilespmem:s8+$0x14460] =	vst v0;
	s8 =	sshra.s32 s9, $0x2;
	s9 =	sadd.s32 $0x200, s9  }
0x6b: {  	[tilespmem:s8+$0x14470] =	vst v0  }
0x6c: {  	[tilespmem:s8+$0x14400] =	vst v0  }
0x6d: {  	[tilespmem:s8+$0x14410] =	vst v0  }
0x6e: {  	[tilespmem:s8+$0x14420] =	vst v0  }
0x6f: {  	[tilespmem:s8+$0x14430] =	vst v0  }
0x70: {  	[tilespmem:s8+$0x14440] =	vst v0  }
0x71: {  	[tilespmem:s8+$0x14450] =	vst v0  }
0x72: {  	[tilespmem:s8+$0x14460] =	vst v0;
	s8 =	simm.s32 $0x9  }
0x73: {  	[spmem:s7] =	stream.linear.scatter [tilespmem:s6], [sflag:$0x9], $0x4000, $0x38;
	[tilespmem:$0x1C400] =	vst v63  }
0x74: {  	_ =	swait.ge [sflag:s8], $0x4000  }
0x75: {  	[sflag:s8] =	ssyncset.done $0x0  }
0x76: {  	[sflag:s8] =	ssyncadd.s32 $0xFFFFC000  }
0x77: {  	[spmem:s15] =	stream.linear.scatter [tilespmem:s6], [sflag:$0x9], $0x4000, $0x38;
	[tilespmem:$0x1C400] =	vst v63  }
0x78: {  	_ =	swait.ge [sflag:s8], $0x4000  }
0x79: {  	[sflag:s8] =	ssyncset.done $0x0  }
0x7a: {  	s15 =	rddreg [dreg:$0x19];
	[sflag:s8] =	ssyncadd.s32 $0xFFFFC000  }
0x7b: {  	[spmem:s15] =	stream.linear.scatter [tilespmem:s6], [sflag:$0x9], $0x4000, $0x38;
	[tilespmem:$0x1C400] =	vst v63  }
0x7c: {  	_ =	swait.ge [sflag:s8], $0x4000  }
0x7d: {  	[sflag:s8] =	ssyncset.done $0x0  }
0x7e: {  	s16 =	rddreg [dreg:$0x1a];
	[sflag:s8] =	ssyncadd.s32 $0xFFFFC000  }
0x7f: {  	[spmem:s16] =	stream.linear.scatter [tilespmem:s6], [sflag:$0x9], $0x4000, $0x38;
	[tilespmem:$0x1C400] =	vst v63  }
0x80: {  	_ =	swait.ge [sflag:s8], $0x4000  }
0x81: {  	[sflag:s8] =	ssyncset.done $0x0  }
0x82: {  	s9 =	rddreg [dreg:$0x1b];
	[sflag:s8] =	ssyncadd.s32 $0xFFFFC000  }
0x83: {  	[spmem:s9] =	stream.linear.scatter [tilespmem:s6], [sflag:$0x9], $0x4000, $0x38;
	[tilespmem:$0x1C400] =	vst v63  }
0x84: {  	_ =	swait.ge [sflag:s8], $0x4000  }
0x85: {  	[sflag:s8] =	ssyncset.done $0x0  }
0x86: {  	[sflag:s8] =	ssyncadd.s32 $0xFFFFC000  }
0x87: {  	[bflag:$0x0] =	sbarrier.arrive $0xFFFF  }
0x88: {  	s9 =	simm.s32 $0x14000;
	s8 =	simm.s32 $0x0;
	s15 =	rddreg [dreg:$0x4]  }
0x89: {  	[tilespmem:s9], [sflag:$0x1] =	stream.linear.gather [hbm4b:s15+s8], $0x80, $0x38;
	[tilespmem:$0x1C400] =	vst v63  }
0x8a: {  	s16 =	rddreg [dreg:$0x5];
	s15 =	simm.s32 $0x14080  }
0x8b: {  	[tilespmem:s15], [sflag:$0x1] =	stream.linear.gather [hbm4b:s16+s8], $0x80, $0x38;
	[tilespmem:$0x1C400] =	vst v63  }
0x8c: {  	s16 =	rddreg [dreg:$0x6]  }
0x8d: {  	[tilespmem:s10], [sflag:$0x2] =	stream.linear.gather [hbm4b:s16+s8], $0x80, $0x38;
	[tilespmem:$0x1C400] =	vst v63  }
0x8e: {  	s16 =	rddreg [dreg:$0x7]  }
0x8f: {  	[tilespmem:s11], [sflag:$0x2] =	stream.linear.gather [hbm4b:s16+s8], $0x80, $0x38;
	[tilespmem:$0x1C400] =	vst v63  }
0x90: {  	_ =	swait.ge [sflag:s12], $0x80  }
0x91: {  	[sflag:s12] =	ssyncset.done $0x0  }
0x92: {  	[sflag:s12] =	ssyncadd.s32 $0xFFFFFF80  }
0x93: {  	_ =	swait.ge [sflag:s12], $0x80  }
0x94: {  	[sflag:s12] =	ssyncset.done $0x0  }
0x95: {  	[sflag:s12] =	ssyncadd.s32 $0xFFFFFF80  }
0x96: {  	[tilespmem:s6], [sflag:$0x5] =	stream.indirect.gather [hbm4b:s1+s13], $0x80, s9, s13, $0xb8;
	[tilespmem:$0x1C400] =	vst v63  }
0x97: {  	s16 =	rddreg [dreg:$0x8]  }
0x98: {  	[tilespmem:s14], [sflag:$0x3] =	stream.linear.gather [hbm4b:s16+s8], $0x80, $0x38;
	[tilespmem:$0x1C400] =	vst v63  }
0x99: {  	s16 =	rddreg [dreg:$0x9]  }
0x9a: {  	[tilespmem:s26], [sflag:$0x3] =	stream.linear.gather [hbm4b:s16+s8], $0x80, $0x38;
	[tilespmem:$0x1C400] =	vst v63  }
0x9b: {  	_ =	swait.ge [sflag:s28], $0x80  }
0x9c: {  	[sflag:s28] =	ssyncset.done $0x0  }
0x9d: {  	[sflag:s28] =	ssyncadd.s32 $0xFFFFFF80  }
0x9e: {  	_ =	swait.ge [sflag:s28], $0x80  }
0x9f: {  	[sflag:s28] =	ssyncset.done $0x0  }
0xa0: {  	[sflag:s28] =	ssyncadd.s32 $0xFFFFFF80  }
0xa1: {  	[tilespmem:s29], [sflag:$0x6] =	stream.indirect.gather [hbm4b:s1+s13], $0x80, s10, s13, $0xb8;
	[tilespmem:$0x1C400] =	vst v63  }
0xa2: {  	_ =	swait.ge [sflag:s30], $0x4000  }
0xa3: {  	[sflag:s30] =	ssyncset.done $0x0  }
0xa4: {  	[sflag:s30] =	ssyncadd.s32 $0xFFFFC000  }
0xa5: {  	[spmem:s23] =	stream.indirect.scatter.add.f32 [tilespmem:s6], [sflag:$0x7], $0x80, s15, s13, $0xb8;
	[tilespmem:$0x1C400] =	vst v63  }
0xa6: {  	s16 =	rddreg [dreg:$0xa]  }
0xa7: {  	[tilespmem:s31], [sflag:$0x4] =	stream.linear.gather [hbm4b:s16+s8], $0x80, $0x38;
	[tilespmem:$0x1C400] =	vst v63  }
0xa8: {  	s16 =	rddreg [dreg:$0xb]  }
0xa9: {  	[tilespmem:s19], [sflag:$0x4] =	stream.linear.gather [hbm4b:s16+s8], $0x80, $0x38;
	[tilespmem:$0x1C400] =	vst v63  }
0xaa: {  	_ =	swait.ge [sflag:s0], $0x80  }
0xab: {  	[sflag:s0] =	ssyncset.done $0x0  }
0xac: {  	[sflag:s0] =	ssyncadd.s32 $0xFFFFFF80  }
0xad: {  	_ =	swait.ge [sflag:s0], $0x80  }
0xae: {  	[sflag:s0] =	ssyncset.done $0x0  }
0xaf: {  	[sflag:s0] =	ssyncadd.s32 $0xFFFFFF80  }
0xb0: {  	_ =	swait.ge [sflag:s3], $0x4000  }
0xb1: {  	[sflag:s3] =	ssyncset.done $0x0  }
0xb2: {  	[sflag:s3] =	ssyncadd.s32 $0xFFFFC000  }
0xb3: {  	[tilespmem:s6], [sflag:$0x5] =	stream.indirect.gather [hbm4b:s1+s13], $0x80, s14, s13, $0xb8;
	[tilespmem:$0x1C400] =	vst v63  }
0xb4: {  	_ =	swait.ge [sflag:s4], $0x4000  }
0xb5: {  	[sflag:s4] =	ssyncset.done $0x0  }
0xb6: {  	[sflag:s4] =	ssyncadd.s32 $0xFFFFC000  }
0xb7: {  	[spmem:s23] =	stream.indirect.scatter.add.f32 [tilespmem:s29], [sflag:$0x8], $0x80, s11, s13, $0xb8;
	[tilespmem:$0x1C400] =	vst v63  }
0xb8: {  	s7 =	rddreg [dreg:$0xc]  }
0xb9: {  	[tilespmem:s9], [sflag:$0x1] =	stream.linear.gather [hbm4b:s7+s8], $0x80, $0x38;
	[tilespmem:$0x1C400] =	vst v63  }
0xba: {  	s9 =	rddreg [dreg:$0xd]  }
0xbb: {  	[tilespmem:s15], [sflag:$0x1] =	stream.linear.gather [hbm4b:s9+s8], $0x80, $0x38;
	[tilespmem:$0x1C400] =	vst v63  }
0xbc: {  	_ =	swait.ge [sflag:s5], $0x80  }
0xbd: {  	[sflag:s5] =	ssyncset.done $0x0  }
0xbe: {  	[sflag:s5] =	ssyncadd.s32 $0xFFFFFF80  }
0xbf: {  	_ =	swait.ge [sflag:s5], $0x80  }
0xc0: {  	[sflag:s5] =	ssyncset.done $0x0  }
0xc1: {  	[sflag:s5] =	ssyncadd.s32 $0xFFFFFF80  }
0xc2: {  	_ =	swait.ge [sflag:s25], $0x4000  }
0xc3: {  	[sflag:s25] =	ssyncset.done $0x0  }
0xc4: {  	[sflag:s25] =	ssyncadd.s32 $0xFFFFC000  }
0xc5: {  	[tilespmem:s29], [sflag:$0x6] =	stream.indirect.gather [hbm4b:s1+s13], $0x80, s31, s13, $0xb8;
	[tilespmem:$0x1C400] =	vst v63  }
0xc6: {  	_ =	swait.ge [sflag:s30], $0x4000  }
0xc7: {  	[sflag:s30] =	ssyncset.done $0x0  }
0xc8: {  	[sflag:s30] =	ssyncadd.s32 $0xFFFFC000  }
0xc9: {  	[spmem:s23] =	stream.indirect.scatter.add.f32 [tilespmem:s6], [sflag:$0x7], $0x80, s26, s13, $0xb8;
	[tilespmem:$0x1C400] =	vst v63  }
0xca: {  	s9 =	rddreg [dreg:$0xe]  }
0xcb: {  	[tilespmem:s10], [sflag:$0x2] =	stream.linear.gather [hbm4b:s9+s8], $0x80, $0x38;
	[tilespmem:$0x1C400] =	vst v63  }
0xcc: {  	s16 =	simm.s32 $0x14000;
	s15 =	rddreg [dreg:$0xf]  }
0xcd: {  	[tilespmem:s11], [sflag:$0x2] =	stream.linear.gather [hbm4b:s15+s8], $0x80, $0x38;
	[tilespmem:$0x1C400] =	vst v63  }
.LBB2_4:
0xce: {  	_ =	swait.ge [sflag:s12], $0x80  }
0xcf: {  	[sflag:s12] =	ssyncset.done $0x0  }
0xd0: {  	[sflag:s12] =	ssyncadd.s32 $0xFFFFFF80  }
0xd1: {  	_ =	swait.ge [sflag:s12], $0x80  }
0xd2: {  	[sflag:s12] =	ssyncset.done $0x0  }
0xd3: {  	[sflag:s12] =	ssyncadd.s32 $0xFFFFFF80  }
0xd4: {  	_ =	swait.ge [sflag:s3], $0x4000  }
0xd5: {  	[sflag:s3] =	ssyncset.done $0x0  }
0xd6: {  	[sflag:s3] =	ssyncadd.s32 $0xFFFFC000  }
0xd7: {  	[tilespmem:s6], [sflag:$0x5] =	stream.indirect.gather [hbm4b:s1+s13], $0x80, s16, s13, $0xb8;
	[tilespmem:$0x1C400] =	vst v63  }
0xd8: {  	_ =	swait.ge [sflag:s4], $0x4000  }
0xd9: {  	[sflag:s4] =	ssyncset.done $0x0  }
0xda: {  	[sflag:s4] =	ssyncadd.s32 $0xFFFFC000  }
0xdb: {  	[spmem:s23] =	stream.indirect.scatter.add.f32 [tilespmem:s29], [sflag:$0x8], $0x80, s19, s13, $0xb8;
	[tilespmem:$0x1C400] =	vst v63  }
0xdc: {  	s9 =	sadd.s32 s8, s24  }
0xdd: {  	[tilespmem:s14], [sflag:$0x3] =	stream.linear.gather [hbm4b:s9+s2], $0x80, $0x38;
	[tilespmem:$0x1C400] =	vst v63  }
0xde: {  	s15 =	sadd.s32 s8, s22  }
0xdf: {  	[tilespmem:s26], [sflag:$0x3] =	stream.linear.gather [hbm4b:s15+s2], $0x80, $0x38;
	[tilespmem:$0x1C400] =	vst v63  }
0xe0: {  	_ =	swait.ge [sflag:s28], $0x80  }
0xe1: {  	[sflag:s28] =	ssyncset.done $0x0  }
0xe2: {  	[sflag:s28] =	ssyncadd.s32 $0xFFFFFF80  }
0xe3: {  	_ =	swait.ge [sflag:s28], $0x80  }
0xe4: {  	[sflag:s28] =	ssyncset.done $0x0  }
0xe5: {  	[sflag:s28] =	ssyncadd.s32 $0xFFFFFF80  }
0xe6: {  	_ =	swait.ge [sflag:s25], $0x4000  }
0xe7: {  	[sflag:s25] =	ssyncset.done $0x0  }
0xe8: {  	[sflag:s25] =	ssyncadd.s32 $0xFFFFC000  }
0xe9: {  	[tilespmem:s29], [sflag:$0x6] =	stream.indirect.gather [hbm4b:s1+s13], $0x80, s10, s13, $0xb8;
	[tilespmem:$0x1C400] =	vst v63  }
0xea: {  	_ =	swait.ge [sflag:s30], $0x4000  }
0xeb: {  	[sflag:s30] =	ssyncset.done $0x0  }
0xec: {  	[sflag:s30] =	ssyncadd.s32 $0xFFFFC000  }
0xed: {  	[spmem:s23] =	stream.indirect.scatter.add.f32 [tilespmem:s6], [sflag:$0x7], $0x80, s17, s13, $0xb8;
	[tilespmem:$0x1C400] =	vst v63  }
0xee: {  	s7 =	sadd.s32 s8, s21  }
0xef: {  	[tilespmem:s31], [sflag:$0x4] =	stream.linear.gather [hbm4b:s7+s2], $0x80, $0x38;
	[tilespmem:$0x1C400] =	vst v63  }
0xf0: {  	s15 =	sadd.s32 s8, s20  }
0xf1: {  	[tilespmem:s19], [sflag:$0x4] =	stream.linear.gather [hbm4b:s15+s2], $0x80, $0x38;
	[tilespmem:$0x1C400] =	vst v63  }
0xf2: {  	_ =	swait.ge [sflag:s0], $0x80  }
0xf3: {  	[sflag:s0] =	ssyncset.done $0x0  }
0xf4: {  	[sflag:s0] =	ssyncadd.s32 $0xFFFFFF80  }
0xf5: {  	_ =	swait.ge [sflag:s0], $0x80  }
0xf6: {  	[sflag:s0] =	ssyncset.done $0x0  }
0xf7: {  	[sflag:s0] =	ssyncadd.s32 $0xFFFFFF80  }
0xf8: {  	_ =	swait.ge [sflag:s3], $0x4000  }
0xf9: {  	[sflag:s3] =	ssyncset.done $0x0  }
0xfa: {  	[sflag:s3] =	ssyncadd.s32 $0xFFFFC000  }
0xfb: {  	[tilespmem:s6], [sflag:$0x5] =	stream.indirect.gather [hbm4b:s1+s13], $0x80, s14, s13, $0xb8;
	[tilespmem:$0x1C400] =	vst v63  }
0xfc: {  	_ =	swait.ge [sflag:s4], $0x4000  }
0xfd: {  	[sflag:s4] =	ssyncset.done $0x0  }
0xfe: {  	p0 =	seq.s32 s8, $0x480;
	[sflag:s4] =	ssyncadd.s32 $0xFFFFC000  }
0xff: {  	[spmem:s23] =	stream.indirect.scatter.add.f32 [tilespmem:s29], [sflag:$0x8], $0x80, s11, s13, $0xb8;
	[tilespmem:$0x1C400] =	vst v63  }
0x100: {  	s9 =	sadd.s32 @!p0 s8, s18;
	s7 =	simm.s32 @!p0 $0x0;
	s15 =	simm.s32 @!p0 $0x14000  }
0x101: {  	[tilespmem:s15], [sflag:$0x1] =	stream.linear.gather @!p0 [hbm4b:s9+s7], $0x80, $0x38;
	[tilespmem:$0x1C400] =	vst v63  }
0x102: {  	s9 =	rddreg [dreg:$0x1d]  }
0x103: {  	s15 =	simm.s32 @!p0 $0x14080;
	s9 =	sadd.s32 @!p0 s8, s9  }
0x104: {  	[tilespmem:s15], [sflag:$0x1] =	stream.linear.gather @!p0 [hbm4b:s9+s7], $0x80, $0x38;
	[tilespmem:$0x1C400] =	vst v63  }
0x105: {  	_ =	swait.ge [sflag:s5], $0x80  }
0x106: {  	[sflag:s5] =	ssyncset.done $0x0  }
0x107: {  	[sflag:s5] =	ssyncadd.s32 $0xFFFFFF80  }
0x108: {  	_ =	swait.ge [sflag:s5], $0x80  }
0x109: {  	[sflag:s5] =	ssyncset.done $0x0  }
0x10a: {  	[sflag:s5] =	ssyncadd.s32 $0xFFFFFF80  }
0x10b: {  	_ =	swait.ge [sflag:s25], $0x4000  }
0x10c: {  	[sflag:s25] =	ssyncset.done $0x0  }
0x10d: {  	[sflag:s25] =	ssyncadd.s32 $0xFFFFC000  }
0x10e: {  	[tilespmem:s29], [sflag:$0x6] =	stream.indirect.gather [hbm4b:s1+s13], $0x80, s31, s13, $0xb8;
	[tilespmem:$0x1C400] =	vst v63  }
.Ltmp3:
0x10f: {  	_ = 	snop;
	(pc) =	sbr.rel @p0 .LBB2_6-.Ltmp3, $4  }
0x110: {  	_ =	swait.ge [sflag:s30], $0x4000  }
0x111: {  	[sflag:s30] =	ssyncset.done $0x0  }
0x112: {  	[sflag:s30] =	ssyncadd.s32 $0xFFFFC000  }
0x113: {  	[spmem:s23] =	stream.indirect.scatter.add.f32 [tilespmem:s6], [sflag:$0x7], $0x80, s26, s13, $0xb8;
	[tilespmem:$0x1C400] =	vst v63  }
.Ltmp4:
0x114: {  	s7 =	rddreg [dreg:$0x1c];
	(pc) =	sbr.rel .LBB2_4-.Ltmp4, $4  }
0x115: {  	s15 =	rddreg [dreg:$0x10];
	s7 =	sadd.s32 s8, s7  }
0x116: {  	[tilespmem:s10], [sflag:$0x2] =	stream.linear.gather [hbm4b:s7+s2], $0x80, $0x38;
	[tilespmem:$0x1C400] =	vst v63  }
0x117: {  	s7 =	sadd.s32 s8, s15;
	s8 =	sadd.s32 $0x40, s8  }
0x118: {  	[tilespmem:s11], [sflag:$0x2] =	stream.linear.gather [hbm4b:s7+s2], $0x80, $0x38;
	[tilespmem:$0x1C400] =	vst v63  }
.LBB2_7:
0x119: {  	_ =	sfence.sel $0x180000  }
0x11a: {  	[bflag:$0x0] =	sbarrier.arrive $0xFFFF  }
0x11b: {  	_ =	strace $0x9000004A  }
0x11c: {  	s0 =	stileid.u32;
	[bflag:$0x2] =	sbarrier.arrive $0xFFFF  }
0x11d: {  	p0 =	sne.s32 s0, $0x0;
	s0 =	rddreg [dreg:$0x3]  }
0x11e: {  	s0 =	sadd.s32 @!p0 $0x100000, s0  }
0x11f: {  	[sflag:s0] =	ssyncadd.tile.s32 @!p0 $0x1;
	_ =	shalt  }
.Lfunc_end2:
_tile_overlayer_lowered:
.L_overlay_start_2:
0x120: {  	(tag) =	ssettag $0x2  }
0x121: {  	s0 =	rddreg [dreg:$0x0];
	s2 =	stileid.u32  }
0x122: {  	s1 =	rddreg [dreg:$0x1];
	p0 =	sne.s32 s2, $0x0  }
0x123: {  	s3 =	rddreg [dreg:$0x2];
	[bflag:$0x3] =	sbarrier.arrive $0xFFFF;
	s2 =	simm.s32 @!p0 $0x1C09  }
0x124: {  	[timem:s3], [sflag:s2] =	dma.local @!p0 [hbm:s0], s1  }
0x125: {  	s0 =	simm.s32 @!p0 $0x9  }
0x126: {  	_ =	swait.ge @!p0 [sflag:s0], s1  }
0x127: {  	s1 =	ssub.s32 @!p0 $0x0, s1;
	[sflag:s0] =	ssyncset.done @!p0 $0x0  }
0x128: {  	[sflag:s0] =	ssyncadd.s32 @!p0 s1  }
0x129: {  	[bflag:$0x3] =	sbarrier.arrive $0xFFFF  }
0x12a: {  	_ =	shalt  }

</sc_bundles>
